<compile_context>
chip_gen: v7x
topology: tpu7x:2x2x1
jax: 0.10.2.dev20260603
libtpu: 0.0.44.dev20260713+nightly
codegen_flags: <defaults>
</compile_context>

<pallas_src>
import functools

import jax
import jax.numpy as jnp
from jax import lax
from jax.experimental import pallas as pl
from jax.experimental.pallas import tpu as pltpu
from jax.experimental.pallas import tpu_sc as plsc

K_NEIGHBORS = 16
ALPHA = 0.2
EPS = 1e-5

_SC_CORES = 2
_SC_SUBCORES = 16
_SC_ROWS_PER_CHUNK = 512


def _knn_kernel(points_ref, pt_ref, xt_ref, w1t_ref, wdt_ref,
                idx_ref, y1t_ref, y2t_ref):
    b = pl.program_id(0)
    t = pl.program_id(1)
    T = pt_ref.shape[1]
    N = points_ref.shape[2]
    k = K_NEIGHBORS

    @pl.when(t == 0)
    def _():
        xt = xt_ref[0]
        y1t_ref[0] = jnp.dot(xt, w1t_ref[...], preferred_element_type=jnp.float32)
        y2t_ref[0] = jnp.dot(xt, wdt_ref[...], preferred_element_type=jnp.float32)

    p_all = points_ref[0]
    p_t = pt_ref[0]
    xx_all = jnp.sum(p_all * p_all, axis=0, keepdims=True)
    xx_t = jnp.sum(p_t * p_t, axis=1, keepdims=True)
    inner = jnp.dot(p_t, p_all, preferred_element_type=jnp.float32)
    work = 2.0 * inner - xx_t - xx_all

    nb = (N - 1).bit_length()
    lo = jnp.int32((1 << nb) - 1)
    bits = jax.lax.bitcast_convert_type(work, jnp.int32)
    mono = jnp.where(bits < 0,
                     jnp.bitwise_not(bits) ^ jnp.int32(-2**31), bits)
    lane = jax.lax.broadcasted_iota(jnp.int32, (T, N), 1)
    key = (mono & jnp.bitwise_not(lo)) | (lo - lane)

    minint = jnp.iinfo(jnp.int32).min
    row_base = b * N
    node = t * T + jax.lax.broadcasted_iota(jnp.int32, (T, 1), 0)
    key = jnp.where(lane == node, minint, key)

    F = 128
    DEPTH = 4
    cms = []
    for d in range(DEPTH):
        h = key
        w = N
        while w > F:
            w //= 2
            h = jnp.maximum(h[:, :w], h[:, w:2 * w])
        cms.append(h)
        if d < DEPTH - 1:
            segs = []
            for c in range(N // F):
                ks = key[:, c * F:(c + 1) * F]
                segs.append(jnp.where(ks == h, minint, ks))
            key = jnp.concatenate(segs, axis=1)

    wm = cms[0]
    cnt = jnp.zeros((T, F), jnp.int32)
    chi = jax.lax.broadcasted_iota(jnp.int32, (T, F), 1)
    cols = [row_base + node]
    for j in range(1, k):
        m = jnp.max(wm, axis=1, keepdims=True)
        lane_w = lo - (m & lo)
        cols.append(row_base + lane_w)
        if j < k - 1:
            oh = chi == (lane_w & (F - 1))
            cnt = cnt + oh.astype(jnp.int32)
            nv = jnp.where(cnt == 1, cms[1],
                           jnp.where(cnt == 2, cms[2],
                                     jnp.where(cnt == 3, cms[3], minint)))
            wm = jnp.where(oh, nv, wm)
    idx_ref[0] = jnp.concatenate(cols, axis=1)


def _sc_gather_body(gidx_hbm, y1flat_hbm, e_hbm, idx_v, rows_v, gsem, wsem):
    c = lax.axis_index("c")
    s = lax.axis_index("s")
    wid = s * _SC_CORES + c
    per_w = idx_v.shape[0]
    base = wid * per_w
    pltpu.sync_copy(gidx_hbm.at[pl.ds(base, per_w)], idx_v)
    R = _SC_ROWS_PER_CHUNK
    nch = per_w // R
    gathers = []
    wbs = []
    for i in range(nch):
        buf = i % 2
        if i >= 2:
            wbs[i - 2].wait()
        gathers.append(pltpu.async_copy(
            y1flat_hbm.at[idx_v.at[pl.ds(i * R, R)]], rows_v.at[buf], gsem))
        if i >= 1:
            gathers[i - 1].wait()
            wbs.append(pltpu.async_copy(
                rows_v.at[(i - 1) % 2], e_hbm.at[pl.ds(base + (i - 1) * R, R)],
                wsem))
    gathers[nch - 1].wait()
    wbs.append(pltpu.async_copy(
        rows_v.at[(nch - 1) % 2], e_hbm.at[pl.ds(base + (nch - 1) * R, R)],
        wsem))
    wbs[nch - 2].wait()
    wbs[nch - 1].wait()


def _stats_kernel(e_ref, y2t_ref, sums_ref, sumsq_ref):
    @pl.when(jnp.logical_and(pl.program_id(0) == 0, pl.program_id(1) == 0))
    def _():
        sums_ref[...] = jnp.zeros_like(sums_ref)
        sumsq_ref[...] = jnp.zeros_like(sumsq_ref)

    z = e_ref[0] + y2t_ref[0][:, None, :]
    C = z.shape[-1]
    sums_ref[...] += jnp.sum(z, axis=(0, 1)).reshape(1, C)
    sumsq_ref[...] += jnp.sum(z * z, axis=(0, 1)).reshape(1, C)


def _bn_act_mean_kernel(e_ref, y2t_ref, sums_ref, sumsq_ref, gamma_ref,
                        beta_ref, nedges_ref, out_ref):
    k = e_ref.shape[2]
    cnt = nedges_ref[0, 0]
    mean = jnp.sum(sums_ref[...], axis=0, keepdims=True) / cnt
    var = jnp.sum(sumsq_ref[...], axis=0, keepdims=True) / cnt - mean * mean
    rstd = jax.lax.rsqrt(var + EPS)
    scale = gamma_ref[...] * rstd
    shift = beta_ref[...] - mean * scale

    z = e_ref[0] + y2t_ref[0][:, None, :]
    z = z * scale[0][None, None, :] + shift[0][None, None, :]
    z = jnp.where(z >= 0, z, ALPHA * z)
    out_ref[0] = jnp.sum(z, axis=1) / k


def kernel(points, x, W, gamma, beta):
    B, D, N = x.shape
    C = W.shape[0]
    k = K_NEIGHBORS
    T = 256 if N % 256 == 0 else 128

    xt = jnp.transpose(x, (0, 2, 1))
    pt = jnp.transpose(points, (0, 2, 1))
    W1 = W[:, :D]
    W2 = W[:, D:]
    w1t = jnp.transpose(W1)
    wdt = jnp.transpose(W2 - W1)

    halves = [(0, B // 2), (B // 2, B)] if B > 1 else [(0, B)]
    nw = _SC_CORES * _SC_SUBCORES
    mesh = plsc.VectorSubcoreMesh(
        core_axis_name="c", subcore_axis_name="s",
        num_cores=_SC_CORES, num_subcores=_SC_SUBCORES)

    parts = []
    for (s0, s1) in halves:
        Bh = s1 - s0
        gidx, y1t, y2t = pl.pallas_call(
            _knn_kernel,
            grid=(Bh, N // T),
            in_specs=[
                pl.BlockSpec((1, points.shape[1], N), lambda b, t: (b, 0, 0)),
                pl.BlockSpec((1, T, points.shape[1]), lambda b, t: (b, t, 0)),
                pl.BlockSpec((1, N, D), lambda b, t: (b, 0, 0)),
                pl.BlockSpec((D, C), lambda b, t: (0, 0)),
                pl.BlockSpec((D, C), lambda b, t: (0, 0)),
            ],
            out_specs=[
                pl.BlockSpec((1, T, k), lambda b, t: (b, t, 0)),
                pl.BlockSpec((1, N, C), lambda b, t: (b, 0, 0)),
                pl.BlockSpec((1, N, C), lambda b, t: (b, 0, 0)),
            ],
            out_shape=[
                jax.ShapeDtypeStruct((Bh, N, k), jnp.int32),
                jax.ShapeDtypeStruct((Bh, N, C), jnp.float32),
                jax.ShapeDtypeStruct((Bh, N, C), jnp.float32),
            ],
        )(points[s0:s1], pt[s0:s1], xt[s0:s1], w1t, wdt)

        total = Bh * N * k
        sc_gather = pl.kernel(
            _sc_gather_body,
            out_type=jax.ShapeDtypeStruct((total, C), jnp.float32),
            mesh=mesh,
            compiler_params=pltpu.CompilerParams(use_tc_tiling_on_sc=False),
            scratch_types=[
                pltpu.VMEM((total // nw,), jnp.int32),
                pltpu.VMEM((2, _SC_ROWS_PER_CHUNK, C), jnp.float32),
                pltpu.SemaphoreType.DMA,
                pltpu.SemaphoreType.DMA,
            ],
        )
        e = sc_gather(gidx.reshape(total),
                      y1t.reshape(Bh * N, C)).reshape(Bh, N, k, C)
        parts.append((Bh, e, y2t))

    stat_parts = []
    for (Bh, e, y2t) in parts:
        sums_h, sumsq_h = pl.pallas_call(
            _stats_kernel,
            grid=(Bh, N // T),
            in_specs=[
                pl.BlockSpec((1, T, k, C), lambda b, t: (b, t, 0, 0)),
                pl.BlockSpec((1, T, C), lambda b, t: (b, t, 0)),
            ],
            out_specs=[
                pl.BlockSpec((1, C), lambda b, t: (0, 0)),
                pl.BlockSpec((1, C), lambda b, t: (0, 0)),
            ],
            out_shape=[
                jax.ShapeDtypeStruct((1, C), jnp.float32),
                jax.ShapeDtypeStruct((1, C), jnp.float32),
            ],
        )(e, y2t)
        stat_parts.append((sums_h, sumsq_h))

    H = len(parts)
    sums = jnp.concatenate([sp[0] for sp in stat_parts], axis=0)
    sumsq = jnp.concatenate([sp[1] for sp in stat_parts], axis=0)
    nedges = jnp.full((1, 1), float(B * N * k), dtype=jnp.float32)

    outs = []
    for (Bh, e, y2t) in parts:
        out_h = pl.pallas_call(
            _bn_act_mean_kernel,
            grid=(Bh, N // T),
            in_specs=[
                pl.BlockSpec((1, T, k, C), lambda b, t: (b, t, 0, 0)),
                pl.BlockSpec((1, T, C), lambda b, t: (b, t, 0)),
                pl.BlockSpec((H, C), lambda b, t: (0, 0)),
                pl.BlockSpec((H, C), lambda b, t: (0, 0)),
                pl.BlockSpec((1, C), lambda b, t: (0, 0)),
                pl.BlockSpec((1, C), lambda b, t: (0, 0)),
                pl.BlockSpec((1, 1), lambda b, t: (0, 0),
                             memory_space=pltpu.SMEM),
            ],
            out_specs=pl.BlockSpec((1, T, C), lambda b, t: (b, t, 0)),
            out_shape=jax.ShapeDtypeStruct((Bh, N, C), jnp.float32),
        )(e, y2t, sums, sumsq, gamma.reshape(1, C), beta.reshape(1, C),
          nedges)
        outs.append(out_h)

    out_t = jnp.concatenate(outs, axis=0)
    return jnp.transpose(out_t, (0, 2, 1))

# --- scband reference (transcript-rebuilt; emitter-appended) ---
"""Pipeline reference for scband-mod-edge-conv-11630771437590 (READ-ONLY COPY).

The authoritative reference and input builder live on the scoring server;
editing this copy changes nothing except your own understanding.
"""

import jax, jax.numpy as jnp
import numpy as np

K_NEIGHBORS = 16
ALPHA = 0.2
EPS = 1e-5


def knn(points, k):
    # points: [B, F, N] -> idx: [B, N, k] (indices of k nearest neighbors, DGCNN convention)
    inner = -2.0 * jnp.einsum('bfn,bfm->bnm', points, points)
    xx = jnp.sum(points ** 2, axis=1)  # [B, N]
    pairwise = -xx[:, :, None] - inner - xx[:, None, :]  # negative squared distance
    idx = jax.lax.top_k(pairwise, k)[1]  # [B, N, k]
    return idx


def setup_inputs(seed: int = 0) -> dict:
    key = jax.random.key(seed)
    k1, k2, k3 = jax.random.split(key, 3)
    B, F, D, N = 4, 3, 64, 4096
    C_out = 64
    points = jax.random.normal(k1, (B, F, N), dtype=jnp.float32)
    x = jax.random.normal(k2, (B, D, N), dtype=jnp.float32)
    # 1x1 Conv2d weight: [out_channels, in_channels=2D] (kernel=1, no bias)
    W = jax.random.normal(k3, (C_out, 2 * D), dtype=jnp.float32) * 0.05
    gamma = jnp.ones((C_out,), dtype=jnp.float32)
    beta = jnp.zeros((C_out,), dtype=jnp.float32)
    return {"points": points, "x": x, "W": W, "gamma": gamma, "beta": beta}


def reference(points, x, W, gamma, beta):
    k = K_NEIGHBORS
    B, D, N = x.shape
    # get_graph_feature
    idx = knn(points, k)  # [B, N, k]
    xt = jnp.transpose(x, (0, 2, 1))  # [B, N, D]
    feature = jax.vmap(lambda xb, ib: xb[ib])(xt, idx)  # [B, N, k, D] gather
    center = jnp.broadcast_to(xt[:, :, None, :], feature.shape)  # [B, N, k, D]
    feat = jnp.concatenate([feature - center, center], axis=3)  # [B, N, k, 2D]
    feat = jnp.transpose(feat, (0, 3, 1, 2))  # [B, 2D, N, k]
    # ConvBlock2D: 1x1 conv (no bias) -> batchnorm -> leaky_relu
    out = jnp.einsum('oc,bcnk->bonk', W, feat)  # [B, C_out, N, k]
    mean = jnp.mean(out, axis=(0, 2, 3), keepdims=True)
    var = jnp.var(out, axis=(0, 2, 3), keepdims=True)
    out = (out - mean) / jnp.sqrt(var + EPS)
    out = out * gamma[None, :, None, None] + beta[None, :, None, None]
    out = jnp.where(out >= 0, out, ALPHA * out)  # leaky relu
    # aggregation == 'sum'
    out = jnp.sum(out, axis=-1) / k  # [B, C_out, N]
    return out

if __name__ == "__main__":
    import jax
    _d = setup_inputs()
    print(jax.jit(kernel)(*tuple(_d.values())))

</pallas_src>

<mosaic_0001>
#map = affine_map<(d0, d1) -> (0)>
#map1 = affine_map<(d0, d1) -> (0, 0)>
module attributes {stable_mosaic.version = 14 : i64} {
  func.func @_sc_gather_body(%arg0: i32, %arg1: i32, %arg2: memref<131072xi32, #tpu.memory_space<hbm>>, %arg3: memref<8192x64xf32, #tpu.memory_space<hbm>>, %arg4: memref<131072x64xf32, #tpu.memory_space<hbm>>, %arg5: memref<4096xi32, #tpu.memory_space<vmem>>, %arg6: memref<2x512x64xf32, #tpu.memory_space<vmem>>, %arg7: memref<!tpu.dma_semaphore, #tpu.memory_space<semaphore_mem>>, %arg8: memref<!tpu.dma_semaphore, #tpu.memory_space<semaphore_mem>>) attributes {dimension_semantics = [#tpu.dimension_semantics<core_parallel>, #tpu.dimension_semantics<subcore_parallel>], iteration_bounds = array<i64: 2, 16>, scalar_prefetch = 0 : i64, scratch_operands = 4 : i64, tpu.core_type = #tpu.core_type<sc_vector_subcore>, window_params = [{transform_indices = #map}, {transform_indices = #map1}, {transform_indices = #map1}]} {
    %mul3A = arith.constant 2 : i32
    %mul3A_0 = arith.muli %arg1, %mul3A : i32
    %add3A = arith.addi %mul3A_0, %arg0 : i32
    %mul3A_1 = arith.constant 4096 : i32
    %mul3A_2 = arith.muli %add3A, %mul3A_1 : i32
    "tpu.region"() ({
      %run_scoped3A = tpu.sem_alloc : memref<!tpu.dma_semaphore, #tpu.memory_space<semaphore_mem>>
      %dma_start3A_385 = tpu.memref_slice %arg2[%mul3A_2] : memref<131072xi32, #tpu.memory_space<hbm>> -> memref<4096xi32, #tpu.memory_space<hbm>>
      %dma_start3A_386 = tpu.memref_slice %arg2[%mul3A_2] : memref<131072xi32, #tpu.memory_space<hbm>> -> memref<4096xi32, #tpu.memory_space<hbm>>
      tpu.enqueue_dma source(%dma_start3A_386 : memref<4096xi32, #tpu.memory_space<hbm>>) target(%arg5 : memref<4096xi32, #tpu.memory_space<vmem>>) target_semaphore(%run_scoped3A : memref<!tpu.dma_semaphore, #tpu.memory_space<semaphore_mem>>)
      %dma_wait3A_387 = tpu.memref_slice %arg2[%mul3A_2] : memref<131072xi32, #tpu.memory_space<hbm>> -> memref<4096xi32, #tpu.memory_space<hbm>>
      %dma_wait3A_388 = tpu.memref_slice %arg2[%mul3A_2] : memref<131072xi32, #tpu.memory_space<hbm>> -> memref<4096xi32, #tpu.memory_space<hbm>>
      tpu.wait_dma2 semaphore(%run_scoped3A : memref<!tpu.dma_semaphore, #tpu.memory_space<semaphore_mem>>) src(%dma_wait3A_388 : memref<4096xi32, #tpu.memory_space<hbm>>) dst(%arg5 : memref<4096xi32, #tpu.memory_space<vmem>>)
      tpu.yield
    }) : () -> ()
    %dma_start3A = arith.constant 0 : i32
    %dma_start3A_3 = arith.constant 0 : i32
    %dma_start3A_4 = arith.constant 0 : i32
    %dma_start3A_5 = tpu.memref_slice %arg6[%dma_start3A, %dma_start3A_3, %dma_start3A_4] : memref<2x512x64xf32, #tpu.memory_space<vmem>> -> memref<1x512x64xf32, #tpu.memory_space<vmem>>
    %dma_start3A_6 = tpu.memref_squeeze %dma_start3A_5 : memref<1x512x64xf32, #tpu.memory_space<vmem>> -> memref<512x64xf32, #tpu.memory_space<vmem>>
    %dma_start3A_7 = arith.constant 0 : i32
    %dma_start3A_8 = tpu.memref_slice %arg5[%dma_start3A_7] : memref<4096xi32, #tpu.memory_space<vmem>> -> memref<512xi32, #tpu.memory_space<vmem>>
    %dma_start3A_9 = arith.constant 0 : i32
    %dma_start3A_10 = arith.constant 0 : i32
    %dma_start3A_11 = tpu.memref_slice %arg3[%dma_start3A_9, %dma_start3A_10] : memref<8192x64xf32, #tpu.memory_space<hbm>> -> memref<8192x64xf32, #tpu.memory_space<hbm>>
    tpu.enqueue_indirect_dma source(%dma_start3A_11 : memref<8192x64xf32, #tpu.memory_space<hbm>>) target(%dma_start3A_6 : memref<512x64xf32, #tpu.memory_space<vmem>>) offsets(%dma_start3A_8 : memref<512xi32, #tpu.memory_space<vmem>>) semaphore(%arg7 : memref<!tpu.dma_semaphore, #tpu.memory_space<semaphore_mem>>)
    %dma_start3A_12 = arith.constant 1 : i32
    %dma_start3A_13 = arith.constant 0 : i32
    %dma_start3A_14 = arith.constant 0 : i32
    %dma_start3A_15 = tpu.memref_slice %arg6[%dma_start3A_12, %dma_start3A_13, %dma_start3A_14] : memref<2x512x64xf32, #tpu.memory_space<vmem>> -> memref<1x512x64xf32, #tpu.memory_space<vmem>>
    %dma_start3A_16 = tpu.memref_squeeze %dma_start3A_15 : memref<1x512x64xf32, #tpu.memory_space<vmem>> -> memref<512x64xf32, #tpu.memory_space<vmem>>
    %dma_start3A_17 = arith.constant 512 : i32
    %dma_start3A_18 = tpu.memref_slice %arg5[%dma_start3A_17] : memref<4096xi32, #tpu.memory_space<vmem>> -> memref<512xi32, #tpu.memory_space<vmem>>
    %dma_start3A_19 = arith.constant 0 : i32
    %dma_start3A_20 = arith.constant 0 : i32
    %dma_start3A_21 = tpu.memref_slice %arg3[%dma_start3A_19, %dma_start3A_20] : memref<8192x64xf32, #tpu.memory_space<hbm>> -> memref<8192x64xf32, #tpu.memory_space<hbm>>
    tpu.enqueue_indirect_dma source(%dma_start3A_21 : memref<8192x64xf32, #tpu.memory_space<hbm>>) target(%dma_start3A_16 : memref<512x64xf32, #tpu.memory_space<vmem>>) offsets(%dma_start3A_18 : memref<512xi32, #tpu.memory_space<vmem>>) semaphore(%arg7 : memref<!tpu.dma_semaphore, #tpu.memory_space<semaphore_mem>>)
    %dma_wait3A = arith.constant 0 : i32
    %dma_wait3A_22 = arith.constant 0 : i32
    %dma_wait3A_23 = arith.constant 0 : i32
    %dma_wait3A_24 = tpu.memref_slice %arg6[%dma_wait3A, %dma_wait3A_22, %dma_wait3A_23] : memref<2x512x64xf32, #tpu.memory_space<vmem>> -> memref<1x512x64xf32, #tpu.memory_space<vmem>>
    %dma_wait3A_25 = tpu.memref_squeeze %dma_wait3A_24 : memref<1x512x64xf32, #tpu.memory_space<vmem>> -> memref<512x64xf32, #tpu.memory_space<vmem>>
    %dma_wait3A_26 = arith.constant 0 : i32
    %dma_wait3A_27 = tpu.memref_slice %arg5[%dma_wait3A_26] : memref<4096xi32, #tpu.memory_space<vmem>> -> memref<512xi32, #tpu.memory_space<vmem>>
    %dma_wait3A_28 = arith.constant 0 : i32
    %dma_wait3A_29 = arith.constant 0 : i32
    %dma_wait3A_30 = tpu.memref_slice %arg3[%dma_wait3A_28, %dma_wait3A_29] : memref<8192x64xf32, #tpu.memory_space<hbm>> -> memref<8192x64xf32, #tpu.memory_space<hbm>>
    tpu.wait_indirect_dma semaphore(%arg7 : memref<!tpu.dma_semaphore, #tpu.memory_space<semaphore_mem>>) src(%dma_wait3A_30 : memref<8192x64xf32, #tpu.memory_space<hbm>>) dst(%dma_wait3A_25 : memref<512x64xf32, #tpu.memory_space<vmem>>)
    %add3A_31 = arith.constant 0 : i32
    %add3A_32 = arith.addi %mul3A_2, %add3A_31 : i32
    %dma_start3A_33 = arith.constant 0 : i32
    %dma_start3A_34 = arith.constant 0 : i32
    %dma_start3A_35 = arith.constant 0 : i32
    %dma_start3A_36 = tpu.memref_slice %arg6[%dma_start3A_33, %dma_start3A_34, %dma_start3A_35] : memref<2x512x64xf32, #tpu.memory_space<vmem>> -> memref<1x512x64xf32, #tpu.memory_space<vmem>>
    %dma_start3A_37 = tpu.memref_squeeze %dma_start3A_36 : memref<1x512x64xf32, #tpu.memory_space<vmem>> -> memref<512x64xf32, #tpu.memory_space<vmem>>
    %dma_start3A_38 = arith.constant 0 : i32
    %dma_start3A_39 = tpu.memref_slice %arg4[%add3A_32, %dma_start3A_38] : memref<131072x64xf32, #tpu.memory_space<hbm>> -> memref<512x64xf32, #tpu.memory_space<hbm>>
    %dma_start3A_40 = arith.constant 0 : i32
    %dma_start3A_41 = tpu.memref_slice %arg4[%add3A_32, %dma_start3A_40] : memref<131072x64xf32, #tpu.memory_space<hbm>> -> memref<512x64xf32, #tpu.memory_space<hbm>>
    %dma_start3A_42 = arith.constant 0 : i32
    %dma_start3A_43 = arith.constant 0 : i32
    %dma_start3A_44 = tpu.memref_slice %arg6[%dma_start3A_33, %dma_start3A_42, %dma_start3A_43] : memref<2x512x64xf32, #tpu.memory_space<vmem>> -> memref<1x512x64xf32, #tpu.memory_space<vmem>>
    %dma_start3A_45 = tpu.memref_squeeze %dma_start3A_44 : memref<1x512x64xf32, #tpu.memory_space<vmem>> -> memref<512x64xf32, #tpu.memory_space<vmem>>
    tpu.enqueue_dma source(%dma_start3A_45 : memref<512x64xf32, #tpu.memory_space<vmem>>) target(%dma_start3A_41 : memref<512x64xf32, #tpu.memory_space<hbm>>) target_semaphore(%arg8 : memref<!tpu.dma_semaphore, #tpu.memory_space<semaphore_mem>>)
    %dma_wait3A_46 = arith.constant 0 : i32
    %dma_wait3A_47 = arith.constant 0 : i32
    %dma_wait3A_48 = arith.constant 0 : i32
    %dma_wait3A_49 = tpu.memref_slice %arg6[%dma_wait3A_46, %dma_wait3A_47, %dma_wait3A_48] : memref<2x512x64xf32, #tpu.memory_space<vmem>> -> memref<1x512x64xf32, #tpu.memory_space<vmem>>
    %dma_wait3A_50 = tpu.memref_squeeze %dma_wait3A_49 : memref<1x512x64xf32, #tpu.memory_space<vmem>> -> memref<512x64xf32, #tpu.memory_space<vmem>>
    %dma_wait3A_51 = arith.constant 0 : i32
    %dma_wait3A_52 = tpu.memref_slice %arg4[%add3A_32, %dma_wait3A_51] : memref<131072x64xf32, #tpu.memory_space<hbm>> -> memref<512x64xf32, #tpu.memory_space<hbm>>
    %dma_wait3A_53 = arith.constant 0 : i32
    %dma_wait3A_54 = tpu.memref_slice %arg4[%add3A_32, %dma_wait3A_53] : memref<131072x64xf32, #tpu.memory_space<hbm>> -> memref<512x64xf32, #tpu.memory_space<hbm>>
    %dma_wait3A_55 = arith.constant 0 : i32
    %dma_wait3A_56 = arith.constant 0 : i32
    %dma_wait3A_57 = tpu.memref_slice %arg6[%dma_wait3A_46, %dma_wait3A_55, %dma_wait3A_56] : memref<2x512x64xf32, #tpu.memory_space<vmem>> -> memref<1x512x64xf32, #tpu.memory_space<vmem>>
    %dma_wait3A_58 = tpu.memref_squeeze %dma_wait3A_57 : memref<1x512x64xf32, #tpu.memory_space<vmem>> -> memref<512x64xf32, #tpu.memory_space<vmem>>
    tpu.wait_dma2 semaphore(%arg8 : memref<!tpu.dma_semaphore, #tpu.memory_space<semaphore_mem>>) src(%dma_wait3A_58 : memref<512x64xf32, #tpu.memory_space<vmem>>) dst(%dma_wait3A_54 : memref<512x64xf32, #tpu.memory_space<hbm>>)
    %dma_start3A_59 = arith.constant 0 : i32
    %dma_start3A_60 = arith.constant 0 : i32
    %dma_start3A_61 = arith.constant 0 : i32
    %dma_start3A_62 = tpu.memref_slice %arg6[%dma_start3A_59, %dma_start3A_60, %dma_start3A_61] : memref<2x512x64xf32, #tpu.memory_space<vmem>> -> memref<1x512x64xf32, #tpu.memory_space<vmem>>
    %dma_start3A_63 = tpu.memref_squeeze %dma_start3A_62 : memref<1x512x64xf32, #tpu.memory_space<vmem>> -> memref<512x64xf32, #tpu.memory_space<vmem>>
    %dma_start3A_64 = arith.constant 1024 : i32
    %dma_start3A_65 = tpu.memref_slice %arg5[%dma_start3A_64] : memref<4096xi32, #tpu.memory_space<vmem>> -> memref<512xi32, #tpu.memory_space<vmem>>
    %dma_start3A_66 = arith.constant 0 : i32
    %dma_start3A_67 = arith.constant 0 : i32
    %dma_start3A_68 = tpu.memref_slice %arg3[%dma_start3A_66, %dma_start3A_67] : memref<8192x64xf32, #tpu.memory_space<hbm>> -> memref<8192x64xf32, #tpu.memory_space<hbm>>
    tpu.enqueue_indirect_dma source(%dma_start3A_68 : memref<8192x64xf32, #tpu.memory_space<hbm>>) target(%dma_start3A_63 : memref<512x64xf32, #tpu.memory_space<vmem>>) offsets(%dma_start3A_65 : memref<512xi32, #tpu.memory_space<vmem>>) semaphore(%arg7 : memref<!tpu.dma_semaphore, #tpu.memory_space<semaphore_mem>>)
    %dma_wait3A_69 = arith.constant 1 : i32
    %dma_wait3A_70 = arith.constant 0 : i32
    %dma_wait3A_71 = arith.constant 0 : i32
    %dma_wait3A_72 = tpu.memref_slice %arg6[%dma_wait3A_69, %dma_wait3A_70, %dma_wait3A_71] : memref<2x512x64xf32, #tpu.memory_space<vmem>> -> memref<1x512x64xf32, #tpu.memory_space<vmem>>
    %dma_wait3A_73 = tpu.memref_squeeze %dma_wait3A_72 : memref<1x512x64xf32, #tpu.memory_space<vmem>> -> memref<512x64xf32, #tpu.memory_space<vmem>>
    %dma_wait3A_74 = arith.constant 512 : i32
    %dma_wait3A_75 = tpu.memref_slice %arg5[%dma_wait3A_74] : memref<4096xi32, #tpu.memory_space<vmem>> -> memref<512xi32, #tpu.memory_space<vmem>>
    %dma_wait3A_76 = arith.constant 0 : i32
    %dma_wait3A_77 = arith.constant 0 : i32
    %dma_wait3A_78 = tpu.memref_slice %arg3[%dma_wait3A_76, %dma_wait3A_77] : memref<8192x64xf32, #tpu.memory_space<hbm>> -> memref<8192x64xf32, #tpu.memory_space<hbm>>
    tpu.wait_indirect_dma semaphore(%arg7 : memref<!tpu.dma_semaphore, #tpu.memory_space<semaphore_mem>>) src(%dma_wait3A_78 : memref<8192x64xf32, #tpu.memory_space<hbm>>) dst(%dma_wait3A_73 : memref<512x64xf32, #tpu.memory_space<vmem>>)
    %add3A_79 = arith.constant 512 : i32
    %add3A_80 = arith.addi %mul3A_2, %add3A_79 : i32
    %dma_start3A_81 = arith.constant 1 : i32
    %dma_start3A_82 = arith.constant 0 : i32
    %dma_start3A_83 = arith.constant 0 : i32
    %dma_start3A_84 = tpu.memref_slice %arg6[%dma_start3A_81, %dma_start3A_82, %dma_start3A_83] : memref<2x512x64xf32, #tpu.memory_space<vmem>> -> memref<1x512x64xf32, #tpu.memory_space<vmem>>
    %dma_start3A_85 = tpu.memref_squeeze %dma_start3A_84 : memref<1x512x64xf32, #tpu.memory_space<vmem>> -> memref<512x64xf32, #tpu.memory_space<vmem>>
    %dma_start3A_86 = arith.constant 0 : i32
    %dma_start3A_87 = tpu.memref_slice %arg4[%add3A_80, %dma_start3A_86] : memref<131072x64xf32, #tpu.memory_space<hbm>> -> memref<512x64xf32, #tpu.memory_space<hbm>>
    %dma_start3A_88 = arith.constant 0 : i32
    %dma_start3A_89 = tpu.memref_slice %arg4[%add3A_80, %dma_start3A_88] : memref<131072x64xf32, #tpu.memory_space<hbm>> -> memref<512x64xf32, #tpu.memory_space<hbm>>
    %dma_start3A_90 = arith.constant 0 : i32
    %dma_start3A_91 = arith.constant 0 : i32
    %dma_start3A_92 = tpu.memref_slice %arg6[%dma_start3A_81, %dma_start3A_90, %dma_start3A_91] : memref<2x512x64xf32, #tpu.memory_space<vmem>> -> memref<1x512x64xf32, #tpu.memory_space<vmem>>
    %dma_start3A_93 = tpu.memref_squeeze %dma_start3A_92 : memref<1x512x64xf32, #tpu.memory_space<vmem>> -> memref<512x64xf32, #tpu.memory_space<vmem>>
    tpu.enqueue_dma source(%dma_start3A_93 : memref<512x64xf32, #tpu.memory_space<vmem>>) target(%dma_start3A_89 : memref<512x64xf32, #tpu.memory_space<hbm>>) target_semaphore(%arg8 : memref<!tpu.dma_semaphore, #tpu.memory_space<semaphore_mem>>)
    %dma_wait3A_94 = arith.constant 1 : i32
    %dma_wait3A_95 = arith.constant 0 : i32
    %dma_wait3A_96 = arith.constant 0 : i32
    %dma_wait3A_97 = tpu.memref_slice %arg6[%dma_wait3A_94, %dma_wait3A_95, %dma_wait3A_96] : memref<2x512x64xf32, #tpu.memory_space<vmem>> -> memref<1x512x64xf32, #tpu.memory_space<vmem>>
    %dma_wait3A_98 = tpu.memref_squeeze %dma_wait3A_97 : memref<1x512x64xf32, #tpu.memory_space<vmem>> -> memref<512x64xf32, #tpu.memory_space<vmem>>
    %dma_wait3A_99 = arith.constant 0 : i32
    %dma_wait3A_100 = tpu.memref_slice %arg4[%add3A_80, %dma_wait3A_99] : memref<131072x64xf32, #tpu.memory_space<hbm>> -> memref<512x64xf32, #tpu.memory_space<hbm>>
    %dma_wait3A_101 = arith.constant 0 : i32
    %dma_wait3A_102 = tpu.memref_slice %arg4[%add3A_80, %dma_wait3A_101] : memref<131072x64xf32, #tpu.memory_space<hbm>> -> memref<512x64xf32, #tpu.memory_space<hbm>>
    %dma_wait3A_103 = arith.constant 0 : i32
    %dma_wait3A_104 = arith.constant 0 : i32
    %dma_wait3A_105 = tpu.memref_slice %arg6[%dma_wait3A_94, %dma_wait3A_103, %dma_wait3A_104] : memref<2x512x64xf32, #tpu.memory_space<vmem>> -> memref<1x512x64xf32, #tpu.memory_space<vmem>>
    %dma_wait3A_106 = tpu.memref_squeeze %dma_wait3A_105 : memref<1x512x64xf32, #tpu.memory_space<vmem>> -> memref<512x64xf32, #tpu.memory_space<vmem>>
    tpu.wait_dma2 semaphore(%arg8 : memref<!tpu.dma_semaphore, #tpu.memory_space<semaphore_mem>>) src(%dma_wait3A_106 : memref<512x64xf32, #tpu.memory_space<vmem>>) dst(%dma_wait3A_102 : memref<512x64xf32, #tpu.memory_space<hbm>>)
    %dma_start3A_107 = arith.constant 1 : i32
    %dma_start3A_108 = arith.constant 0 : i32
    %dma_start3A_109 = arith.constant 0 : i32
    %dma_start3A_110 = tpu.memref_slice %arg6[%dma_start3A_107, %dma_start3A_108, %dma_start3A_109] : memref<2x512x64xf32, #tpu.memory_space<vmem>> -> memref<1x512x64xf32, #tpu.memory_space<vmem>>
    %dma_start3A_111 = tpu.memref_squeeze %dma_start3A_110 : memref<1x512x64xf32, #tpu.memory_space<vmem>> -> memref<512x64xf32, #tpu.memory_space<vmem>>
    %dma_start3A_112 = arith.constant 1536 : i32
    %dma_start3A_113 = tpu.memref_slice %arg5[%dma_start3A_112] : memref<4096xi32, #tpu.memory_space<vmem>> -> memref<512xi32, #tpu.memory_space<vmem>>
    %dma_start3A_114 = arith.constant 0 : i32
    %dma_start3A_115 = arith.constant 0 : i32
    %dma_start3A_116 = tpu.memref_slice %arg3[%dma_start3A_114, %dma_start3A_115] : memref<8192x64xf32, #tpu.memory_space<hbm>> -> memref<8192x64xf32, #tpu.memory_space<hbm>>
    tpu.enqueue_indirect_dma source(%dma_start3A_116 : memref<8192x64xf32, #tpu.memory_space<hbm>>) target(%dma_start3A_111 : memref<512x64xf32, #tpu.memory_space<vmem>>) offsets(%dma_start3A_113 : memref<512xi32, #tpu.memory_space<vmem>>) semaphore(%arg7 : memref<!tpu.dma_semaphore, #tpu.memory_space<semaphore_mem>>)
    %dma_wait3A_117 = arith.constant 0 : i32
    %dma_wait3A_118 = arith.constant 0 : i32
    %dma_wait3A_119 = arith.constant 0 : i32
    %dma_wait3A_120 = tpu.memref_slice %arg6[%dma_wait3A_117, %dma_wait3A_118, %dma_wait3A_119] : memref<2x512x64xf32, #tpu.memory_space<vmem>> -> memref<1x512x64xf32, #tpu.memory_space<vmem>>
    %dma_wait3A_121 = tpu.memref_squeeze %dma_wait3A_120 : memref<1x512x64xf32, #tpu.memory_space<vmem>> -> memref<512x64xf32, #tpu.memory_space<vmem>>
    %dma_wait3A_122 = arith.constant 1024 : i32
    %dma_wait3A_123 = tpu.memref_slice %arg5[%dma_wait3A_122] : memref<4096xi32, #tpu.memory_space<vmem>> -> memref<512xi32, #tpu.memory_space<vmem>>
    %dma_wait3A_124 = arith.constant 0 : i32
    %dma_wait3A_125 = arith.constant 0 : i32
    %dma_wait3A_126 = tpu.memref_slice %arg3[%dma_wait3A_124, %dma_wait3A_125] : memref<8192x64xf32, #tpu.memory_space<hbm>> -> memref<8192x64xf32, #tpu.memory_space<hbm>>
    tpu.wait_indirect_dma semaphore(%arg7 : memref<!tpu.dma_semaphore, #tpu.memory_space<semaphore_mem>>) src(%dma_wait3A_126 : memref<8192x64xf32, #tpu.memory_space<hbm>>) dst(%dma_wait3A_121 : memref<512x64xf32, #tpu.memory_space<vmem>>)
    %add3A_127 = arith.constant 1024 : i32
    %add3A_128 = arith.addi %mul3A_2, %add3A_127 : i32
    %dma_start3A_129 = arith.constant 0 : i32
    %dma_start3A_130 = arith.constant 0 : i32
    %dma_start3A_131 = arith.constant 0 : i32
    %dma_start3A_132 = tpu.memref_slice %arg6[%dma_start3A_129, %dma_start3A_130, %dma_start3A_131] : memref<2x512x64xf32, #tpu.memory_space<vmem>> -> memref<1x512x64xf32, #tpu.memory_space<vmem>>
    %dma_start3A_133 = tpu.memref_squeeze %dma_start3A_132 : memref<1x512x64xf32, #tpu.memory_space<vmem>> -> memref<512x64xf32, #tpu.memory_space<vmem>>
    %dma_start3A_134 = arith.constant 0 : i32
    %dma_start3A_135 = tpu.memref_slice %arg4[%add3A_128, %dma_start3A_134] : memref<131072x64xf32, #tpu.memory_space<hbm>> -> memref<512x64xf32, #tpu.memory_space<hbm>>
    %dma_start3A_136 = arith.constant 0 : i32
    %dma_start3A_137 = tpu.memref_slice %arg4[%add3A_128, %dma_start3A_136] : memref<131072x64xf32, #tpu.memory_space<hbm>> -> memref<512x64xf32, #tpu.memory_space<hbm>>
    %dma_start3A_138 = arith.constant 0 : i32
    %dma_start3A_139 = arith.constant 0 : i32
    %dma_start3A_140 = tpu.memref_slice %arg6[%dma_start3A_129, %dma_start3A_138, %dma_start3A_139] : memref<2x512x64xf32, #tpu.memory_space<vmem>> -> memref<1x512x64xf32, #tpu.memory_space<vmem>>
    %dma_start3A_141 = tpu.memref_squeeze %dma_start3A_140 : memref<1x512x64xf32, #tpu.memory_space<vmem>> -> memref<512x64xf32, #tpu.memory_space<vmem>>
    tpu.enqueue_dma source(%dma_start3A_141 : memref<512x64xf32, #tpu.memory_space<vmem>>) target(%dma_start3A_137 : memref<512x64xf32, #tpu.memory_space<hbm>>) target_semaphore(%arg8 : memref<!tpu.dma_semaphore, #tpu.memory_space<semaphore_mem>>)
    %dma_wait3A_142 = arith.constant 0 : i32
    %dma_wait3A_143 = arith.constant 0 : i32
    %dma_wait3A_144 = arith.constant 0 : i32
    %dma_wait3A_145 = tpu.memref_slice %arg6[%dma_wait3A_142, %dma_wait3A_143, %dma_wait3A_144] : memref<2x512x64xf32, #tpu.memory_space<vmem>> -> memref<1x512x64xf32, #tpu.memory_space<vmem>>
    %dma_wait3A_146 = tpu.memref_squeeze %dma_wait3A_145 : memref<1x512x64xf32, #tpu.memory_space<vmem>> -> memref<512x64xf32, #tpu.memory_space<vmem>>
    %dma_wait3A_147 = arith.constant 0 : i32
    %dma_wait3A_148 = tpu.memref_slice %arg4[%add3A_128, %dma_wait3A_147] : memref<131072x64xf32, #tpu.memory_space<hbm>> -> memref<512x64xf32, #tpu.memory_space<hbm>>
    %dma_wait3A_149 = arith.constant 0 : i32
    %dma_wait3A_150 = tpu.memref_slice %arg4[%add3A_128, %dma_wait3A_149] : memref<131072x64xf32, #tpu.memory_space<hbm>> -> memref<512x64xf32, #tpu.memory_space<hbm>>
    %dma_wait3A_151 = arith.constant 0 : i32
    %dma_wait3A_152 = arith.constant 0 : i32
    %dma_wait3A_153 = tpu.memref_slice %arg6[%dma_wait3A_142, %dma_wait3A_151, %dma_wait3A_152] : memref<2x512x64xf32, #tpu.memory_space<vmem>> -> memref<1x512x64xf32, #tpu.memory_space<vmem>>
    %dma_wait3A_154 = tpu.memref_squeeze %dma_wait3A_153 : memref<1x512x64xf32, #tpu.memory_space<vmem>> -> memref<512x64xf32, #tpu.memory_space<vmem>>
    tpu.wait_dma2 semaphore(%arg8 : memref<!tpu.dma_semaphore, #tpu.memory_space<semaphore_mem>>) src(%dma_wait3A_154 : memref<512x64xf32, #tpu.memory_space<vmem>>) dst(%dma_wait3A_150 : memref<512x64xf32, #tpu.memory_space<hbm>>)
    %dma_start3A_155 = arith.constant 0 : i32
    %dma_start3A_156 = arith.constant 0 : i32
    %dma_start3A_157 = arith.constant 0 : i32
    %dma_start3A_158 = tpu.memref_slice %arg6[%dma_start3A_155, %dma_start3A_156, %dma_start3A_157] : memref<2x512x64xf32, #tpu.memory_space<vmem>> -> memref<1x512x64xf32, #tpu.memory_space<vmem>>
    %dma_start3A_159 = tpu.memref_squeeze %dma_start3A_158 : memref<1x512x64xf32, #tpu.memory_space<vmem>> -> memref<512x64xf32, #tpu.memory_space<vmem>>
    %dma_start3A_160 = arith.constant 2048 : i32
    %dma_start3A_161 = tpu.memref_slice %arg5[%dma_start3A_160] : memref<4096xi32, #tpu.memory_space<vmem>> -> memref<512xi32, #tpu.memory_space<vmem>>
    %dma_start3A_162 = arith.constant 0 : i32
    %dma_start3A_163 = arith.constant 0 : i32
    %dma_start3A_164 = tpu.memref_slice %arg3[%dma_start3A_162, %dma_start3A_163] : memref<8192x64xf32, #tpu.memory_space<hbm>> -> memref<8192x64xf32, #tpu.memory_space<hbm>>
    tpu.enqueue_indirect_dma source(%dma_start3A_164 : memref<8192x64xf32, #tpu.memory_space<hbm>>) target(%dma_start3A_159 : memref<512x64xf32, #tpu.memory_space<vmem>>) offsets(%dma_start3A_161 : memref<512xi32, #tpu.memory_space<vmem>>) semaphore(%arg7 : memref<!tpu.dma_semaphore, #tpu.memory_space<semaphore_mem>>)
    %dma_wait3A_165 = arith.constant 1 : i32
    %dma_wait3A_166 = arith.constant 0 : i32
    %dma_wait3A_167 = arith.constant 0 : i32
    %dma_wait3A_168 = tpu.memref_slice %arg6[%dma_wait3A_165, %dma_wait3A_166, %dma_wait3A_167] : memref<2x512x64xf32, #tpu.memory_space<vmem>> -> memref<1x512x64xf32, #tpu.memory_space<vmem>>
    %dma_wait3A_169 = tpu.memref_squeeze %dma_wait3A_168 : memref<1x512x64xf32, #tpu.memory_space<vmem>> -> memref<512x64xf32, #tpu.memory_space<vmem>>
    %dma_wait3A_170 = arith.constant 1536 : i32
    %dma_wait3A_171 = tpu.memref_slice %arg5[%dma_wait3A_170] : memref<4096xi32, #tpu.memory_space<vmem>> -> memref<512xi32, #tpu.memory_space<vmem>>
    %dma_wait3A_172 = arith.constant 0 : i32
    %dma_wait3A_173 = arith.constant 0 : i32
    %dma_wait3A_174 = tpu.memref_slice %arg3[%dma_wait3A_172, %dma_wait3A_173] : memref<8192x64xf32, #tpu.memory_space<hbm>> -> memref<8192x64xf32, #tpu.memory_space<hbm>>
    tpu.wait_indirect_dma semaphore(%arg7 : memref<!tpu.dma_semaphore, #tpu.memory_space<semaphore_mem>>) src(%dma_wait3A_174 : memref<8192x64xf32, #tpu.memory_space<hbm>>) dst(%dma_wait3A_169 : memref<512x64xf32, #tpu.memory_space<vmem>>)
    %add3A_175 = arith.constant 1536 : i32
    %add3A_176 = arith.addi %mul3A_2, %add3A_175 : i32
    %dma_start3A_177 = arith.constant 1 : i32
    %dma_start3A_178 = arith.constant 0 : i32
    %dma_start3A_179 = arith.constant 0 : i32
    %dma_start3A_180 = tpu.memref_slice %arg6[%dma_start3A_177, %dma_start3A_178, %dma_start3A_179] : memref<2x512x64xf32, #tpu.memory_space<vmem>> -> memref<1x512x64xf32, #tpu.memory_space<vmem>>
    %dma_start3A_181 = tpu.memref_squeeze %dma_start3A_180 : memref<1x512x64xf32, #tpu.memory_space<vmem>> -> memref<512x64xf32, #tpu.memory_space<vmem>>
    %dma_start3A_182 = arith.constant 0 : i32
    %dma_start3A_183 = tpu.memref_slice %arg4[%add3A_176, %dma_start3A_182] : memref<131072x64xf32, #tpu.memory_space<hbm>> -> memref<512x64xf32, #tpu.memory_space<hbm>>
    %dma_start3A_184 = arith.constant 0 : i32
    %dma_start3A_185 = tpu.memref_slice %arg4[%add3A_176, %dma_start3A_184] : memref<131072x64xf32, #tpu.memory_space<hbm>> -> memref<512x64xf32, #tpu.memory_space<hbm>>
    %dma_start3A_186 = arith.constant 0 : i32
    %dma_start3A_187 = arith.constant 0 : i32
    %dma_start3A_188 = tpu.memref_slice %arg6[%dma_start3A_177, %dma_start3A_186, %dma_start3A_187] : memref<2x512x64xf32, #tpu.memory_space<vmem>> -> memref<1x512x64xf32, #tpu.memory_space<vmem>>
    %dma_start3A_189 = tpu.memref_squeeze %dma_start3A_188 : memref<1x512x64xf32, #tpu.memory_space<vmem>> -> memref<512x64xf32, #tpu.memory_space<vmem>>
    tpu.enqueue_dma source(%dma_start3A_189 : memref<512x64xf32, #tpu.memory_space<vmem>>) target(%dma_start3A_185 : memref<512x64xf32, #tpu.memory_space<hbm>>) target_semaphore(%arg8 : memref<!tpu.dma_semaphore, #tpu.memory_space<semaphore_mem>>)
    %dma_wait3A_190 = arith.constant 1 : i32
    %dma_wait3A_191 = arith.constant 0 : i32
    %dma_wait3A_192 = arith.constant 0 : i32
    %dma_wait3A_193 = tpu.memref_slice %arg6[%dma_wait3A_190, %dma_wait3A_191, %dma_wait3A_192] : memref<2x512x64xf32, #tpu.memory_space<vmem>> -> memref<1x512x64xf32, #tpu.memory_space<vmem>>
    %dma_wait3A_194 = tpu.memref_squeeze %dma_wait3A_193 : memref<1x512x64xf32, #tpu.memory_space<vmem>> -> memref<512x64xf32, #tpu.memory_space<vmem>>
    %dma_wait3A_195 = arith.constant 0 : i32
    %dma_wait3A_196 = tpu.memref_slice %arg4[%add3A_176, %dma_wait3A_195] : memref<131072x64xf32, #tpu.memory_space<hbm>> -> memref<512x64xf32, #tpu.memory_space<hbm>>
    %dma_wait3A_197 = arith.constant 0 : i32
    %dma_wait3A_198 = tpu.memref_slice %arg4[%add3A_176, %dma_wait3A_197] : memref<131072x64xf32, #tpu.memory_space<hbm>> -> memref<512x64xf32, #tpu.memory_space<hbm>>
    %dma_wait3A_199 = arith.constant 0 : i32
    %dma_wait3A_200 = arith.constant 0 : i32
    %dma_wait3A_201 = tpu.memref_slice %arg6[%dma_wait3A_190, %dma_wait3A_199, %dma_wait3A_200] : memref<2x512x64xf32, #tpu.memory_space<vmem>> -> memref<1x512x64xf32, #tpu.memory_space<vmem>>
    %dma_wait3A_202 = tpu.memref_squeeze %dma_wait3A_201 : memref<1x512x64xf32, #tpu.memory_space<vmem>> -> memref<512x64xf32, #tpu.memory_space<vmem>>
    tpu.wait_dma2 semaphore(%arg8 : memref<!tpu.dma_semaphore, #tpu.memory_space<semaphore_mem>>) src(%dma_wait3A_202 : memref<512x64xf32, #tpu.memory_space<vmem>>) dst(%dma_wait3A_198 : memref<512x64xf32, #tpu.memory_space<hbm>>)
    %dma_start3A_203 = arith.constant 1 : i32
    %dma_start3A_204 = arith.constant 0 : i32
    %dma_start3A_205 = arith.constant 0 : i32
    %dma_start3A_206 = tpu.memref_slice %arg6[%dma_start3A_203, %dma_start3A_204, %dma_start3A_205] : memref<2x512x64xf32, #tpu.memory_space<vmem>> -> memref<1x512x64xf32, #tpu.memory_space<vmem>>
    %dma_start3A_207 = tpu.memref_squeeze %dma_start3A_206 : memref<1x512x64xf32, #tpu.memory_space<vmem>> -> memref<512x64xf32, #tpu.memory_space<vmem>>
    %dma_start3A_208 = arith.constant 2560 : i32
    %dma_start3A_209 = tpu.memref_slice %arg5[%dma_start3A_208] : memref<4096xi32, #tpu.memory_space<vmem>> -> memref<512xi32, #tpu.memory_space<vmem>>
    %dma_start3A_210 = arith.constant 0 : i32
    %dma_start3A_211 = arith.constant 0 : i32
    %dma_start3A_212 = tpu.memref_slice %arg3[%dma_start3A_210, %dma_start3A_211] : memref<8192x64xf32, #tpu.memory_space<hbm>> -> memref<8192x64xf32, #tpu.memory_space<hbm>>
    tpu.enqueue_indirect_dma source(%dma_start3A_212 : memref<8192x64xf32, #tpu.memory_space<hbm>>) target(%dma_start3A_207 : memref<512x64xf32, #tpu.memory_space<vmem>>) offsets(%dma_start3A_209 : memref<512xi32, #tpu.memory_space<vmem>>) semaphore(%arg7 : memref<!tpu.dma_semaphore, #tpu.memory_space<semaphore_mem>>)
    %dma_wait3A_213 = arith.constant 0 : i32
    %dma_wait3A_214 = arith.constant 0 : i32
    %dma_wait3A_215 = arith.constant 0 : i32
    %dma_wait3A_216 = tpu.memref_slice %arg6[%dma_wait3A_213, %dma_wait3A_214, %dma_wait3A_215] : memref<2x512x64xf32, #tpu.memory_space<vmem>> -> memref<1x512x64xf32, #tpu.memory_space<vmem>>
    %dma_wait3A_217 = tpu.memref_squeeze %dma_wait3A_216 : memref<1x512x64xf32, #tpu.memory_space<vmem>> -> memref<512x64xf32, #tpu.memory_space<vmem>>
    %dma_wait3A_218 = arith.constant 2048 : i32
    %dma_wait3A_219 = tpu.memref_slice %arg5[%dma_wait3A_218] : memref<4096xi32, #tpu.memory_space<vmem>> -> memref<512xi32, #tpu.memory_space<vmem>>
    %dma_wait3A_220 = arith.constant 0 : i32
    %dma_wait3A_221 = arith.constant 0 : i32
    %dma_wait3A_222 = tpu.memref_slice %arg3[%dma_wait3A_220, %dma_wait3A_221] : memref<8192x64xf32, #tpu.memory_space<hbm>> -> memref<8192x64xf32, #tpu.memory_space<hbm>>
    tpu.wait_indirect_dma semaphore(%arg7 : memref<!tpu.dma_semaphore, #tpu.memory_space<semaphore_mem>>) src(%dma_wait3A_222 : memref<8192x64xf32, #tpu.memory_space<hbm>>) dst(%dma_wait3A_217 : memref<512x64xf32, #tpu.memory_space<vmem>>)
    %add3A_223 = arith.constant 2048 : i32
    %add3A_224 = arith.addi %mul3A_2, %add3A_223 : i32
    %dma_start3A_225 = arith.constant 0 : i32
    %dma_start3A_226 = arith.constant 0 : i32
    %dma_start3A_227 = arith.constant 0 : i32
    %dma_start3A_228 = tpu.memref_slice %arg6[%dma_start3A_225, %dma_start3A_226, %dma_start3A_227] : memref<2x512x64xf32, #tpu.memory_space<vmem>> -> memref<1x512x64xf32, #tpu.memory_space<vmem>>
    %dma_start3A_229 = tpu.memref_squeeze %dma_start3A_228 : memref<1x512x64xf32, #tpu.memory_space<vmem>> -> memref<512x64xf32, #tpu.memory_space<vmem>>
    %dma_start3A_230 = arith.constant 0 : i32
    %dma_start3A_231 = tpu.memref_slice %arg4[%add3A_224, %dma_start3A_230] : memref<131072x64xf32, #tpu.memory_space<hbm>> -> memref<512x64xf32, #tpu.memory_space<hbm>>
    %dma_start3A_232 = arith.constant 0 : i32
    %dma_start3A_233 = tpu.memref_slice %arg4[%add3A_224, %dma_start3A_232] : memref<131072x64xf32, #tpu.memory_space<hbm>> -> memref<512x64xf32, #tpu.memory_space<hbm>>
    %dma_start3A_234 = arith.constant 0 : i32
    %dma_start3A_235 = arith.constant 0 : i32
    %dma_start3A_236 = tpu.memref_slice %arg6[%dma_start3A_225, %dma_start3A_234, %dma_start3A_235] : memref<2x512x64xf32, #tpu.memory_space<vmem>> -> memref<1x512x64xf32, #tpu.memory_space<vmem>>
    %dma_start3A_237 = tpu.memref_squeeze %dma_start3A_236 : memref<1x512x64xf32, #tpu.memory_space<vmem>> -> memref<512x64xf32, #tpu.memory_space<vmem>>
    tpu.enqueue_dma source(%dma_start3A_237 : memref<512x64xf32, #tpu.memory_space<vmem>>) target(%dma_start3A_233 : memref<512x64xf32, #tpu.memory_space<hbm>>) target_semaphore(%arg8 : memref<!tpu.dma_semaphore, #tpu.memory_space<semaphore_mem>>)
    %dma_wait3A_238 = arith.constant 0 : i32
    %dma_wait3A_239 = arith.constant 0 : i32
    %dma_wait3A_240 = arith.constant 0 : i32
    %dma_wait3A_241 = tpu.memref_slice %arg6[%dma_wait3A_238, %dma_wait3A_239, %dma_wait3A_240] : memref<2x512x64xf32, #tpu.memory_space<vmem>> -> memref<1x512x64xf32, #tpu.memory_space<vmem>>
    %dma_wait3A_242 = tpu.memref_squeeze %dma_wait3A_241 : memref<1x512x64xf32, #tpu.memory_space<vmem>> -> memref<512x64xf32, #tpu.memory_space<vmem>>
    %dma_wait3A_243 = arith.constant 0 : i32
    %dma_wait3A_244 = tpu.memref_slice %arg4[%add3A_224, %dma_wait3A_243] : memref<131072x64xf32, #tpu.memory_space<hbm>> -> memref<512x64xf32, #tpu.memory_space<hbm>>
    %dma_wait3A_245 = arith.constant 0 : i32
    %dma_wait3A_246 = tpu.memref_slice %arg4[%add3A_224, %dma_wait3A_245] : memref<131072x64xf32, #tpu.memory_space<hbm>> -> memref<512x64xf32, #tpu.memory_space<hbm>>
    %dma_wait3A_247 = arith.constant 0 : i32
    %dma_wait3A_248 = arith.constant 0 : i32
    %dma_wait3A_249 = tpu.memref_slice %arg6[%dma_wait3A_238, %dma_wait3A_247, %dma_wait3A_248] : memref<2x512x64xf32, #tpu.memory_space<vmem>> -> memref<1x512x64xf32, #tpu.memory_space<vmem>>
    %dma_wait3A_250 = tpu.memref_squeeze %dma_wait3A_249 : memref<1x512x64xf32, #tpu.memory_space<vmem>> -> memref<512x64xf32, #tpu.memory_space<vmem>>
    tpu.wait_dma2 semaphore(%arg8 : memref<!tpu.dma_semaphore, #tpu.memory_space<semaphore_mem>>) src(%dma_wait3A_250 : memref<512x64xf32, #tpu.memory_space<vmem>>) dst(%dma_wait3A_246 : memref<512x64xf32, #tpu.memory_space<hbm>>)
    %dma_start3A_251 = arith.constant 0 : i32
    %dma_start3A_252 = arith.constant 0 : i32
    %dma_start3A_253 = arith.constant 0 : i32
    %dma_start3A_254 = tpu.memref_slice %arg6[%dma_start3A_251, %dma_start3A_252, %dma_start3A_253] : memref<2x512x64xf32, #tpu.memory_space<vmem>> -> memref<1x512x64xf32, #tpu.memory_space<vmem>>
    %dma_start3A_255 = tpu.memref_squeeze %dma_start3A_254 : memref<1x512x64xf32, #tpu.memory_space<vmem>> -> memref<512x64xf32, #tpu.memory_space<vmem>>
    %dma_start3A_256 = arith.constant 3072 : i32
    %dma_start3A_257 = tpu.memref_slice %arg5[%dma_start3A_256] : memref<4096xi32, #tpu.memory_space<vmem>> -> memref<512xi32, #tpu.memory_space<vmem>>
    %dma_start3A_258 = arith.constant 0 : i32
    %dma_start3A_259 = arith.constant 0 : i32
    %dma_start3A_260 = tpu.memref_slice %arg3[%dma_start3A_258, %dma_start3A_259] : memref<8192x64xf32, #tpu.memory_space<hbm>> -> memref<8192x64xf32, #tpu.memory_space<hbm>>
    tpu.enqueue_indirect_dma source(%dma_start3A_260 : memref<8192x64xf32, #tpu.memory_space<hbm>>) target(%dma_start3A_255 : memref<512x64xf32, #tpu.memory_space<vmem>>) offsets(%dma_start3A_257 : memref<512xi32, #tpu.memory_space<vmem>>) semaphore(%arg7 : memref<!tpu.dma_semaphore, #tpu.memory_space<semaphore_mem>>)
    %dma_wait3A_261 = arith.constant 1 : i32
    %dma_wait3A_262 = arith.constant 0 : i32
    %dma_wait3A_263 = arith.constant 0 : i32
    %dma_wait3A_264 = tpu.memref_slice %arg6[%dma_wait3A_261, %dma_wait3A_262, %dma_wait3A_263] : memref<2x512x64xf32, #tpu.memory_space<vmem>> -> memref<1x512x64xf32, #tpu.memory_space<vmem>>
    %dma_wait3A_265 = tpu.memref_squeeze %dma_wait3A_264 : memref<1x512x64xf32, #tpu.memory_space<vmem>> -> memref<512x64xf32, #tpu.memory_space<vmem>>
    %dma_wait3A_266 = arith.constant 2560 : i32
    %dma_wait3A_267 = tpu.memref_slice %arg5[%dma_wait3A_266] : memref<4096xi32, #tpu.memory_space<vmem>> -> memref<512xi32, #tpu.memory_space<vmem>>
    %dma_wait3A_268 = arith.constant 0 : i32
    %dma_wait3A_269 = arith.constant 0 : i32
    %dma_wait3A_270 = tpu.memref_slice %arg3[%dma_wait3A_268, %dma_wait3A_269] : memref<8192x64xf32, #tpu.memory_space<hbm>> -> memref<8192x64xf32, #tpu.memory_space<hbm>>
    tpu.wait_indirect_dma semaphore(%arg7 : memref<!tpu.dma_semaphore, #tpu.memory_space<semaphore_mem>>) src(%dma_wait3A_270 : memref<8192x64xf32, #tpu.memory_space<hbm>>) dst(%dma_wait3A_265 : memref<512x64xf32, #tpu.memory_space<vmem>>)
    %add3A_271 = arith.constant 2560 : i32
    %add3A_272 = arith.addi %mul3A_2, %add3A_271 : i32
    %dma_start3A_273 = arith.constant 1 : i32
    %dma_start3A_274 = arith.constant 0 : i32
    %dma_start3A_275 = arith.constant 0 : i32
    %dma_start3A_276 = tpu.memref_slice %arg6[%dma_start3A_273, %dma_start3A_274, %dma_start3A_275] : memref<2x512x64xf32, #tpu.memory_space<vmem>> -> memref<1x512x64xf32, #tpu.memory_space<vmem>>
    %dma_start3A_277 = tpu.memref_squeeze %dma_start3A_276 : memref<1x512x64xf32, #tpu.memory_space<vmem>> -> memref<512x64xf32, #tpu.memory_space<vmem>>
    %dma_start3A_278 = arith.constant 0 : i32
    %dma_start3A_279 = tpu.memref_slice %arg4[%add3A_272, %dma_start3A_278] : memref<131072x64xf32, #tpu.memory_space<hbm>> -> memref<512x64xf32, #tpu.memory_space<hbm>>
    %dma_start3A_280 = arith.constant 0 : i32
    %dma_start3A_281 = tpu.memref_slice %arg4[%add3A_272, %dma_start3A_280] : memref<131072x64xf32, #tpu.memory_space<hbm>> -> memref<512x64xf32, #tpu.memory_space<hbm>>
    %dma_start3A_282 = arith.constant 0 : i32
    %dma_start3A_283 = arith.constant 0 : i32
    %dma_start3A_284 = tpu.memref_slice %arg6[%dma_start3A_273, %dma_start3A_282, %dma_start3A_283] : memref<2x512x64xf32, #tpu.memory_space<vmem>> -> memref<1x512x64xf32, #tpu.memory_space<vmem>>
    %dma_start3A_285 = tpu.memref_squeeze %dma_start3A_284 : memref<1x512x64xf32, #tpu.memory_space<vmem>> -> memref<512x64xf32, #tpu.memory_space<vmem>>
    tpu.enqueue_dma source(%dma_start3A_285 : memref<512x64xf32, #tpu.memory_space<vmem>>) target(%dma_start3A_281 : memref<512x64xf32, #tpu.memory_space<hbm>>) target_semaphore(%arg8 : memref<!tpu.dma_semaphore, #tpu.memory_space<semaphore_mem>>)
    %dma_wait3A_286 = arith.constant 1 : i32
    %dma_wait3A_287 = arith.constant 0 : i32
    %dma_wait3A_288 = arith.constant 0 : i32
    %dma_wait3A_289 = tpu.memref_slice %arg6[%dma_wait3A_286, %dma_wait3A_287, %dma_wait3A_288] : memref<2x512x64xf32, #tpu.memory_space<vmem>> -> memref<1x512x64xf32, #tpu.memory_space<vmem>>
    %dma_wait3A_290 = tpu.memref_squeeze %dma_wait3A_289 : memref<1x512x64xf32, #tpu.memory_space<vmem>> -> memref<512x64xf32, #tpu.memory_space<vmem>>
    %dma_wait3A_291 = arith.constant 0 : i32
    %dma_wait3A_292 = tpu.memref_slice %arg4[%add3A_272, %dma_wait3A_291] : memref<131072x64xf32, #tpu.memory_space<hbm>> -> memref<512x64xf32, #tpu.memory_space<hbm>>
    %dma_wait3A_293 = arith.constant 0 : i32
    %dma_wait3A_294 = tpu.memref_slice %arg4[%add3A_272, %dma_wait3A_293] : memref<131072x64xf32, #tpu.memory_space<hbm>> -> memref<512x64xf32, #tpu.memory_space<hbm>>
    %dma_wait3A_295 = arith.constant 0 : i32
    %dma_wait3A_296 = arith.constant 0 : i32
    %dma_wait3A_297 = tpu.memref_slice %arg6[%dma_wait3A_286, %dma_wait3A_295, %dma_wait3A_296] : memref<2x512x64xf32, #tpu.memory_space<vmem>> -> memref<1x512x64xf32, #tpu.memory_space<vmem>>
    %dma_wait3A_298 = tpu.memref_squeeze %dma_wait3A_297 : memref<1x512x64xf32, #tpu.memory_space<vmem>> -> memref<512x64xf32, #tpu.memory_space<vmem>>
    tpu.wait_dma2 semaphore(%arg8 : memref<!tpu.dma_semaphore, #tpu.memory_space<semaphore_mem>>) src(%dma_wait3A_298 : memref<512x64xf32, #tpu.memory_space<vmem>>) dst(%dma_wait3A_294 : memref<512x64xf32, #tpu.memory_space<hbm>>)
    %dma_start3A_299 = arith.constant 1 : i32
    %dma_start3A_300 = arith.constant 0 : i32
    %dma_start3A_301 = arith.constant 0 : i32
    %dma_start3A_302 = tpu.memref_slice %arg6[%dma_start3A_299, %dma_start3A_300, %dma_start3A_301] : memref<2x512x64xf32, #tpu.memory_space<vmem>> -> memref<1x512x64xf32, #tpu.memory_space<vmem>>
    %dma_start3A_303 = tpu.memref_squeeze %dma_start3A_302 : memref<1x512x64xf32, #tpu.memory_space<vmem>> -> memref<512x64xf32, #tpu.memory_space<vmem>>
    %dma_start3A_304 = arith.constant 3584 : i32
    %dma_start3A_305 = tpu.memref_slice %arg5[%dma_start3A_304] : memref<4096xi32, #tpu.memory_space<vmem>> -> memref<512xi32, #tpu.memory_space<vmem>>
    %dma_start3A_306 = arith.constant 0 : i32
    %dma_start3A_307 = arith.constant 0 : i32
    %dma_start3A_308 = tpu.memref_slice %arg3[%dma_start3A_306, %dma_start3A_307] : memref<8192x64xf32, #tpu.memory_space<hbm>> -> memref<8192x64xf32, #tpu.memory_space<hbm>>
    tpu.enqueue_indirect_dma source(%dma_start3A_308 : memref<8192x64xf32, #tpu.memory_space<hbm>>) target(%dma_start3A_303 : memref<512x64xf32, #tpu.memory_space<vmem>>) offsets(%dma_start3A_305 : memref<512xi32, #tpu.memory_space<vmem>>) semaphore(%arg7 : memref<!tpu.dma_semaphore, #tpu.memory_space<semaphore_mem>>)
    %dma_wait3A_309 = arith.constant 0 : i32
    %dma_wait3A_310 = arith.constant 0 : i32
    %dma_wait3A_311 = arith.constant 0 : i32
    %dma_wait3A_312 = tpu.memref_slice %arg6[%dma_wait3A_309, %dma_wait3A_310, %dma_wait3A_311] : memref<2x512x64xf32, #tpu.memory_space<vmem>> -> memref<1x512x64xf32, #tpu.memory_space<vmem>>
    %dma_wait3A_313 = tpu.memref_squeeze %dma_wait3A_312 : memref<1x512x64xf32, #tpu.memory_space<vmem>> -> memref<512x64xf32, #tpu.memory_space<vmem>>
    %dma_wait3A_314 = arith.constant 3072 : i32
    %dma_wait3A_315 = tpu.memref_slice %arg5[%dma_wait3A_314] : memref<4096xi32, #tpu.memory_space<vmem>> -> memref<512xi32, #tpu.memory_space<vmem>>
    %dma_wait3A_316 = arith.constant 0 : i32
    %dma_wait3A_317 = arith.constant 0 : i32
    %dma_wait3A_318 = tpu.memref_slice %arg3[%dma_wait3A_316, %dma_wait3A_317] : memref<8192x64xf32, #tpu.memory_space<hbm>> -> memref<8192x64xf32, #tpu.memory_space<hbm>>
    tpu.wait_indirect_dma semaphore(%arg7 : memref<!tpu.dma_semaphore, #tpu.memory_space<semaphore_mem>>) src(%dma_wait3A_318 : memref<8192x64xf32, #tpu.memory_space<hbm>>) dst(%dma_wait3A_313 : memref<512x64xf32, #tpu.memory_space<vmem>>)
    %add3A_319 = arith.constant 3072 : i32
    %add3A_320 = arith.addi %mul3A_2, %add3A_319 : i32
    %dma_start3A_321 = arith.constant 0 : i32
    %dma_start3A_322 = arith.constant 0 : i32
    %dma_start3A_323 = arith.constant 0 : i32
    %dma_start3A_324 = tpu.memref_slice %arg6[%dma_start3A_321, %dma_start3A_322, %dma_start3A_323] : memref<2x512x64xf32, #tpu.memory_space<vmem>> -> memref<1x512x64xf32, #tpu.memory_space<vmem>>
    %dma_start3A_325 = tpu.memref_squeeze %dma_start3A_324 : memref<1x512x64xf32, #tpu.memory_space<vmem>> -> memref<512x64xf32, #tpu.memory_space<vmem>>
    %dma_start3A_326 = arith.constant 0 : i32
    %dma_start3A_327 = tpu.memref_slice %arg4[%add3A_320, %dma_start3A_326] : memref<131072x64xf32, #tpu.memory_space<hbm>> -> memref<512x64xf32, #tpu.memory_space<hbm>>
    %dma_start3A_328 = arith.constant 0 : i32
    %dma_start3A_329 = tpu.memref_slice %arg4[%add3A_320, %dma_start3A_328] : memref<131072x64xf32, #tpu.memory_space<hbm>> -> memref<512x64xf32, #tpu.memory_space<hbm>>
    %dma_start3A_330 = arith.constant 0 : i32
    %dma_start3A_331 = arith.constant 0 : i32
    %dma_start3A_332 = tpu.memref_slice %arg6[%dma_start3A_321, %dma_start3A_330, %dma_start3A_331] : memref<2x512x64xf32, #tpu.memory_space<vmem>> -> memref<1x512x64xf32, #tpu.memory_space<vmem>>
    %dma_start3A_333 = tpu.memref_squeeze %dma_start3A_332 : memref<1x512x64xf32, #tpu.memory_space<vmem>> -> memref<512x64xf32, #tpu.memory_space<vmem>>
    tpu.enqueue_dma source(%dma_start3A_333 : memref<512x64xf32, #tpu.memory_space<vmem>>) target(%dma_start3A_329 : memref<512x64xf32, #tpu.memory_space<hbm>>) target_semaphore(%arg8 : memref<!tpu.dma_semaphore, #tpu.memory_space<semaphore_mem>>)
    %dma_wait3A_334 = arith.constant 1 : i32
    %dma_wait3A_335 = arith.constant 0 : i32
    %dma_wait3A_336 = arith.constant 0 : i32
    %dma_wait3A_337 = tpu.memref_slice %arg6[%dma_wait3A_334, %dma_wait3A_335, %dma_wait3A_336] : memref<2x512x64xf32, #tpu.memory_space<vmem>> -> memref<1x512x64xf32, #tpu.memory_space<vmem>>
    %dma_wait3A_338 = tpu.memref_squeeze %dma_wait3A_337 : memref<1x512x64xf32, #tpu.memory_space<vmem>> -> memref<512x64xf32, #tpu.memory_space<vmem>>
    %dma_wait3A_339 = arith.constant 3584 : i32
    %dma_wait3A_340 = tpu.memref_slice %arg5[%dma_wait3A_339] : memref<4096xi32, #tpu.memory_space<vmem>> -> memref<512xi32, #tpu.memory_space<vmem>>
    %dma_wait3A_341 = arith.constant 0 : i32
    %dma_wait3A_342 = arith.constant 0 : i32
    %dma_wait3A_343 = tpu.memref_slice %arg3[%dma_wait3A_341, %dma_wait3A_342] : memref<8192x64xf32, #tpu.memory_space<hbm>> -> memref<8192x64xf32, #tpu.memory_space<hbm>>
    tpu.wait_indirect_dma semaphore(%arg7 : memref<!tpu.dma_semaphore, #tpu.memory_space<semaphore_mem>>) src(%dma_wait3A_343 : memref<8192x64xf32, #tpu.memory_space<hbm>>) dst(%dma_wait3A_338 : memref<512x64xf32, #tpu.memory_space<vmem>>)
    %add3A_344 = arith.constant 3584 : i32
    %add3A_345 = arith.addi %mul3A_2, %add3A_344 : i32
    %dma_start3A_346 = arith.constant 1 : i32
    %dma_start3A_347 = arith.constant 0 : i32
    %dma_start3A_348 = arith.constant 0 : i32
    %dma_start3A_349 = tpu.memref_slice %arg6[%dma_start3A_346, %dma_start3A_347, %dma_start3A_348] : memref<2x512x64xf32, #tpu.memory_space<vmem>> -> memref<1x512x64xf32, #tpu.memory_space<vmem>>
    %dma_start3A_350 = tpu.memref_squeeze %dma_start3A_349 : memref<1x512x64xf32, #tpu.memory_space<vmem>> -> memref<512x64xf32, #tpu.memory_space<vmem>>
    %dma_start3A_351 = arith.constant 0 : i32
    %dma_start3A_352 = tpu.memref_slice %arg4[%add3A_345, %dma_start3A_351] : memref<131072x64xf32, #tpu.memory_space<hbm>> -> memref<512x64xf32, #tpu.memory_space<hbm>>
    %dma_start3A_353 = arith.constant 0 : i32
    %dma_start3A_354 = tpu.memref_slice %arg4[%add3A_345, %dma_start3A_353] : memref<131072x64xf32, #tpu.memory_space<hbm>> -> memref<512x64xf32, #tpu.memory_space<hbm>>
    %dma_start3A_355 = arith.constant 0 : i32
    %dma_start3A_356 = arith.constant 0 : i32
    %dma_start3A_357 = tpu.memref_slice %arg6[%dma_start3A_346, %dma_start3A_355, %dma_start3A_356] : memref<2x512x64xf32, #tpu.memory_space<vmem>> -> memref<1x512x64xf32, #tpu.memory_space<vmem>>
    %dma_start3A_358 = tpu.memref_squeeze %dma_start3A_357 : memref<1x512x64xf32, #tpu.memory_space<vmem>> -> memref<512x64xf32, #tpu.memory_space<vmem>>
    tpu.enqueue_dma source(%dma_start3A_358 : memref<512x64xf32, #tpu.memory_space<vmem>>) target(%dma_start3A_354 : memref<512x64xf32, #tpu.memory_space<hbm>>) target_semaphore(%arg8 : memref<!tpu.dma_semaphore, #tpu.memory_space<semaphore_mem>>)
    %dma_wait3A_359 = arith.constant 0 : i32
    %dma_wait3A_360 = arith.constant 0 : i32
    %dma_wait3A_361 = arith.constant 0 : i32
    %dma_wait3A_362 = tpu.memref_slice %arg6[%dma_wait3A_359, %dma_wait3A_360, %dma_wait3A_361] : memref<2x512x64xf32, #tpu.memory_space<vmem>> -> memref<1x512x64xf32, #tpu.memory_space<vmem>>
    %dma_wait3A_363 = tpu.memref_squeeze %dma_wait3A_362 : memref<1x512x64xf32, #tpu.memory_space<vmem>> -> memref<512x64xf32, #tpu.memory_space<vmem>>
    %dma_wait3A_364 = arith.constant 0 : i32
    %dma_wait3A_365 = tpu.memref_slice %arg4[%add3A_320, %dma_wait3A_364] : memref<131072x64xf32, #tpu.memory_space<hbm>> -> memref<512x64xf32, #tpu.memory_space<hbm>>
    %dma_wait3A_366 = arith.constant 0 : i32
    %dma_wait3A_367 = tpu.memref_slice %arg4[%add3A_320, %dma_wait3A_366] : memref<131072x64xf32, #tpu.memory_space<hbm>> -> memref<512x64xf32, #tpu.memory_space<hbm>>
    %dma_wait3A_368 = arith.constant 0 : i32
    %dma_wait3A_369 = arith.constant 0 : i32
    %dma_wait3A_370 = tpu.memref_slice %arg6[%dma_wait3A_359, %dma_wait3A_368, %dma_wait3A_369] : memref<2x512x64xf32, #tpu.memory_space<vmem>> -> memref<1x512x64xf32, #tpu.memory_space<vmem>>
    %dma_wait3A_371 = tpu.memref_squeeze %dma_wait3A_370 : memref<1x512x64xf32, #tpu.memory_space<vmem>> -> memref<512x64xf32, #tpu.memory_space<vmem>>
    tpu.wait_dma2 semaphore(%arg8 : memref<!tpu.dma_semaphore, #tpu.memory_space<semaphore_mem>>) src(%dma_wait3A_371 : memref<512x64xf32, #tpu.memory_space<vmem>>) dst(%dma_wait3A_367 : memref<512x64xf32, #tpu.memory_space<hbm>>)
    %dma_wait3A_372 = arith.constant 1 : i32
    %dma_wait3A_373 = arith.constant 0 : i32
    %dma_wait3A_374 = arith.constant 0 : i32
    %dma_wait3A_375 = tpu.memref_slice %arg6[%dma_wait3A_372, %dma_wait3A_373, %dma_wait3A_374] : memref<2x512x64xf32, #tpu.memory_space<vmem>> -> memref<1x512x64xf32, #tpu.memory_space<vmem>>
    %dma_wait3A_376 = tpu.memref_squeeze %dma_wait3A_375 : memref<1x512x64xf32, #tpu.memory_space<vmem>> -> memref<512x64xf32, #tpu.memory_space<vmem>>
    %dma_wait3A_377 = arith.constant 0 : i32
    %dma_wait3A_378 = tpu.memref_slice %arg4[%add3A_345, %dma_wait3A_377] : memref<131072x64xf32, #tpu.memory_space<hbm>> -> memref<512x64xf32, #tpu.memory_space<hbm>>
    %dma_wait3A_379 = arith.constant 0 : i32
    %dma_wait3A_380 = tpu.memref_slice %arg4[%add3A_345, %dma_wait3A_379] : memref<131072x64xf32, #tpu.memory_space<hbm>> -> memref<512x64xf32, #tpu.memory_space<hbm>>
    %dma_wait3A_381 = arith.constant 0 : i32
    %dma_wait3A_382 = arith.constant 0 : i32
    %dma_wait3A_383 = tpu.memref_slice %arg6[%dma_wait3A_372, %dma_wait3A_381, %dma_wait3A_382] : memref<2x512x64xf32, #tpu.memory_space<vmem>> -> memref<1x512x64xf32, #tpu.memory_space<vmem>>
    %dma_wait3A_384 = tpu.memref_squeeze %dma_wait3A_383 : memref<1x512x64xf32, #tpu.memory_space<vmem>> -> memref<512x64xf32, #tpu.memory_space<vmem>>
    tpu.wait_dma2 semaphore(%arg8 : memref<!tpu.dma_semaphore, #tpu.memory_space<semaphore_mem>>) src(%dma_wait3A_384 : memref<512x64xf32, #tpu.memory_space<vmem>>) dst(%dma_wait3A_380 : memref<512x64xf32, #tpu.memory_space<hbm>>)
    return
  }
}

#map = affine_map<(d0, d1) -> (0)>
#map1 = affine_map<(d0, d1) -> (0, 0)>
module attributes {stable_mosaic.version = 14 : i64} {
  func.func @_sc_gather_body(%arg0: i32, %arg1: i32, %arg2: memref<131072xi32, #tpu.memory_space<hbm>>, %arg3: memref<8192x64xf32, #tpu.memory_space<hbm>>, %arg4: memref<131072x64xf32, #tpu.memory_space<hbm>>, %arg5: memref<4096xi32, #tpu.memory_space<vmem>>, %arg6: memref<2x512x64xf32, #tpu.memory_space<vmem>>, %arg7: memref<!tpu.dma_semaphore, #tpu.memory_space<semaphore_mem>>, %arg8: memref<!tpu.dma_semaphore, #tpu.memory_space<semaphore_mem>>) attributes {dimension_semantics = [#tpu.dimension_semantics<core_parallel>, #tpu.dimension_semantics<subcore_parallel>], iteration_bounds = array<i64: 2, 16>, scalar_prefetch = 0 : i64, scratch_operands = 4 : i64, tpu.core_type = #tpu.core_type<sc_vector_subcore>, window_params = [{transform_indices = #map}, {transform_indices = #map1}, {transform_indices = #map1}]} {
    %mul3A = arith.constant 2 : i32
    %mul3A_0 = arith.muli %arg1, %mul3A : i32
    %add3A = arith.addi %mul3A_0, %arg0 : i32
    %mul3A_1 = arith.constant 4096 : i32
    %mul3A_2 = arith.muli %add3A, %mul3A_1 : i32
    "tpu.region"() ({
      %run_scoped3A = tpu.sem_alloc : memref<!tpu.dma_semaphore, #tpu.memory_space<semaphore_mem>>
      %dma_start3A_385 = tpu.memref_slice %arg2[%mul3A_2] : memref<131072xi32, #tpu.memory_space<hbm>> -> memref<4096xi32, #tpu.memory_space<hbm>>
      %dma_start3A_386 = tpu.memref_slice %arg2[%mul3A_2] : memref<131072xi32, #tpu.memory_space<hbm>> -> memref<4096xi32, #tpu.memory_space<hbm>>
      tpu.enqueue_dma source(%dma_start3A_386 : memref<4096xi32, #tpu.memory_space<hbm>>) target(%arg5 : memref<4096xi32, #tpu.memory_space<vmem>>) target_semaphore(%run_scoped3A : memref<!tpu.dma_semaphore, #tpu.memory_space<semaphore_mem>>)
      %dma_wait3A_387 = tpu.memref_slice %arg2[%mul3A_2] : memref<131072xi32, #tpu.memory_space<hbm>> -> memref<4096xi32, #tpu.memory_space<hbm>>
      %dma_wait3A_388 = tpu.memref_slice %arg2[%mul3A_2] : memref<131072xi32, #tpu.memory_space<hbm>> -> memref<4096xi32, #tpu.memory_space<hbm>>
      tpu.wait_dma2 semaphore(%run_scoped3A : memref<!tpu.dma_semaphore, #tpu.memory_space<semaphore_mem>>) src(%dma_wait3A_388 : memref<4096xi32, #tpu.memory_space<hbm>>) dst(%arg5 : memref<4096xi32, #tpu.memory_space<vmem>>)
      tpu.yield
    }) : () -> ()
    %dma_start3A = arith.constant 0 : i32
    %dma_start3A_3 = arith.constant 0 : i32
    %dma_start3A_4 = arith.constant 0 : i32
    %dma_start3A_5 = tpu.memref_slice %arg6[%dma_start3A, %dma_start3A_3, %dma_start3A_4] : memref<2x512x64xf32, #tpu.memory_space<vmem>> -> memref<1x512x64xf32, #tpu.memory_space<vmem>>
    %dma_start3A_6 = tpu.memref_squeeze %dma_start3A_5 : memref<1x512x64xf32, #tpu.memory_space<vmem>> -> memref<512x64xf32, #tpu.memory_space<vmem>>
    %dma_start3A_7 = arith.constant 0 : i32
    %dma_start3A_8 = tpu.memref_slice %arg5[%dma_start3A_7] : memref<4096xi32, #tpu.memory_space<vmem>> -> memref<512xi32, #tpu.memory_space<vmem>>
    %dma_start3A_9 = arith.constant 0 : i32
    %dma_start3A_10 = arith.constant 0 : i32
    %dma_start3A_11 = tpu.memref_slice %arg3[%dma_start3A_9, %dma_start3A_10] : memref<8192x64xf32, #tpu.memory_space<hbm>> -> memref<8192x64xf32, #tpu.memory_space<hbm>>
    tpu.enqueue_indirect_dma source(%dma_start3A_11 : memref<8192x64xf32, #tpu.memory_space<hbm>>) target(%dma_start3A_6 : memref<512x64xf32, #tpu.memory_space<vmem>>) offsets(%dma_start3A_8 : memref<512xi32, #tpu.memory_space<vmem>>) semaphore(%arg7 : memref<!tpu.dma_semaphore, #tpu.memory_space<semaphore_mem>>)
    %dma_start3A_12 = arith.constant 1 : i32
    %dma_start3A_13 = arith.constant 0 : i32
    %dma_start3A_14 = arith.constant 0 : i32
    %dma_start3A_15 = tpu.memref_slice %arg6[%dma_start3A_12, %dma_start3A_13, %dma_start3A_14] : memref<2x512x64xf32, #tpu.memory_space<vmem>> -> memref<1x512x64xf32, #tpu.memory_space<vmem>>
    %dma_start3A_16 = tpu.memref_squeeze %dma_start3A_15 : memref<1x512x64xf32, #tpu.memory_space<vmem>> -> memref<512x64xf32, #tpu.memory_space<vmem>>
    %dma_start3A_17 = arith.constant 512 : i32
    %dma_start3A_18 = tpu.memref_slice %arg5[%dma_start3A_17] : memref<4096xi32, #tpu.memory_space<vmem>> -> memref<512xi32, #tpu.memory_space<vmem>>
    %dma_start3A_19 = arith.constant 0 : i32
    %dma_start3A_20 = arith.constant 0 : i32
    %dma_start3A_21 = tpu.memref_slice %arg3[%dma_start3A_19, %dma_start3A_20] : memref<8192x64xf32, #tpu.memory_space<hbm>> -> memref<8192x64xf32, #tpu.memory_space<hbm>>
    tpu.enqueue_indirect_dma source(%dma_start3A_21 : memref<8192x64xf32, #tpu.memory_space<hbm>>) target(%dma_start3A_16 : memref<512x64xf32, #tpu.memory_space<vmem>>) offsets(%dma_start3A_18 : memref<512xi32, #tpu.memory_space<vmem>>) semaphore(%arg7 : memref<!tpu.dma_semaphore, #tpu.memory_space<semaphore_mem>>)
    %dma_wait3A = arith.constant 0 : i32
    %dma_wait3A_22 = arith.constant 0 : i32
    %dma_wait3A_23 = arith.constant 0 : i32
    %dma_wait3A_24 = tpu.memref_slice %arg6[%dma_wait3A, %dma_wait3A_22, %dma_wait3A_23] : memref<2x512x64xf32, #tpu.memory_space<vmem>> -> memref<1x512x64xf32, #tpu.memory_space<vmem>>
    %dma_wait3A_25 = tpu.memref_squeeze %dma_wait3A_24 : memref<1x512x64xf32, #tpu.memory_space<vmem>> -> memref<512x64xf32, #tpu.memory_space<vmem>>
    %dma_wait3A_26 = arith.constant 0 : i32
    %dma_wait3A_27 = tpu.memref_slice %arg5[%dma_wait3A_26] : memref<4096xi32, #tpu.memory_space<vmem>> -> memref<512xi32, #tpu.memory_space<vmem>>
    %dma_wait3A_28 = arith.constant 0 : i32
    %dma_wait3A_29 = arith.constant 0 : i32
    %dma_wait3A_30 = tpu.memref_slice %arg3[%dma_wait3A_28, %dma_wait3A_29] : memref<8192x64xf32, #tpu.memory_space<hbm>> -> memref<8192x64xf32, #tpu.memory_space<hbm>>
    tpu.wait_indirect_dma semaphore(%arg7 : memref<!tpu.dma_semaphore, #tpu.memory_space<semaphore_mem>>) src(%dma_wait3A_30 : memref<8192x64xf32, #tpu.memory_space<hbm>>) dst(%dma_wait3A_25 : memref<512x64xf32, #tpu.memory_space<vmem>>)
    %add3A_31 = arith.constant 0 : i32
    %add3A_32 = arith.addi %mul3A_2, %add3A_31 : i32
    %dma_start3A_33 = arith.constant 0 : i32
    %dma_start3A_34 = arith.constant 0 : i32
    %dma_start3A_35 = arith.constant 0 : i32
    %dma_start3A_36 = tpu.memref_slice %arg6[%dma_start3A_33, %dma_start3A_34, %dma_start3A_35] : memref<2x512x64xf32, #tpu.memory_space<vmem>> -> memref<1x512x64xf32, #tpu.memory_space<vmem>>
    %dma_start3A_37 = tpu.memref_squeeze %dma_start3A_36 : memref<1x512x64xf32, #tpu.memory_space<vmem>> -> memref<512x64xf32, #tpu.memory_space<vmem>>
    %dma_start3A_38 = arith.constant 0 : i32
    %dma_start3A_39 = tpu.memref_slice %arg4[%add3A_32, %dma_start3A_38] : memref<131072x64xf32, #tpu.memory_space<hbm>> -> memref<512x64xf32, #tpu.memory_space<hbm>>
    %dma_start3A_40 = arith.constant 0 : i32
    %dma_start3A_41 = tpu.memref_slice %arg4[%add3A_32, %dma_start3A_40] : memref<131072x64xf32, #tpu.memory_space<hbm>> -> memref<512x64xf32, #tpu.memory_space<hbm>>
    %dma_start3A_42 = arith.constant 0 : i32
    %dma_start3A_43 = arith.constant 0 : i32
    %dma_start3A_44 = tpu.memref_slice %arg6[%dma_start3A_33, %dma_start3A_42, %dma_start3A_43] : memref<2x512x64xf32, #tpu.memory_space<vmem>> -> memref<1x512x64xf32, #tpu.memory_space<vmem>>
    %dma_start3A_45 = tpu.memref_squeeze %dma_start3A_44 : memref<1x512x64xf32, #tpu.memory_space<vmem>> -> memref<512x64xf32, #tpu.memory_space<vmem>>
    tpu.enqueue_dma source(%dma_start3A_45 : memref<512x64xf32, #tpu.memory_space<vmem>>) target(%dma_start3A_41 : memref<512x64xf32, #tpu.memory_space<hbm>>) target_semaphore(%arg8 : memref<!tpu.dma_semaphore, #tpu.memory_space<semaphore_mem>>)
    %dma_wait3A_46 = arith.constant 0 : i32
    %dma_wait3A_47 = arith.constant 0 : i32
    %dma_wait3A_48 = arith.constant 0 : i32
    %dma_wait3A_49 = tpu.memref_slice %arg6[%dma_wait3A_46, %dma_wait3A_47, %dma_wait3A_48] : memref<2x512x64xf32, #tpu.memory_space<vmem>> -> memref<1x512x64xf32, #tpu.memory_space<vmem>>
    %dma_wait3A_50 = tpu.memref_squeeze %dma_wait3A_49 : memref<1x512x64xf32, #tpu.memory_space<vmem>> -> memref<512x64xf32, #tpu.memory_space<vmem>>
    %dma_wait3A_51 = arith.constant 0 : i32
    %dma_wait3A_52 = tpu.memref_slice %arg4[%add3A_32, %dma_wait3A_51] : memref<131072x64xf32, #tpu.memory_space<hbm>> -> memref<512x64xf32, #tpu.memory_space<hbm>>
    %dma_wait3A_53 = arith.constant 0 : i32
    %dma_wait3A_54 = tpu.memref_slice %arg4[%add3A_32, %dma_wait3A_53] : memref<131072x64xf32, #tpu.memory_space<hbm>> -> memref<512x64xf32, #tpu.memory_space<hbm>>
    %dma_wait3A_55 = arith.constant 0 : i32
    %dma_wait3A_56 = arith.constant 0 : i32
    %dma_wait3A_57 = tpu.memref_slice %arg6[%dma_wait3A_46, %dma_wait3A_55, %dma_wait3A_56] : memref<2x512x64xf32, #tpu.memory_space<vmem>> -> memref<1x512x64xf32, #tpu.memory_space<vmem>>
    %dma_wait3A_58 = tpu.memref_squeeze %dma_wait3A_57 : memref<1x512x64xf32, #tpu.memory_space<vmem>> -> memref<512x64xf32, #tpu.memory_space<vmem>>
    tpu.wait_dma2 semaphore(%arg8 : memref<!tpu.dma_semaphore, #tpu.memory_space<semaphore_mem>>) src(%dma_wait3A_58 : memref<512x64xf32, #tpu.memory_space<vmem>>) dst(%dma_wait3A_54 : memref<512x64xf32, #tpu.memory_space<hbm>>)
    %dma_start3A_59 = arith.constant 0 : i32
    %dma_start3A_60 = arith.constant 0 : i32
    %dma_start3A_61 = arith.constant 0 : i32
    %dma_start3A_62 = tpu.memref_slice %arg6[%dma_start3A_59, %dma_start3A_60, %dma_start3A_61] : memref<2x512x64xf32, #tpu.memory_space<vmem>> -> memref<1x512x64xf32, #tpu.memory_space<vmem>>
    %dma_start3A_63 = tpu.memref_squeeze %dma_start3A_62 : memref<1x512x64xf32, #tpu.memory_space<vmem>> -> memref<512x64xf32, #tpu.memory_space<vmem>>
    %dma_start3A_64 = arith.constant 1024 : i32
    %dma_start3A_65 = tpu.memref_slice %arg5[%dma_start3A_64] : memref<4096xi32, #tpu.memory_space<vmem>> -> memref<512xi32, #tpu.memory_space<vmem>>
    %dma_start3A_66 = arith.constant 0 : i32
    %dma_start3A_67 = arith.constant 0 : i32
    %dma_start3A_68 = tpu.memref_slice %arg3[%dma_start3A_66, %dma_start3A_67] : memref<8192x64xf32, #tpu.memory_space<hbm>> -> memref<8192x64xf32, #tpu.memory_space<hbm>>
    tpu.enqueue_indirect_dma source(%dma_start3A_68 : memref<8192x64xf32, #tpu.memory_space<hbm>>) target(%dma_start3A_63 : memref<512x64xf32, #tpu.memory_space<vmem>>) offsets(%dma_start3A_65 : memref<512xi32, #tpu.memory_space<vmem>>) semaphore(%arg7 : memref<!tpu.dma_semaphore, #tpu.memory_space<semaphore_mem>>)
    %dma_wait3A_69 = arith.constant 1 : i32
    %dma_wait3A_70 = arith.constant 0 : i32
    %dma_wait3A_71 = arith.constant 0 : i32
    %dma_wait3A_72 = tpu.memref_slice %arg6[%dma_wait3A_69, %dma_wait3A_70, %dma_wait3A_71] : memref<2x512x64xf32, #tpu.memory_space<vmem>> -> memref<1x512x64xf32, #tpu.memory_space<vmem>>
    %dma_wait3A_73 = tpu.memref_squeeze %dma_wait3A_72 : memref<1x512x64xf32, #tpu.memory_space<vmem>> -> memref<512x64xf32, #tpu.memory_space<vmem>>
    %dma_wait3A_74 = arith.constant 512 : i32
    %dma_wait3A_75 = tpu.memref_slice %arg5[%dma_wait3A_74] : memref<4096xi32, #tpu.memory_space<vmem>> -> memref<512xi32, #tpu.memory_space<vmem>>
    %dma_wait3A_76 = arith.constant 0 : i32
    %dma_wait3A_77 = arith.constant 0 : i32
    %dma_wait3A_78 = tpu.memref_slice %arg3[%dma_wait3A_76, %dma_wait3A_77] : memref<8192x64xf32, #tpu.memory_space<hbm>> -> memref<8192x64xf32, #tpu.memory_space<hbm>>
    tpu.wait_indirect_dma semaphore(%arg7 : memref<!tpu.dma_semaphore, #tpu.memory_space<semaphore_mem>>) src(%dma_wait3A_78 : memref<8192x64xf32, #tpu.memory_space<hbm>>) dst(%dma_wait3A_73 : memref<512x64xf32, #tpu.memory_space<vmem>>)
    %add3A_79 = arith.constant 512 : i32
    %add3A_80 = arith.addi %mul3A_2, %add3A_79 : i32
    %dma_start3A_81 = arith.constant 1 : i32
    %dma_start3A_82 = arith.constant 0 : i32
    %dma_start3A_83 = arith.constant 0 : i32
    %dma_start3A_84 = tpu.memref_slice %arg6[%dma_start3A_81, %dma_start3A_82, %dma_start3A_83] : memref<2x512x64xf32, #tpu.memory_space<vmem>> -> memref<1x512x64xf32, #tpu.memory_space<vmem>>
    %dma_start3A_85 = tpu.memref_squeeze %dma_start3A_84 : memref<1x512x64xf32, #tpu.memory_space<vmem>> -> memref<512x64xf32, #tpu.memory_space<vmem>>
    %dma_start3A_86 = arith.constant 0 : i32
    %dma_start3A_87 = tpu.memref_slice %arg4[%add3A_80, %dma_start3A_86] : memref<131072x64xf32, #tpu.memory_space<hbm>> -> memref<512x64xf32, #tpu.memory_space<hbm>>
    %dma_start3A_88 = arith.constant 0 : i32
    %dma_start3A_89 = tpu.memref_slice %arg4[%add3A_80, %dma_start3A_88] : memref<131072x64xf32, #tpu.memory_space<hbm>> -> memref<512x64xf32, #tpu.memory_space<hbm>>
    %dma_start3A_90 = arith.constant 0 : i32
    %dma_start3A_91 = arith.constant 0 : i32
    %dma_start3A_92 = tpu.memref_slice %arg6[%dma_start3A_81, %dma_start3A_90, %dma_start3A_91] : memref<2x512x64xf32, #tpu.memory_space<vmem>> -> memref<1x512x64xf32, #tpu.memory_space<vmem>>
    %dma_start3A_93 = tpu.memref_squeeze %dma_start3A_92 : memref<1x512x64xf32, #tpu.memory_space<vmem>> -> memref<512x64xf32, #tpu.memory_space<vmem>>
    tpu.enqueue_dma source(%dma_start3A_93 : memref<512x64xf32, #tpu.memory_space<vmem>>) target(%dma_start3A_89 : memref<512x64xf32, #tpu.memory_space<hbm>>) target_semaphore(%arg8 : memref<!tpu.dma_semaphore, #tpu.memory_space<semaphore_mem>>)
    %dma_wait3A_94 = arith.constant 1 : i32
    %dma_wait3A_95 = arith.constant 0 : i32
    %dma_wait3A_96 = arith.constant 0 : i32
    %dma_wait3A_97 = tpu.memref_slice %arg6[%dma_wait3A_94, %dma_wait3A_95, %dma_wait3A_96] : memref<2x512x64xf32, #tpu.memory_space<vmem>> -> memref<1x512x64xf32, #tpu.memory_space<vmem>>
    %dma_wait3A_98 = tpu.memref_squeeze %dma_wait3A_97 : memref<1x512x64xf32, #tpu.memory_space<vmem>> -> memref<512x64xf32, #tpu.memory_space<vmem>>
    %dma_wait3A_99 = arith.constant 0 : i32
    %dma_wait3A_100 = tpu.memref_slice %arg4[%add3A_80, %dma_wait3A_99] : memref<131072x64xf32, #tpu.memory_space<hbm>> -> memref<512x64xf32, #tpu.memory_space<hbm>>
    %dma_wait3A_101 = arith.constant 0 : i32
    %dma_wait3A_102 = tpu.memref_slice %arg4[%add3A_80, %dma_wait3A_101] : memref<131072x64xf32, #tpu.memory_space<hbm>> -> memref<512x64xf32, #tpu.memory_space<hbm>>
    %dma_wait3A_103 = arith.constant 0 : i32
    %dma_wait3A_104 = arith.constant 0 : i32
    %dma_wait3A_105 = tpu.memref_slice %arg6[%dma_wait3A_94, %dma_wait3A_103, %dma_wait3A_104] : memref<2x512x64xf32, #tpu.memory_space<vmem>> -> memref<1x512x64xf32, #tpu.memory_space<vmem>>
    %dma_wait3A_106 = tpu.memref_squeeze %dma_wait3A_105 : memref<1x512x64xf32, #tpu.memory_space<vmem>> -> memref<512x64xf32, #tpu.memory_space<vmem>>
    tpu.wait_dma2 semaphore(%arg8 : memref<!tpu.dma_semaphore, #tpu.memory_space<semaphore_mem>>) src(%dma_wait3A_106 : memref<512x64xf32, #tpu.memory_space<vmem>>) dst(%dma_wait3A_102 : memref<512x64xf32, #tpu.memory_space<hbm>>)
    %dma_start3A_107 = arith.constant 1 : i32
    %dma_start3A_108 = arith.constant 0 : i32
    %dma_start3A_109 = arith.constant 0 : i32
    %dma_start3A_110 = tpu.memref_slice %arg6[%dma_start3A_107, %dma_start3A_108, %dma_start3A_109] : memref<2x512x64xf32, #tpu.memory_space<vmem>> -> memref<1x512x64xf32, #tpu.memory_space<vmem>>
    %dma_start3A_111 = tpu.memref_squeeze %dma_start3A_110 : memref<1x512x64xf32, #tpu.memory_space<vmem>> -> memref<512x64xf32, #tpu.memory_space<vmem>>
    %dma_start3A_112 = arith.constant 1536 : i32
    %dma_start3A_113 = tpu.memref_slice %arg5[%dma_start3A_112] : memref<4096xi32, #tpu.memory_space<vmem>> -> memref<512xi32, #tpu.memory_space<vmem>>
    %dma_start3A_114 = arith.constant 0 : i32
    %dma_start3A_115 = arith.constant 0 : i32
    %dma_start3A_116 = tpu.memref_slice %arg3[%dma_start3A_114, %dma_start3A_115] : memref<8192x64xf32, #tpu.memory_space<hbm>> -> memref<8192x64xf32, #tpu.memory_space<hbm>>
    tpu.enqueue_indirect_dma source(%dma_start3A_116 : memref<8192x64xf32, #tpu.memory_space<hbm>>) target(%dma_start3A_111 : memref<512x64xf32, #tpu.memory_space<vmem>>) offsets(%dma_start3A_113 : memref<512xi32, #tpu.memory_space<vmem>>) semaphore(%arg7 : memref<!tpu.dma_semaphore, #tpu.memory_space<semaphore_mem>>)
    %dma_wait3A_117 = arith.constant 0 : i32
    %dma_wait3A_118 = arith.constant 0 : i32
    %dma_wait3A_119 = arith.constant 0 : i32
    %dma_wait3A_120 = tpu.memref_slice %arg6[%dma_wait3A_117, %dma_wait3A_118, %dma_wait3A_119] : memref<2x512x64xf32, #tpu.memory_space<vmem>> -> memref<1x512x64xf32, #tpu.memory_space<vmem>>
    %dma_wait3A_121 = tpu.memref_squeeze %dma_wait3A_120 : memref<1x512x64xf32, #tpu.memory_space<vmem>> -> memref<512x64xf32, #tpu.memory_space<vmem>>
    %dma_wait3A_122 = arith.constant 1024 : i32
    %dma_wait3A_123 = tpu.memref_slice %arg5[%dma_wait3A_122] : memref<4096xi32, #tpu.memory_space<vmem>> -> memref<512xi32, #tpu.memory_space<vmem>>
    %dma_wait3A_124 = arith.constant 0 : i32
    %dma_wait3A_125 = arith.constant 0 : i32
    %dma_wait3A_126 = tpu.memref_slice %arg3[%dma_wait3A_124, %dma_wait3A_125] : memref<8192x64xf32, #tpu.memory_space<hbm>> -> memref<8192x64xf32, #tpu.memory_space<hbm>>
    tpu.wait_indirect_dma semaphore(%arg7 : memref<!tpu.dma_semaphore, #tpu.memory_space<semaphore_mem>>) src(%dma_wait3A_126 : memref<8192x64xf32, #tpu.memory_space<hbm>>) dst(%dma_wait3A_121 : memref<512x64xf32, #tpu.memory_space<vmem>>)
    %add3A_127 = arith.constant 1024 : i32
    %add3A_128 = arith.addi %mul3A_2, %add3A_127 : i32
    %dma_start3A_129 = arith.constant 0 : i32
    %dma_start3A_130 = arith.constant 0 : i32
    %dma_start3A_131 = arith.constant 0 : i32
    %dma_start3A_132 = tpu.memref_slice %arg6[%dma_start3A_129, %dma_start3A_130, %dma_start3A_131] : memref<2x512x64xf32, #tpu.memory_space<vmem>> -> memref<1x512x64xf32, #tpu.memory_space<vmem>>
    %dma_start3A_133 = tpu.memref_squeeze %dma_start3A_132 : memref<1x512x64xf32, #tpu.memory_space<vmem>> -> memref<512x64xf32, #tpu.memory_space<vmem>>
    %dma_start3A_134 = arith.constant 0 : i32
    %dma_start3A_135 = tpu.memref_slice %arg4[%add3A_128, %dma_start3A_134] : memref<131072x64xf32, #tpu.memory_space<hbm>> -> memref<512x64xf32, #tpu.memory_space<hbm>>
    %dma_start3A_136 = arith.constant 0 : i32
    %dma_start3A_137 = tpu.memref_slice %arg4[%add3A_128, %dma_start3A_136] : memref<131072x64xf32, #tpu.memory_space<hbm>> -> memref<512x64xf32, #tpu.memory_space<hbm>>
    %dma_start3A_138 = arith.constant 0 : i32
    %dma_start3A_139 = arith.constant 0 : i32
    %dma_start3A_140 = tpu.memref_slice %arg6[%dma_start3A_129, %dma_start3A_138, %dma_start3A_139] : memref<2x512x64xf32, #tpu.memory_space<vmem>> -> memref<1x512x64xf32, #tpu.memory_space<vmem>>
    %dma_start3A_141 = tpu.memref_squeeze %dma_start3A_140 : memref<1x512x64xf32, #tpu.memory_space<vmem>> -> memref<512x64xf32, #tpu.memory_space<vmem>>
    tpu.enqueue_dma source(%dma_start3A_141 : memref<512x64xf32, #tpu.memory_space<vmem>>) target(%dma_start3A_137 : memref<512x64xf32, #tpu.memory_space<hbm>>) target_semaphore(%arg8 : memref<!tpu.dma_semaphore, #tpu.memory_space<semaphore_mem>>)
    %dma_wait3A_142 = arith.constant 0 : i32
    %dma_wait3A_143 = arith.constant 0 : i32
    %dma_wait3A_144 = arith.constant 0 : i32
    %dma_wait3A_145 = tpu.memref_slice %arg6[%dma_wait3A_142, %dma_wait3A_143, %dma_wait3A_144] : memref<2x512x64xf32, #tpu.memory_space<vmem>> -> memref<1x512x64xf32, #tpu.memory_space<vmem>>
    %dma_wait3A_146 = tpu.memref_squeeze %dma_wait3A_145 : memref<1x512x64xf32, #tpu.memory_space<vmem>> -> memref<512x64xf32, #tpu.memory_space<vmem>>
    %dma_wait3A_147 = arith.constant 0 : i32
    %dma_wait3A_148 = tpu.memref_slice %arg4[%add3A_128, %dma_wait3A_147] : memref<131072x64xf32, #tpu.memory_space<hbm>> -> memref<512x64xf32, #tpu.memory_space<hbm>>
    %dma_wait3A_149 = arith.constant 0 : i32
    %dma_wait3A_150 = tpu.memref_slice %arg4[%add3A_128, %dma_wait3A_149] : memref<131072x64xf32, #tpu.memory_space<hbm>> -> memref<512x64xf32, #tpu.memory_space<hbm>>
    %dma_wait3A_151 = arith.constant 0 : i32
    %dma_wait3A_152 = arith.constant 0 : i32
    %dma_wait3A_153 = tpu.memref_slice %arg6[%dma_wait3A_142, %dma_wait3A_151, %dma_wait3A_152] : memref<2x512x64xf32, #tpu.memory_space<vmem>> -> memref<1x512x64xf32, #tpu.memory_space<vmem>>
    %dma_wait3A_154 = tpu.memref_squeeze %dma_wait3A_153 : memref<1x512x64xf32, #tpu.memory_space<vmem>> -> memref<512x64xf32, #tpu.memory_space<vmem>>
    tpu.wait_dma2 semaphore(%arg8 : memref<!tpu.dma_semaphore, #tpu.memory_space<semaphore_mem>>) src(%dma_wait3A_154 : memref<512x64xf32, #tpu.memory_space<vmem>>) dst(%dma_wait3A_150 : memref<512x64xf32, #tpu.memory_space<hbm>>)
    %dma_start3A_155 = arith.constant 0 : i32
    %dma_start3A_156 = arith.constant 0 : i32
    %dma_start3A_157 = arith.constant 0 : i32
    %dma_start3A_158 = tpu.memref_slice %arg6[%dma_start3A_155, %dma_start3A_156, %dma_start3A_157] : memref<2x512x64xf32, #tpu.memory_space<vmem>> -> memref<1x512x64xf32, #tpu.memory_space<vmem>>
    %dma_start3A_159 = tpu.memref_squeeze %dma_start3A_158 : memref<1x512x64xf32, #tpu.memory_space<vmem>> -> memref<512x64xf32, #tpu.memory_space<vmem>>
    %dma_start3A_160 = arith.constant 2048 : i32
    %dma_start3A_161 = tpu.memref_slice %arg5[%dma_start3A_160] : memref<4096xi32, #tpu.memory_space<vmem>> -> memref<512xi32, #tpu.memory_space<vmem>>
    %dma_start3A_162 = arith.constant 0 : i32
    %dma_start3A_163 = arith.constant 0 : i32
    %dma_start3A_164 = tpu.memref_slice %arg3[%dma_start3A_162, %dma_start3A_163] : memref<8192x64xf32, #tpu.memory_space<hbm>> -> memref<8192x64xf32, #tpu.memory_space<hbm>>
    tpu.enqueue_indirect_dma source(%dma_start3A_164 : memref<8192x64xf32, #tpu.memory_space<hbm>>) target(%dma_start3A_159 : memref<512x64xf32, #tpu.memory_space<vmem>>) offsets(%dma_start3A_161 : memref<512xi32, #tpu.memory_space<vmem>>) semaphore(%arg7 : memref<!tpu.dma_semaphore, #tpu.memory_space<semaphore_mem>>)
    %dma_wait3A_165 = arith.constant 1 : i32
    %dma_wait3A_166 = arith.constant 0 : i32
    %dma_wait3A_167 = arith.constant 0 : i32
    %dma_wait3A_168 = tpu.memref_slice %arg6[%dma_wait3A_165, %dma_wait3A_166, %dma_wait3A_167] : memref<2x512x64xf32, #tpu.memory_space<vmem>> -> memref<1x512x64xf32, #tpu.memory_space<vmem>>
    %dma_wait3A_169 = tpu.memref_squeeze %dma_wait3A_168 : memref<1x512x64xf32, #tpu.memory_space<vmem>> -> memref<512x64xf32, #tpu.memory_space<vmem>>
    %dma_wait3A_170 = arith.constant 1536 : i32
    %dma_wait3A_171 = tpu.memref_slice %arg5[%dma_wait3A_170] : memref<4096xi32, #tpu.memory_space<vmem>> -> memref<512xi32, #tpu.memory_space<vmem>>
    %dma_wait3A_172 = arith.constant 0 : i32
    %dma_wait3A_173 = arith.constant 0 : i32
    %dma_wait3A_174 = tpu.memref_slice %arg3[%dma_wait3A_172, %dma_wait3A_173] : memref<8192x64xf32, #tpu.memory_space<hbm>> -> memref<8192x64xf32, #tpu.memory_space<hbm>>
    tpu.wait_indirect_dma semaphore(%arg7 : memref<!tpu.dma_semaphore, #tpu.memory_space<semaphore_mem>>) src(%dma_wait3A_174 : memref<8192x64xf32, #tpu.memory_space<hbm>>) dst(%dma_wait3A_169 : memref<512x64xf32, #tpu.memory_space<vmem>>)
    %add3A_175 = arith.constant 1536 : i32
    %add3A_176 = arith.addi %mul3A_2, %add3A_175 : i32
    %dma_start3A_177 = arith.constant 1 : i32
    %dma_start3A_178 = arith.constant 0 : i32
    %dma_start3A_179 = arith.constant 0 : i32
    %dma_start3A_180 = tpu.memref_slice %arg6[%dma_start3A_177, %dma_start3A_178, %dma_start3A_179] : memref<2x512x64xf32, #tpu.memory_space<vmem>> -> memref<1x512x64xf32, #tpu.memory_space<vmem>>
    %dma_start3A_181 = tpu.memref_squeeze %dma_start3A_180 : memref<1x512x64xf32, #tpu.memory_space<vmem>> -> memref<512x64xf32, #tpu.memory_space<vmem>>
    %dma_start3A_182 = arith.constant 0 : i32
    %dma_start3A_183 = tpu.memref_slice %arg4[%add3A_176, %dma_start3A_182] : memref<131072x64xf32, #tpu.memory_space<hbm>> -> memref<512x64xf32, #tpu.memory_space<hbm>>
    %dma_start3A_184 = arith.constant 0 : i32
    %dma_start3A_185 = tpu.memref_slice %arg4[%add3A_176, %dma_start3A_184] : memref<131072x64xf32, #tpu.memory_space<hbm>> -> memref<512x64xf32, #tpu.memory_space<hbm>>
    %dma_start3A_186 = arith.constant 0 : i32
    %dma_start3A_187 = arith.constant 0 : i32
    %dma_start3A_188 = tpu.memref_slice %arg6[%dma_start3A_177, %dma_start3A_186, %dma_start3A_187] : memref<2x512x64xf32, #tpu.memory_space<vmem>> -> memref<1x512x64xf32, #tpu.memory_space<vmem>>
    %dma_start3A_189 = tpu.memref_squeeze %dma_start3A_188 : memref<1x512x64xf32, #tpu.memory_space<vmem>> -> memref<512x64xf32, #tpu.memory_space<vmem>>
    tpu.enqueue_dma source(%dma_start3A_189 : memref<512x64xf32, #tpu.memory_space<vmem>>) target(%dma_start3A_185 : memref<512x64xf32, #tpu.memory_space<hbm>>) target_semaphore(%arg8 : memref<!tpu.dma_semaphore, #tpu.memory_space<semaphore_mem>>)
    %dma_wait3A_190 = arith.constant 1 : i32
    %dma_wait3A_191 = arith.constant 0 : i32
    %dma_wait3A_192 = arith.constant 0 : i32
    %dma_wait3A_193 = tpu.memref_slice %arg6[%dma_wait3A_190, %dma_wait3A_191, %dma_wait3A_192] : memref<2x512x64xf32, #tpu.memory_space<vmem>> -> memref<1x512x64xf32, #tpu.memory_space<vmem>>
    %dma_wait3A_194 = tpu.memref_squeeze %dma_wait3A_193 : memref<1x512x64xf32, #tpu.memory_space<vmem>> -> memref<512x64xf32, #tpu.memory_space<vmem>>
    %dma_wait3A_195 = arith.constant 0 : i32
    %dma_wait3A_196 = tpu.memref_slice %arg4[%add3A_176, %dma_wait3A_195] : memref<131072x64xf32, #tpu.memory_space<hbm>> -> memref<512x64xf32, #tpu.memory_space<hbm>>
    %dma_wait3A_197 = arith.constant 0 : i32
    %dma_wait3A_198 = tpu.memref_slice %arg4[%add3A_176, %dma_wait3A_197] : memref<131072x64xf32, #tpu.memory_space<hbm>> -> memref<512x64xf32, #tpu.memory_space<hbm>>
    %dma_wait3A_199 = arith.constant 0 : i32
    %dma_wait3A_200 = arith.constant 0 : i32
    %dma_wait3A_201 = tpu.memref_slice %arg6[%dma_wait3A_190, %dma_wait3A_199, %dma_wait3A_200] : memref<2x512x64xf32, #tpu.memory_space<vmem>> -> memref<1x512x64xf32, #tpu.memory_space<vmem>>
    %dma_wait3A_202 = tpu.memref_squeeze %dma_wait3A_201 : memref<1x512x64xf32, #tpu.memory_space<vmem>> -> memref<512x64xf32, #tpu.memory_space<vmem>>
    tpu.wait_dma2 semaphore(%arg8 : memref<!tpu.dma_semaphore, #tpu.memory_space<semaphore_mem>>) src(%dma_wait3A_202 : memref<512x64xf32, #tpu.memory_space<vmem>>) dst(%dma_wait3A_198 : memref<512x64xf32, #tpu.memory_space<hbm>>)
    %dma_start3A_203 = arith.constant 1 : i32
    %dma_start3A_204 = arith.constant 0 : i32
    %dma_start3A_205 = arith.constant 0 : i32
    %dma_start3A_206 = tpu.memref_slice %arg6[%dma_start3A_203, %dma_start3A_204, %dma_start3A_205] : memref<2x512x64xf32, #tpu.memory_space<vmem>> -> memref<1x512x64xf32, #tpu.memory_space<vmem>>
    %dma_start3A_207 = tpu.memref_squeeze %dma_start3A_206 : memref<1x512x64xf32, #tpu.memory_space<vmem>> -> memref<512x64xf32, #tpu.memory_space<vmem>>
    %dma_start3A_208 = arith.constant 2560 : i32
    %dma_start3A_209 = tpu.memref_slice %arg5[%dma_start3A_208] : memref<4096xi32, #tpu.memory_space<vmem>> -> memref<512xi32, #tpu.memory_space<vmem>>
    %dma_start3A_210 = arith.constant 0 : i32
    %dma_start3A_211 = arith.constant 0 : i32
    %dma_start3A_212 = tpu.memref_slice %arg3[%dma_start3A_210, %dma_start3A_211] : memref<8192x64xf32, #tpu.memory_space<hbm>> -> memref<8192x64xf32, #tpu.memory_space<hbm>>
    tpu.enqueue_indirect_dma source(%dma_start3A_212 : memref<8192x64xf32, #tpu.memory_space<hbm>>) target(%dma_start3A_207 : memref<512x64xf32, #tpu.memory_space<vmem>>) offsets(%dma_start3A_209 : memref<512xi32, #tpu.memory_space<vmem>>) semaphore(%arg7 : memref<!tpu.dma_semaphore, #tpu.memory_space<semaphore_mem>>)
    %dma_wait3A_213 = arith.constant 0 : i32
    %dma_wait3A_214 = arith.constant 0 : i32
    %dma_wait3A_215 = arith.constant 0 : i32
    %dma_wait3A_216 = tpu.memref_slice %arg6[%dma_wait3A_213, %dma_wait3A_214, %dma_wait3A_215] : memref<2x512x64xf32, #tpu.memory_space<vmem>> -> memref<1x512x64xf32, #tpu.memory_space<vmem>>
    %dma_wait3A_217 = tpu.memref_squeeze %dma_wait3A_216 : memref<1x512x64xf32, #tpu.memory_space<vmem>> -> memref<512x64xf32, #tpu.memory_space<vmem>>
    %dma_wait3A_218 = arith.constant 2048 : i32
    %dma_wait3A_219 = tpu.memref_slice %arg5[%dma_wait3A_218] : memref<4096xi32, #tpu.memory_space<vmem>> -> memref<512xi32, #tpu.memory_space<vmem>>
    %dma_wait3A_220 = arith.constant 0 : i32
    %dma_wait3A_221 = arith.constant 0 : i32
    %dma_wait3A_222 = tpu.memref_slice %arg3[%dma_wait3A_220, %dma_wait3A_221] : memref<8192x64xf32, #tpu.memory_space<hbm>> -> memref<8192x64xf32, #tpu.memory_space<hbm>>
    tpu.wait_indirect_dma semaphore(%arg7 : memref<!tpu.dma_semaphore, #tpu.memory_space<semaphore_mem>>) src(%dma_wait3A_222 : memref<8192x64xf32, #tpu.memory_space<hbm>>) dst(%dma_wait3A_217 : memref<512x64xf32, #tpu.memory_space<vmem>>)
    %add3A_223 = arith.constant 2048 : i32
    %add3A_224 = arith.addi %mul3A_2, %add3A_223 : i32
    %dma_start3A_225 = arith.constant 0 : i32
    %dma_start3A_226 = arith.constant 0 : i32
    %dma_start3A_227 = arith.constant 0 : i32
    %dma_start3A_228 = tpu.memref_slice %arg6[%dma_start3A_225, %dma_start3A_226, %dma_start3A_227] : memref<2x512x64xf32, #tpu.memory_space<vmem>> -> memref<1x512x64xf32, #tpu.memory_space<vmem>>
    %dma_start3A_229 = tpu.memref_squeeze %dma_start3A_228 : memref<1x512x64xf32, #tpu.memory_space<vmem>> -> memref<512x64xf32, #tpu.memory_space<vmem>>
    %dma_start3A_230 = arith.constant 0 : i32
    %dma_start3A_231 = tpu.memref_slice %arg4[%add3A_224, %dma_start3A_230] : memref<131072x64xf32, #tpu.memory_space<hbm>> -> memref<512x64xf32, #tpu.memory_space<hbm>>
    %dma_start3A_232 = arith.constant 0 : i32
    %dma_start3A_233 = tpu.memref_slice %arg4[%add3A_224, %dma_start3A_232] : memref<131072x64xf32, #tpu.memory_space<hbm>> -> memref<512x64xf32, #tpu.memory_space<hbm>>
    %dma_start3A_234 = arith.constant 0 : i32
    %dma_start3A_235 = arith.constant 0 : i32
    %dma_start3A_236 = tpu.memref_slice %arg6[%dma_start3A_225, %dma_start3A_234, %dma_start3A_235] : memref<2x512x64xf32, #tpu.memory_space<vmem>> -> memref<1x512x64xf32, #tpu.memory_space<vmem>>
    %dma_start3A_237 = tpu.memref_squeeze %dma_start3A_236 : memref<1x512x64xf32, #tpu.memory_space<vmem>> -> memref<512x64xf32, #tpu.memory_space<vmem>>
    tpu.enqueue_dma source(%dma_start3A_237 : memref<512x64xf32, #tpu.memory_space<vmem>>) target(%dma_start3A_233 : memref<512x64xf32, #tpu.memory_space<hbm>>) target_semaphore(%arg8 : memref<!tpu.dma_semaphore, #tpu.memory_space<semaphore_mem>>)
    %dma_wait3A_238 = arith.constant 0 : i32
    %dma_wait3A_239 = arith.constant 0 : i32
    %dma_wait3A_240 = arith.constant 0 : i32
    %dma_wait3A_241 = tpu.memref_slice %arg6[%dma_wait3A_238, %dma_wait3A_239, %dma_wait3A_240] : memref<2x512x64xf32, #tpu.memory_space<vmem>> -> memref<1x512x64xf32, #tpu.memory_space<vmem>>
    %dma_wait3A_242 = tpu.memref_squeeze %dma_wait3A_241 : memref<1x512x64xf32, #tpu.memory_space<vmem>> -> memref<512x64xf32, #tpu.memory_space<vmem>>
    %dma_wait3A_243 = arith.constant 0 : i32
    %dma_wait3A_244 = tpu.memref_slice %arg4[%add3A_224, %dma_wait3A_243] : memref<131072x64xf32, #tpu.memory_space<hbm>> -> memref<512x64xf32, #tpu.memory_space<hbm>>
    %dma_wait3A_245 = arith.constant 0 : i32
    %dma_wait3A_246 = tpu.memref_slice %arg4[%add3A_224, %dma_wait3A_245] : memref<131072x64xf32, #tpu.memory_space<hbm>> -> memref<512x64xf32, #tpu.memory_space<hbm>>
    %dma_wait3A_247 = arith.constant 0 : i32
    %dma_wait3A_248 = arith.constant 0 : i32
    %dma_wait3A_249 = tpu.memref_slice %arg6[%dma_wait3A_238, %dma_wait3A_247, %dma_wait3A_248] : memref<2x512x64xf32, #tpu.memory_space<vmem>> -> memref<1x512x64xf32, #tpu.memory_space<vmem>>
    %dma_wait3A_250 = tpu.memref_squeeze %dma_wait3A_249 : memref<1x512x64xf32, #tpu.memory_space<vmem>> -> memref<512x64xf32, #tpu.memory_space<vmem>>
    tpu.wait_dma2 semaphore(%arg8 : memref<!tpu.dma_semaphore, #tpu.memory_space<semaphore_mem>>) src(%dma_wait3A_250 : memref<512x64xf32, #tpu.memory_space<vmem>>) dst(%dma_wait3A_246 : memref<512x64xf32, #tpu.memory_space<hbm>>)
    %dma_start3A_251 = arith.constant 0 : i32
    %dma_start3A_252 = arith.constant 0 : i32
    %dma_start3A_253 = arith.constant 0 : i32
    %dma_start3A_254 = tpu.memref_slice %arg6[%dma_start3A_251, %dma_start3A_252, %dma_start3A_253] : memref<2x512x64xf32, #tpu.memory_space<vmem>> -> memref<1x512x64xf32, #tpu.memory_space<vmem>>
    %dma_start3A_255 = tpu.memref_squeeze %dma_start3A_254 : memref<1x512x64xf32, #tpu.memory_space<vmem>> -> memref<512x64xf32, #tpu.memory_space<vmem>>
    %dma_start3A_256 = arith.constant 3072 : i32
    %dma_start3A_257 = tpu.memref_slice %arg5[%dma_start3A_256] : memref<4096xi32, #tpu.memory_space<vmem>> -> memref<512xi32, #tpu.memory_space<vmem>>
    %dma_start3A_258 = arith.constant 0 : i32
    %dma_start3A_259 = arith.constant 0 : i32
    %dma_start3A_260 = tpu.memref_slice %arg3[%dma_start3A_258, %dma_start3A_259] : memref<8192x64xf32, #tpu.memory_space<hbm>> -> memref<8192x64xf32, #tpu.memory_space<hbm>>
    tpu.enqueue_indirect_dma source(%dma_start3A_260 : memref<8192x64xf32, #tpu.memory_space<hbm>>) target(%dma_start3A_255 : memref<512x64xf32, #tpu.memory_space<vmem>>) offsets(%dma_start3A_257 : memref<512xi32, #tpu.memory_space<vmem>>) semaphore(%arg7 : memref<!tpu.dma_semaphore, #tpu.memory_space<semaphore_mem>>)
    %dma_wait3A_261 = arith.constant 1 : i32
    %dma_wait3A_262 = arith.constant 0 : i32
    %dma_wait3A_263 = arith.constant 0 : i32
    %dma_wait3A_264 = tpu.memref_slice %arg6[%dma_wait3A_261, %dma_wait3A_262, %dma_wait3A_263] : memref<2x512x64xf32, #tpu.memory_space<vmem>> -> memref<1x512x64xf32, #tpu.memory_space<vmem>>
    %dma_wait3A_265 = tpu.memref_squeeze %dma_wait3A_264 : memref<1x512x64xf32, #tpu.memory_space<vmem>> -> memref<512x64xf32, #tpu.memory_space<vmem>>
    %dma_wait3A_266 = arith.constant 2560 : i32
    %dma_wait3A_267 = tpu.memref_slice %arg5[%dma_wait3A_266] : memref<4096xi32, #tpu.memory_space<vmem>> -> memref<512xi32, #tpu.memory_space<vmem>>
    %dma_wait3A_268 = arith.constant 0 : i32
    %dma_wait3A_269 = arith.constant 0 : i32
    %dma_wait3A_270 = tpu.memref_slice %arg3[%dma_wait3A_268, %dma_wait3A_269] : memref<8192x64xf32, #tpu.memory_space<hbm>> -> memref<8192x64xf32, #tpu.memory_space<hbm>>
    tpu.wait_indirect_dma semaphore(%arg7 : memref<!tpu.dma_semaphore, #tpu.memory_space<semaphore_mem>>) src(%dma_wait3A_270 : memref<8192x64xf32, #tpu.memory_space<hbm>>) dst(%dma_wait3A_265 : memref<512x64xf32, #tpu.memory_space<vmem>>)
    %add3A_271 = arith.constant 2560 : i32
    %add3A_272 = arith.addi %mul3A_2, %add3A_271 : i32
    %dma_start3A_273 = arith.constant 1 : i32
    %dma_start3A_274 = arith.constant 0 : i32
    %dma_start3A_275 = arith.constant 0 : i32
    %dma_start3A_276 = tpu.memref_slice %arg6[%dma_start3A_273, %dma_start3A_274, %dma_start3A_275] : memref<2x512x64xf32, #tpu.memory_space<vmem>> -> memref<1x512x64xf32, #tpu.memory_space<vmem>>
    %dma_start3A_277 = tpu.memref_squeeze %dma_start3A_276 : memref<1x512x64xf32, #tpu.memory_space<vmem>> -> memref<512x64xf32, #tpu.memory_space<vmem>>
    %dma_start3A_278 = arith.constant 0 : i32
    %dma_start3A_279 = tpu.memref_slice %arg4[%add3A_272, %dma_start3A_278] : memref<131072x64xf32, #tpu.memory_space<hbm>> -> memref<512x64xf32, #tpu.memory_space<hbm>>
    %dma_start3A_280 = arith.constant 0 : i32
    %dma_start3A_281 = tpu.memref_slice %arg4[%add3A_272, %dma_start3A_280] : memref<131072x64xf32, #tpu.memory_space<hbm>> -> memref<512x64xf32, #tpu.memory_space<hbm>>
    %dma_start3A_282 = arith.constant 0 : i32
    %dma_start3A_283 = arith.constant 0 : i32
    %dma_start3A_284 = tpu.memref_slice %arg6[%dma_start3A_273, %dma_start3A_282, %dma_start3A_283] : memref<2x512x64xf32, #tpu.memory_space<vmem>> -> memref<1x512x64xf32, #tpu.memory_space<vmem>>
    %dma_start3A_285 = tpu.memref_squeeze %dma_start3A_284 : memref<1x512x64xf32, #tpu.memory_space<vmem>> -> memref<512x64xf32, #tpu.memory_space<vmem>>
    tpu.enqueue_dma source(%dma_start3A_285 : memref<512x64xf32, #tpu.memory_space<vmem>>) target(%dma_start3A_281 : memref<512x64xf32, #tpu.memory_space<hbm>>) target_semaphore(%arg8 : memref<!tpu.dma_semaphore, #tpu.memory_space<semaphore_mem>>)
    %dma_wait3A_286 = arith.constant 1 : i32
    %dma_wait3A_287 = arith.constant 0 : i32
    %dma_wait3A_288 = arith.constant 0 : i32
    %dma_wait3A_289 = tpu.memref_slice %arg6[%dma_wait3A_286, %dma_wait3A_287, %dma_wait3A_288] : memref<2x512x64xf32, #tpu.memory_space<vmem>> -> memref<1x512x64xf32, #tpu.memory_space<vmem>>
    %dma_wait3A_290 = tpu.memref_squeeze %dma_wait3A_289 : memref<1x512x64xf32, #tpu.memory_space<vmem>> -> memref<512x64xf32, #tpu.memory_space<vmem>>
    %dma_wait3A_291 = arith.constant 0 : i32
    %dma_wait3A_292 = tpu.memref_slice %arg4[%add3A_272, %dma_wait3A_291] : memref<131072x64xf32, #tpu.memory_space<hbm>> -> memref<512x64xf32, #tpu.memory_space<hbm>>
    %dma_wait3A_293 = arith.constant 0 : i32
    %dma_wait3A_294 = tpu.memref_slice %arg4[%add3A_272, %dma_wait3A_293] : memref<131072x64xf32, #tpu.memory_space<hbm>> -> memref<512x64xf32, #tpu.memory_space<hbm>>
    %dma_wait3A_295 = arith.constant 0 : i32
    %dma_wait3A_296 = arith.constant 0 : i32
    %dma_wait3A_297 = tpu.memref_slice %arg6[%dma_wait3A_286, %dma_wait3A_295, %dma_wait3A_296] : memref<2x512x64xf32, #tpu.memory_space<vmem>> -> memref<1x512x64xf32, #tpu.memory_space<vmem>>
    %dma_wait3A_298 = tpu.memref_squeeze %dma_wait3A_297 : memref<1x512x64xf32, #tpu.memory_space<vmem>> -> memref<512x64xf32, #tpu.memory_space<vmem>>
    tpu.wait_dma2 semaphore(%arg8 : memref<!tpu.dma_semaphore, #tpu.memory_space<semaphore_mem>>) src(%dma_wait3A_298 : memref<512x64xf32, #tpu.memory_space<vmem>>) dst(%dma_wait3A_294 : memref<512x64xf32, #tpu.memory_space<hbm>>)
    %dma_start3A_299 = arith.constant 1 : i32
    %dma_start3A_300 = arith.constant 0 : i32
    %dma_start3A_301 = arith.constant 0 : i32
    %dma_start3A_302 = tpu.memref_slice %arg6[%dma_start3A_299, %dma_start3A_300, %dma_start3A_301] : memref<2x512x64xf32, #tpu.memory_space<vmem>> -> memref<1x512x64xf32, #tpu.memory_space<vmem>>
    %dma_start3A_303 = tpu.memref_squeeze %dma_start3A_302 : memref<1x512x64xf32, #tpu.memory_space<vmem>> -> memref<512x64xf32, #tpu.memory_space<vmem>>
    %dma_start3A_304 = arith.constant 3584 : i32
    %dma_start3A_305 = tpu.memref_slice %arg5[%dma_start3A_304] : memref<4096xi32, #tpu.memory_space<vmem>> -> memref<512xi32, #tpu.memory_space<vmem>>
    %dma_start3A_306 = arith.constant 0 : i32
    %dma_start3A_307 = arith.constant 0 : i32
    %dma_start3A_308 = tpu.memref_slice %arg3[%dma_start3A_306, %dma_start3A_307] : memref<8192x64xf32, #tpu.memory_space<hbm>> -> memref<8192x64xf32, #tpu.memory_space<hbm>>
    tpu.enqueue_indirect_dma source(%dma_start3A_308 : memref<8192x64xf32, #tpu.memory_space<hbm>>) target(%dma_start3A_303 : memref<512x64xf32, #tpu.memory_space<vmem>>) offsets(%dma_start3A_305 : memref<512xi32, #tpu.memory_space<vmem>>) semaphore(%arg7 : memref<!tpu.dma_semaphore, #tpu.memory_space<semaphore_mem>>)
    %dma_wait3A_309 = arith.constant 0 : i32
    %dma_wait3A_310 = arith.constant 0 : i32
    %dma_wait3A_311 = arith.constant 0 : i32
    %dma_wait3A_312 = tpu.memref_slice %arg6[%dma_wait3A_309, %dma_wait3A_310, %dma_wait3A_311] : memref<2x512x64xf32, #tpu.memory_space<vmem>> -> memref<1x512x64xf32, #tpu.memory_space<vmem>>
    %dma_wait3A_313 = tpu.memref_squeeze %dma_wait3A_312 : memref<1x512x64xf32, #tpu.memory_space<vmem>> -> memref<512x64xf32, #tpu.memory_space<vmem>>
    %dma_wait3A_314 = arith.constant 3072 : i32
    %dma_wait3A_315 = tpu.memref_slice %arg5[%dma_wait3A_314] : memref<4096xi32, #tpu.memory_space<vmem>> -> memref<512xi32, #tpu.memory_space<vmem>>
    %dma_wait3A_316 = arith.constant 0 : i32
    %dma_wait3A_317 = arith.constant 0 : i32
    %dma_wait3A_318 = tpu.memref_slice %arg3[%dma_wait3A_316, %dma_wait3A_317] : memref<8192x64xf32, #tpu.memory_space<hbm>> -> memref<8192x64xf32, #tpu.memory_space<hbm>>
    tpu.wait_indirect_dma semaphore(%arg7 : memref<!tpu.dma_semaphore, #tpu.memory_space<semaphore_mem>>) src(%dma_wait3A_318 : memref<8192x64xf32, #tpu.memory_space<hbm>>) dst(%dma_wait3A_313 : memref<512x64xf32, #tpu.memory_space<vmem>>)
    %add3A_319 = arith.constant 3072 : i32
    %add3A_320 = arith.addi %mul3A_2, %add3A_319 : i32
    %dma_start3A_321 = arith.constant 0 : i32
    %dma_start3A_322 = arith.constant 0 : i32
    %dma_start3A_323 = arith.constant 0 : i32
    %dma_start3A_324 = tpu.memref_slice %arg6[%dma_start3A_321, %dma_start3A_322, %dma_start3A_323] : memref<2x512x64xf32, #tpu.memory_space<vmem>> -> memref<1x512x64xf32, #tpu.memory_space<vmem>>
    %dma_start3A_325 = tpu.memref_squeeze %dma_start3A_324 : memref<1x512x64xf32, #tpu.memory_space<vmem>> -> memref<512x64xf32, #tpu.memory_space<vmem>>
    %dma_start3A_326 = arith.constant 0 : i32
    %dma_start3A_327 = tpu.memref_slice %arg4[%add3A_320, %dma_start3A_326] : memref<131072x64xf32, #tpu.memory_space<hbm>> -> memref<512x64xf32, #tpu.memory_space<hbm>>
    %dma_start3A_328 = arith.constant 0 : i32
    %dma_start3A_329 = tpu.memref_slice %arg4[%add3A_320, %dma_start3A_328] : memref<131072x64xf32, #tpu.memory_space<hbm>> -> memref<512x64xf32, #tpu.memory_space<hbm>>
    %dma_start3A_330 = arith.constant 0 : i32
    %dma_start3A_331 = arith.constant 0 : i32
    %dma_start3A_332 = tpu.memref_slice %arg6[%dma_start3A_321, %dma_start3A_330, %dma_start3A_331] : memref<2x512x64xf32, #tpu.memory_space<vmem>> -> memref<1x512x64xf32, #tpu.memory_space<vmem>>
    %dma_start3A_333 = tpu.memref_squeeze %dma_start3A_332 : memref<1x512x64xf32, #tpu.memory_space<vmem>> -> memref<512x64xf32, #tpu.memory_space<vmem>>
    tpu.enqueue_dma source(%dma_start3A_333 : memref<512x64xf32, #tpu.memory_space<vmem>>) target(%dma_start3A_329 : memref<512x64xf32, #tpu.memory_space<hbm>>) target_semaphore(%arg8 : memref<!tpu.dma_semaphore, #tpu.memory_space<semaphore_mem>>)
    %dma_wait3A_334 = arith.constant 1 : i32
    %dma_wait3A_335 = arith.constant 0 : i32
    %dma_wait3A_336 = arith.constant 0 : i32
    %dma_wait3A_337 = tpu.memref_slice %arg6[%dma_wait3A_334, %dma_wait3A_335, %dma_wait3A_336] : memref<2x512x64xf32, #tpu.memory_space<vmem>> -> memref<1x512x64xf32, #tpu.memory_space<vmem>>
    %dma_wait3A_338 = tpu.memref_squeeze %dma_wait3A_337 : memref<1x512x64xf32, #tpu.memory_space<vmem>> -> memref<512x64xf32, #tpu.memory_space<vmem>>
    %dma_wait3A_339 = arith.constant 3584 : i32
    %dma_wait3A_340 = tpu.memref_slice %arg5[%dma_wait3A_339] : memref<4096xi32, #tpu.memory_space<vmem>> -> memref<512xi32, #tpu.memory_space<vmem>>
    %dma_wait3A_341 = arith.constant 0 : i32
    %dma_wait3A_342 = arith.constant 0 : i32
    %dma_wait3A_343 = tpu.memref_slice %arg3[%dma_wait3A_341, %dma_wait3A_342] : memref<8192x64xf32, #tpu.memory_space<hbm>> -> memref<8192x64xf32, #tpu.memory_space<hbm>>
    tpu.wait_indirect_dma semaphore(%arg7 : memref<!tpu.dma_semaphore, #tpu.memory_space<semaphore_mem>>) src(%dma_wait3A_343 : memref<8192x64xf32, #tpu.memory_space<hbm>>) dst(%dma_wait3A_338 : memref<512x64xf32, #tpu.memory_space<vmem>>)
    %add3A_344 = arith.constant 3584 : i32
    %add3A_345 = arith.addi %mul3A_2, %add3A_344 : i32
    %dma_start3A_346 = arith.constant 1 : i32
    %dma_start3A_347 = arith.constant 0 : i32
    %dma_start3A_348 = arith.constant 0 : i32
    %dma_start3A_349 = tpu.memref_slice %arg6[%dma_start3A_346, %dma_start3A_347, %dma_start3A_348] : memref<2x512x64xf32, #tpu.memory_space<vmem>> -> memref<1x512x64xf32, #tpu.memory_space<vmem>>
    %dma_start3A_350 = tpu.memref_squeeze %dma_start3A_349 : memref<1x512x64xf32, #tpu.memory_space<vmem>> -> memref<512x64xf32, #tpu.memory_space<vmem>>
    %dma_start3A_351 = arith.constant 0 : i32
    %dma_start3A_352 = tpu.memref_slice %arg4[%add3A_345, %dma_start3A_351] : memref<131072x64xf32, #tpu.memory_space<hbm>> -> memref<512x64xf32, #tpu.memory_space<hbm>>
    %dma_start3A_353 = arith.constant 0 : i32
    %dma_start3A_354 = tpu.memref_slice %arg4[%add3A_345, %dma_start3A_353] : memref<131072x64xf32, #tpu.memory_space<hbm>> -> memref<512x64xf32, #tpu.memory_space<hbm>>
    %dma_start3A_355 = arith.constant 0 : i32
    %dma_start3A_356 = arith.constant 0 : i32
    %dma_start3A_357 = tpu.memref_slice %arg6[%dma_start3A_346, %dma_start3A_355, %dma_start3A_356] : memref<2x512x64xf32, #tpu.memory_space<vmem>> -> memref<1x512x64xf32, #tpu.memory_space<vmem>>
    %dma_start3A_358 = tpu.memref_squeeze %dma_start3A_357 : memref<1x512x64xf32, #tpu.memory_space<vmem>> -> memref<512x64xf32, #tpu.memory_space<vmem>>
    tpu.enqueue_dma source(%dma_start3A_358 : memref<512x64xf32, #tpu.memory_space<vmem>>) target(%dma_start3A_354 : memref<512x64xf32, #tpu.memory_space<hbm>>) target_semaphore(%arg8 : memref<!tpu.dma_semaphore, #tpu.memory_space<semaphore_mem>>)
    %dma_wait3A_359 = arith.constant 0 : i32
    %dma_wait3A_360 = arith.constant 0 : i32
    %dma_wait3A_361 = arith.constant 0 : i32
    %dma_wait3A_362 = tpu.memref_slice %arg6[%dma_wait3A_359, %dma_wait3A_360, %dma_wait3A_361] : memref<2x512x64xf32, #tpu.memory_space<vmem>> -> memref<1x512x64xf32, #tpu.memory_space<vmem>>
    %dma_wait3A_363 = tpu.memref_squeeze %dma_wait3A_362 : memref<1x512x64xf32, #tpu.memory_space<vmem>> -> memref<512x64xf32, #tpu.memory_space<vmem>>
    %dma_wait3A_364 = arith.constant 0 : i32
    %dma_wait3A_365 = tpu.memref_slice %arg4[%add3A_320, %dma_wait3A_364] : memref<131072x64xf32, #tpu.memory_space<hbm>> -> memref<512x64xf32, #tpu.memory_space<hbm>>
    %dma_wait3A_366 = arith.constant 0 : i32
    %dma_wait3A_367 = tpu.memref_slice %arg4[%add3A_320, %dma_wait3A_366] : memref<131072x64xf32, #tpu.memory_space<hbm>> -> memref<512x64xf32, #tpu.memory_space<hbm>>
    %dma_wait3A_368 = arith.constant 0 : i32
    %dma_wait3A_369 = arith.constant 0 : i32
    %dma_wait3A_370 = tpu.memref_slice %arg6[%dma_wait3A_359, %dma_wait3A_368, %dma_wait3A_369] : memref<2x512x64xf32, #tpu.memory_space<vmem>> -> memref<1x512x64xf32, #tpu.memory_space<vmem>>
    %dma_wait3A_371 = tpu.memref_squeeze %dma_wait3A_370 : memref<1x512x64xf32, #tpu.memory_space<vmem>> -> memref<512x64xf32, #tpu.memory_space<vmem>>
    tpu.wait_dma2 semaphore(%arg8 : memref<!tpu.dma_semaphore, #tpu.memory_space<semaphore_mem>>) src(%dma_wait3A_371 : memref<512x64xf32, #tpu.memory_space<vmem>>) dst(%dma_wait3A_367 : memref<512x64xf32, #tpu.memory_space<hbm>>)
    %dma_wait3A_372 = arith.constant 1 : i32
    %dma_wait3A_373 = arith.constant 0 : i32
    %dma_wait3A_374 = arith.constant 0 : i32
    %dma_wait3A_375 = tpu.memref_slice %arg6[%dma_wait3A_372, %dma_wait3A_373, %dma_wait3A_374] : memref<2x512x64xf32, #tpu.memory_space<vmem>> -> memref<1x512x64xf32, #tpu.memory_space<vmem>>
    %dma_wait3A_376 = tpu.memref_squeeze %dma_wait3A_375 : memref<1x512x64xf32, #tpu.memory_space<vmem>> -> memref<512x64xf32, #tpu.memory_space<vmem>>
    %dma_wait3A_377 = arith.constant 0 : i32
    %dma_wait3A_378 = tpu.memref_slice %arg4[%add3A_345, %dma_wait3A_377] : memref<131072x64xf32, #tpu.memory_space<hbm>> -> memref<512x64xf32, #tpu.memory_space<hbm>>
    %dma_wait3A_379 = arith.constant 0 : i32
    %dma_wait3A_380 = tpu.memref_slice %arg4[%add3A_345, %dma_wait3A_379] : memref<131072x64xf32, #tpu.memory_space<hbm>> -> memref<512x64xf32, #tpu.memory_space<hbm>>
    %dma_wait3A_381 = arith.constant 0 : i32
    %dma_wait3A_382 = arith.constant 0 : i32
    %dma_wait3A_383 = tpu.memref_slice %arg6[%dma_wait3A_372, %dma_wait3A_381, %dma_wait3A_382] : memref<2x512x64xf32, #tpu.memory_space<vmem>> -> memref<1x512x64xf32, #tpu.memory_space<vmem>>
    %dma_wait3A_384 = tpu.memref_squeeze %dma_wait3A_383 : memref<1x512x64xf32, #tpu.memory_space<vmem>> -> memref<512x64xf32, #tpu.memory_space<vmem>>
    tpu.wait_dma2 semaphore(%arg8 : memref<!tpu.dma_semaphore, #tpu.memory_space<semaphore_mem>>) src(%dma_wait3A_384 : memref<512x64xf32, #tpu.memory_space<vmem>>) dst(%dma_wait3A_380 : memref<512x64xf32, #tpu.memory_space<hbm>>)
    return
  }
}

module attributes {stable_mosaic.version = 14 : i64} {
  func.func @_knn_kernel(%arg0: i32, %arg1: i32, %arg2: memref<1x3x4096xf32, #tpu.memory_space<vmem>>, %arg3: memref<1x256x3xf32, #tpu.memory_space<vmem>>, %arg4: memref<1x4096x64xf32, #tpu.memory_space<vmem>>, %arg5: memref<64x64xf32, #tpu.memory_space<vmem>>, %arg6: memref<64x64xf32, #tpu.memory_space<vmem>>, %arg7: memref<1x256x16xi32, #tpu.memory_space<vmem>>, %arg8: memref<1x4096x64xf32, #tpu.memory_space<vmem>>, %arg9: memref<1x4096x64xf32, #tpu.memory_space<vmem>>) attributes {dimension_semantics = [#tpu.dimension_semantics<arbitrary>, #tpu.dimension_semantics<arbitrary>], iteration_bounds = array<i64: 2, 16>, scalar_prefetch = 0 : i64, scratch_operands = 0 : i64, tpu.core_type = #tpu.core_type<tc>, window_params = [{transform_indices = @transform_0, window_bounds = array<i64: 1, 3, 4096>}, {transform_indices = @transform_1, window_bounds = array<i64: 1, 256, 3>}, {transform_indices = @transform_2, window_bounds = array<i64: 1, 4096, 64>}, {pipeline_mode = #tpu.pipeline_mode<synchronous>, transform_indices = @transform_3, window_bounds = array<i64: 64, 64>}, {pipeline_mode = #tpu.pipeline_mode<synchronous>, transform_indices = @transform_4, window_bounds = array<i64: 64, 64>}, {transform_indices = @transform_5, window_bounds = array<i64: 1, 256, 16>}, {transform_indices = @transform_6, window_bounds = array<i64: 1, 4096, 64>}, {transform_indices = @transform_7, window_bounds = array<i64: 1, 4096, 64>}]} {
    %eq3A = arith.constant 0 : i32
    %eq3A_0 = arith.cmpi eq, %arg1, %eq3A : i32
    %convert_element_type3A = arith.extui %eq3A_0 : i1 to i32
    %cond3A = arith.constant 0 : i32
    %cond3A_1 = arith.cmpi ne, %convert_element_type3A, %cond3A : i32
    scf.if %cond3A_1 {
      %get3A_1068 = arith.constant 0 : index
      %get3A_1069 = arith.constant 0 : index
      %get3A_1070 = arith.constant 0 : index
      %get3A_1071 = vector.load %arg4[%get3A_1068, %get3A_1069, %get3A_1070] : memref<1x4096x64xf32, #tpu.memory_space<vmem>>, vector<1x4096x64xf32>
      %get3A_1072 = vector.shape_cast %get3A_1071 : vector<1x4096x64xf32> to vector<4096x64xf32>
      %get3A_1073 = arith.constant 0 : index
      %get3A_1074 = arith.constant 0 : index
      %get3A_1075 = vector.load %arg5[%get3A_1073, %get3A_1074] : memref<64x64xf32, #tpu.memory_space<vmem>>, vector<64x64xf32>
      %dot_general3A_1076 = arith.constant dense<0.000000e+00> : vector<4096x64xf32>
      %dot_general3A_1077 = tpu.matmul %get3A_1072, %get3A_1075, %dot_general3A_1076 {dimension_numbers = #tpu.dot_dimension_numbers<[1], [0], [0], [1], [0, 0, 1, 1], [], []>, transpose_lhs_hint = false} : vector<4096x64xf32>, vector<64x64xf32>, vector<4096x64xf32> -> vector<4096x64xf32>
      %swap3A_1078 = arith.constant 0 : index
      %swap3A_1079 = arith.constant 0 : index
      %swap3A_1080 = arith.constant 0 : index
      %swap3A_1081 = vector.load %arg8[%swap3A_1078, %swap3A_1079, %swap3A_1080] : memref<1x4096x64xf32, #tpu.memory_space<vmem>>, vector<1x4096x64xf32>
      %swap3A_1082 = vector.shape_cast %swap3A_1081 : vector<1x4096x64xf32> to vector<4096x64xf32>
      %swap3A_1083 = vector.shape_cast %dot_general3A_1077 : vector<4096x64xf32> to vector<1x4096x64xf32>
      tpu.vector_store %arg8[%swap3A_1078, %swap3A_1079, %swap3A_1080], %swap3A_1083 {strides = array<i32>} : memref<1x4096x64xf32, #tpu.memory_space<vmem>>, vector<1x4096x64xf32>,
      %get3A_1084 = arith.constant 0 : index
      %get3A_1085 = arith.constant 0 : index
      %get3A_1086 = vector.load %arg6[%get3A_1084, %get3A_1085] : memref<64x64xf32, #tpu.memory_space<vmem>>, vector<64x64xf32>
      %dot_general3A_1087 = arith.constant dense<0.000000e+00> : vector<4096x64xf32>
      %dot_general3A_1088 = tpu.matmul %get3A_1072, %get3A_1086, %dot_general3A_1087 {dimension_numbers = #tpu.dot_dimension_numbers<[1], [0], [0], [1], [0, 0, 1, 1], [], []>, transpose_lhs_hint = false} : vector<4096x64xf32>, vector<64x64xf32>, vector<4096x64xf32> -> vector<4096x64xf32>
      %swap3A_1089 = arith.constant 0 : index
      %swap3A_1090 = arith.constant 0 : index
      %swap3A_1091 = arith.constant 0 : index
      %swap3A_1092 = vector.load %arg9[%swap3A_1089, %swap3A_1090, %swap3A_1091] : memref<1x4096x64xf32, #tpu.memory_space<vmem>>, vector<1x4096x64xf32>
      %swap3A_1093 = vector.shape_cast %swap3A_1092 : vector<1x4096x64xf32> to vector<4096x64xf32>
      %swap3A_1094 = vector.shape_cast %dot_general3A_1088 : vector<4096x64xf32> to vector<1x4096x64xf32>
      tpu.vector_store %arg9[%swap3A_1089, %swap3A_1090, %swap3A_1091], %swap3A_1094 {strides = array<i32>} : memref<1x4096x64xf32, #tpu.memory_space<vmem>>, vector<1x4096x64xf32>,
    } else {
    }
    %get3A = arith.constant 0 : index
    %get3A_2 = arith.constant 0 : index
    %get3A_3 = arith.constant 0 : index
    %get3A_4 = vector.load %arg2[%get3A, %get3A_2, %get3A_3] : memref<1x3x4096xf32, #tpu.memory_space<vmem>>, vector<1x3x4096xf32>
    %get3A_5 = vector.shape_cast %get3A_4 : vector<1x3x4096xf32> to vector<3x4096xf32>
    %get3A_6 = arith.constant 0 : index
    %get3A_7 = arith.constant 0 : index
    %get3A_8 = arith.constant 0 : index
    %get3A_9 = vector.load %arg3[%get3A_6, %get3A_7, %get3A_8] : memref<1x256x3xf32, #tpu.memory_space<vmem>>, vector<1x256x3xf32>
    %get3A_10 = vector.shape_cast %get3A_9 : vector<1x256x3xf32> to vector<256x3xf32>
    %mul3A = arith.mulf %get3A_5, %get3A_5 : vector<3x4096xf32>
    %reduce_sum3A = arith.constant dense<0.000000e+00> : vector<4096xf32>
    %reduce_sum3A_11 = vector.multi_reduction <add>, %mul3A, %reduce_sum3A [0] : vector<3x4096xf32> to vector<4096xf32>
    %broadcast_in_dim3A = vector.shape_cast %reduce_sum3A_11 : vector<4096xf32> to vector<1x4096xf32>
    %mul3A_12 = arith.mulf %get3A_10, %get3A_10 : vector<256x3xf32>
    %reduce_sum3A_13 = arith.constant dense<0.000000e+00> : vector<256xf32>
    %reduce_sum3A_14 = vector.multi_reduction <add>, %mul3A_12, %reduce_sum3A_13 [1] : vector<256x3xf32> to vector<256xf32>
    %broadcast_in_dim3A_15 = vector.shape_cast %reduce_sum3A_14 : vector<256xf32> to vector<256x1xf32>
    %dot_general3A = arith.constant dense<0.000000e+00> : vector<256x4096xf32>
    %dot_general3A_16 = tpu.matmul %get3A_10, %get3A_5, %dot_general3A {dimension_numbers = #tpu.dot_dimension_numbers<[1], [0], [0], [1], [0, 0, 1, 1], [], []>, transpose_lhs_hint = false} : vector<256x3xf32>, vector<3x4096xf32>, vector<256x4096xf32> -> vector<256x4096xf32>
    %mul3A_17 = arith.constant 2.000000e+00 : f32
    %mul3A_18 = vector.broadcast %mul3A_17 : f32 to vector<256x4096xf32>
    %mul3A_19 = arith.mulf %mul3A_18, %dot_general3A_16 : vector<256x4096xf32>
    %sub3A = vector.broadcast %broadcast_in_dim3A_15 : vector<256x1xf32> to vector<256x4096xf32>
    %sub3A_20 = arith.subf %mul3A_19, %sub3A : vector<256x4096xf32>
    %sub3A_21 = vector.broadcast %broadcast_in_dim3A : vector<1x4096xf32> to vector<256x4096xf32>
    %sub3A_22 = arith.subf %sub3A_20, %sub3A_21 : vector<256x4096xf32>
    %bitcast_convert_type3A = tpu.bitcast %sub3A_22 : vector<256x4096xf32> -> vector<256x4096xi32>
    %lt3A = arith.constant 0 : i32
    %lt3A_23 = vector.broadcast %lt3A : i32 to vector<256x4096xi32>
    %lt3A_24 = arith.cmpi slt, %bitcast_convert_type3A, %lt3A_23 : vector<256x4096xi32>
    %not3A = arith.constant dense<-1> : vector<256x4096xi32>
    %not3A_25 = arith.xori %bitcast_convert_type3A, %not3A : vector<256x4096xi32>
    %xor3A = arith.constant -2147483648 : i32
    %xor3A_26 = vector.broadcast %xor3A : i32 to vector<256x4096xi32>
    %xor3A_27 = arith.xori %not3A_25, %xor3A_26 : vector<256x4096xi32>
    %select_n3A = arith.select %lt3A_24, %xor3A_27, %bitcast_convert_type3A : vector<256x4096xi1>, vector<256x4096xi32>
    %iota3A = tpu.iota {dimensions = array<i32: 1>} : vector<256x4096xi32>
    %not3A_28 = arith.constant 4095 : i32
    %not3A_29 = arith.constant -1 : i32
    %not3A_30 = arith.xori %not3A_28, %not3A_29 : i32
    %and3A = vector.broadcast %not3A_30 : i32 to vector<256x4096xi32>
    %and3A_31 = arith.andi %select_n3A, %and3A : vector<256x4096xi32>
    %sub3A_32 = arith.constant 4095 : i32
    %sub3A_33 = vector.broadcast %sub3A_32 : i32 to vector<256x4096xi32>
    %sub3A_34 = arith.subi %sub3A_33, %iota3A : vector<256x4096xi32>
    %or3A = arith.ori %and3A_31, %sub3A_34 : vector<256x4096xi32>
    %mul3A_35 = arith.constant 4096 : i32
    %mul3A_36 = arith.muli %arg0, %mul3A_35 : i32
    %mul3A_37 = arith.constant 256 : i32
    %mul3A_38 = arith.muli %arg1, %mul3A_37 : i32
    %iota3A_39 = tpu.iota {dimensions = array<i32: 0>} : vector<256x1xi32>
    %add3A = vector.broadcast %mul3A_38 : i32 to vector<256x1xi32>
    %add3A_40 = arith.addi %add3A, %iota3A_39 : vector<256x1xi32>
    %eq3A_41 = vector.broadcast %add3A_40 : vector<256x1xi32> to vector<256x4096xi32>
    %eq3A_42 = arith.cmpi eq, %iota3A, %eq3A_41 : vector<256x4096xi32>
    %jit3A = arith.constant -2147483648 : i32
    %broadcast_in_dim3A_43 = vector.broadcast %jit3A : i32 to vector<256x4096xi32>
    %select_n3A_44 = arith.select %eq3A_42, %broadcast_in_dim3A_43, %or3A : vector<256x4096xi1>, vector<256x4096xi32>
    %slice3A = vector.extract_strided_slice %select_n3A_44 {offsets = [0, 0], sizes = [256, 2048], strides = [1, 1]} : vector<256x4096xi32> to vector<256x2048xi32>
    %slice3A_45 = vector.extract_strided_slice %select_n3A_44 {offsets = [0, 2048], sizes = [256, 2048], strides = [1, 1]} : vector<256x4096xi32> to vector<256x2048xi32>
    %max3A = arith.maxsi %slice3A, %slice3A_45 : vector<256x2048xi32>
    %slice3A_46 = vector.extract_strided_slice %max3A {offsets = [0, 0], sizes = [256, 1024], strides = [1, 1]} : vector<256x2048xi32> to vector<256x1024xi32>
    %slice3A_47 = vector.extract_strided_slice %max3A {offsets = [0, 1024], sizes = [256, 1024], strides = [1, 1]} : vector<256x2048xi32> to vector<256x1024xi32>
    %max3A_48 = arith.maxsi %slice3A_46, %slice3A_47 : vector<256x1024xi32>
    %slice3A_49 = vector.extract_strided_slice %max3A_48 {offsets = [0, 0], sizes = [256, 512], strides = [1, 1]} : vector<256x1024xi32> to vector<256x512xi32>
    %slice3A_50 = vector.extract_strided_slice %max3A_48 {offsets = [0, 512], sizes = [256, 512], strides = [1, 1]} : vector<256x1024xi32> to vector<256x512xi32>
    %max3A_51 = arith.maxsi %slice3A_49, %slice3A_50 : vector<256x512xi32>
    %slice3A_52 = vector.extract_strided_slice %max3A_51 {offsets = [0, 0], sizes = [256, 256], strides = [1, 1]} : vector<256x512xi32> to vector<256x256xi32>
    %slice3A_53 = vector.extract_strided_slice %max3A_51 {offsets = [0, 256], sizes = [256, 256], strides = [1, 1]} : vector<256x512xi32> to vector<256x256xi32>
    %max3A_54 = arith.maxsi %slice3A_52, %slice3A_53 : vector<256x256xi32>
    %slice3A_55 = vector.extract_strided_slice %max3A_54 {offsets = [0, 0], sizes = [256, 128], strides = [1, 1]} : vector<256x256xi32> to vector<256x128xi32>
    %slice3A_56 = vector.extract_strided_slice %max3A_54 {offsets = [0, 128], sizes = [256, 128], strides = [1, 1]} : vector<256x256xi32> to vector<256x128xi32>
    %max3A_57 = arith.maxsi %slice3A_55, %slice3A_56 : vector<256x128xi32>
    %slice3A_58 = vector.extract_strided_slice %select_n3A_44 {offsets = [0, 0], sizes = [256, 128], strides = [1, 1]} : vector<256x4096xi32> to vector<256x128xi32>
    %eq3A_59 = arith.cmpi eq, %slice3A_58, %max3A_57 : vector<256x128xi32>
    %jit3A_60 = arith.constant -2147483648 : i32
    %broadcast_in_dim3A_61 = vector.broadcast %jit3A_60 : i32 to vector<256x128xi32>
    %select_n3A_62 = arith.select %eq3A_59, %broadcast_in_dim3A_61, %slice3A_58 : vector<256x128xi1>, vector<256x128xi32>
    %slice3A_63 = vector.extract_strided_slice %select_n3A_44 {offsets = [0, 128], sizes = [256, 128], strides = [1, 1]} : vector<256x4096xi32> to vector<256x128xi32>
    %eq3A_64 = arith.cmpi eq, %slice3A_63, %max3A_57 : vector<256x128xi32>
    %jit3A_65 = arith.constant -2147483648 : i32
    %broadcast_in_dim3A_66 = vector.broadcast %jit3A_65 : i32 to vector<256x128xi32>
    %select_n3A_67 = arith.select %eq3A_64, %broadcast_in_dim3A_66, %slice3A_63 : vector<256x128xi1>, vector<256x128xi32>
    %slice3A_68 = vector.extract_strided_slice %select_n3A_44 {offsets = [0, 256], sizes = [256, 128], strides = [1, 1]} : vector<256x4096xi32> to vector<256x128xi32>
    %eq3A_69 = arith.cmpi eq, %slice3A_68, %max3A_57 : vector<256x128xi32>
    %jit3A_70 = arith.constant -2147483648 : i32
    %broadcast_in_dim3A_71 = vector.broadcast %jit3A_70 : i32 to vector<256x128xi32>
    %select_n3A_72 = arith.select %eq3A_69, %broadcast_in_dim3A_71, %slice3A_68 : vector<256x128xi1>, vector<256x128xi32>
    %slice3A_73 = vector.extract_strided_slice %select_n3A_44 {offsets = [0, 384], sizes = [256, 128], strides = [1, 1]} : vector<256x4096xi32> to vector<256x128xi32>
    %eq3A_74 = arith.cmpi eq, %slice3A_73, %max3A_57 : vector<256x128xi32>
    %jit3A_75 = arith.constant -2147483648 : i32
    %broadcast_in_dim3A_76 = vector.broadcast %jit3A_75 : i32 to vector<256x128xi32>
    %select_n3A_77 = arith.select %eq3A_74, %broadcast_in_dim3A_76, %slice3A_73 : vector<256x128xi1>, vector<256x128xi32>
    %slice3A_78 = vector.extract_strided_slice %select_n3A_44 {offsets = [0, 512], sizes = [256, 128], strides = [1, 1]} : vector<256x4096xi32> to vector<256x128xi32>
    %eq3A_79 = arith.cmpi eq, %slice3A_78, %max3A_57 : vector<256x128xi32>
    %jit3A_80 = arith.constant -2147483648 : i32
    %broadcast_in_dim3A_81 = vector.broadcast %jit3A_80 : i32 to vector<256x128xi32>
    %select_n3A_82 = arith.select %eq3A_79, %broadcast_in_dim3A_81, %slice3A_78 : vector<256x128xi1>, vector<256x128xi32>
    %slice3A_83 = vector.extract_strided_slice %select_n3A_44 {offsets = [0, 640], sizes = [256, 128], strides = [1, 1]} : vector<256x4096xi32> to vector<256x128xi32>
    %eq3A_84 = arith.cmpi eq, %slice3A_83, %max3A_57 : vector<256x128xi32>
    %jit3A_85 = arith.constant -2147483648 : i32
    %broadcast_in_dim3A_86 = vector.broadcast %jit3A_85 : i32 to vector<256x128xi32>
    %select_n3A_87 = arith.select %eq3A_84, %broadcast_in_dim3A_86, %slice3A_83 : vector<256x128xi1>, vector<256x128xi32>
    %slice3A_88 = vector.extract_strided_slice %select_n3A_44 {offsets = [0, 768], sizes = [256, 128], strides = [1, 1]} : vector<256x4096xi32> to vector<256x128xi32>
    %eq3A_89 = arith.cmpi eq, %slice3A_88, %max3A_57 : vector<256x128xi32>
    %jit3A_90 = arith.constant -2147483648 : i32
    %broadcast_in_dim3A_91 = vector.broadcast %jit3A_90 : i32 to vector<256x128xi32>
    %select_n3A_92 = arith.select %eq3A_89, %broadcast_in_dim3A_91, %slice3A_88 : vector<256x128xi1>, vector<256x128xi32>
    %slice3A_93 = vector.extract_strided_slice %select_n3A_44 {offsets = [0, 896], sizes = [256, 128], strides = [1, 1]} : vector<256x4096xi32> to vector<256x128xi32>
    %eq3A_94 = arith.cmpi eq, %slice3A_93, %max3A_57 : vector<256x128xi32>
    %jit3A_95 = arith.constant -2147483648 : i32
    %broadcast_in_dim3A_96 = vector.broadcast %jit3A_95 : i32 to vector<256x128xi32>
    %select_n3A_97 = arith.select %eq3A_94, %broadcast_in_dim3A_96, %slice3A_93 : vector<256x128xi1>, vector<256x128xi32>
    %slice3A_98 = vector.extract_strided_slice %select_n3A_44 {offsets = [0, 1024], sizes = [256, 128], strides = [1, 1]} : vector<256x4096xi32> to vector<256x128xi32>
    %eq3A_99 = arith.cmpi eq, %slice3A_98, %max3A_57 : vector<256x128xi32>
    %jit3A_100 = arith.constant -2147483648 : i32
    %broadcast_in_dim3A_101 = vector.broadcast %jit3A_100 : i32 to vector<256x128xi32>
    %select_n3A_102 = arith.select %eq3A_99, %broadcast_in_dim3A_101, %slice3A_98 : vector<256x128xi1>, vector<256x128xi32>
    %slice3A_103 = vector.extract_strided_slice %select_n3A_44 {offsets = [0, 1152], sizes = [256, 128], strides = [1, 1]} : vector<256x4096xi32> to vector<256x128xi32>
    %eq3A_104 = arith.cmpi eq, %slice3A_103, %max3A_57 : vector<256x128xi32>
    %jit3A_105 = arith.constant -2147483648 : i32
    %broadcast_in_dim3A_106 = vector.broadcast %jit3A_105 : i32 to vector<256x128xi32>
    %select_n3A_107 = arith.select %eq3A_104, %broadcast_in_dim3A_106, %slice3A_103 : vector<256x128xi1>, vector<256x128xi32>
    %slice3A_108 = vector.extract_strided_slice %select_n3A_44 {offsets = [0, 1280], sizes = [256, 128], strides = [1, 1]} : vector<256x4096xi32> to vector<256x128xi32>
    %eq3A_109 = arith.cmpi eq, %slice3A_108, %max3A_57 : vector<256x128xi32>
    %jit3A_110 = arith.constant -2147483648 : i32
    %broadcast_in_dim3A_111 = vector.broadcast %jit3A_110 : i32 to vector<256x128xi32>
    %select_n3A_112 = arith.select %eq3A_109, %broadcast_in_dim3A_111, %slice3A_108 : vector<256x128xi1>, vector<256x128xi32>
    %slice3A_113 = vector.extract_strided_slice %select_n3A_44 {offsets = [0, 1408], sizes = [256, 128], strides = [1, 1]} : vector<256x4096xi32> to vector<256x128xi32>
    %eq3A_114 = arith.cmpi eq, %slice3A_113, %max3A_57 : vector<256x128xi32>
    %jit3A_115 = arith.constant -2147483648 : i32
    %broadcast_in_dim3A_116 = vector.broadcast %jit3A_115 : i32 to vector<256x128xi32>
    %select_n3A_117 = arith.select %eq3A_114, %broadcast_in_dim3A_116, %slice3A_113 : vector<256x128xi1>, vector<256x128xi32>
    %slice3A_118 = vector.extract_strided_slice %select_n3A_44 {offsets = [0, 1536], sizes = [256, 128], strides = [1, 1]} : vector<256x4096xi32> to vector<256x128xi32>
    %eq3A_119 = arith.cmpi eq, %slice3A_118, %max3A_57 : vector<256x128xi32>
    %jit3A_120 = arith.constant -2147483648 : i32
    %broadcast_in_dim3A_121 = vector.broadcast %jit3A_120 : i32 to vector<256x128xi32>
    %select_n3A_122 = arith.select %eq3A_119, %broadcast_in_dim3A_121, %slice3A_118 : vector<256x128xi1>, vector<256x128xi32>
    %slice3A_123 = vector.extract_strided_slice %select_n3A_44 {offsets = [0, 1664], sizes = [256, 128], strides = [1, 1]} : vector<256x4096xi32> to vector<256x128xi32>
    %eq3A_124 = arith.cmpi eq, %slice3A_123, %max3A_57 : vector<256x128xi32>
    %jit3A_125 = arith.constant -2147483648 : i32
    %broadcast_in_dim3A_126 = vector.broadcast %jit3A_125 : i32 to vector<256x128xi32>
    %select_n3A_127 = arith.select %eq3A_124, %broadcast_in_dim3A_126, %slice3A_123 : vector<256x128xi1>, vector<256x128xi32>
    %slice3A_128 = vector.extract_strided_slice %select_n3A_44 {offsets = [0, 1792], sizes = [256, 128], strides = [1, 1]} : vector<256x4096xi32> to vector<256x128xi32>
    %eq3A_129 = arith.cmpi eq, %slice3A_128, %max3A_57 : vector<256x128xi32>
    %jit3A_130 = arith.constant -2147483648 : i32
    %broadcast_in_dim3A_131 = vector.broadcast %jit3A_130 : i32 to vector<256x128xi32>
    %select_n3A_132 = arith.select %eq3A_129, %broadcast_in_dim3A_131, %slice3A_128 : vector<256x128xi1>, vector<256x128xi32>
    %slice3A_133 = vector.extract_strided_slice %select_n3A_44 {offsets = [0, 1920], sizes = [256, 128], strides = [1, 1]} : vector<256x4096xi32> to vector<256x128xi32>
    %eq3A_134 = arith.cmpi eq, %slice3A_133, %max3A_57 : vector<256x128xi32>
    %jit3A_135 = arith.constant -2147483648 : i32
    %broadcast_in_dim3A_136 = vector.broadcast %jit3A_135 : i32 to vector<256x128xi32>
    %select_n3A_137 = arith.select %eq3A_134, %broadcast_in_dim3A_136, %slice3A_133 : vector<256x128xi1>, vector<256x128xi32>
    %slice3A_138 = vector.extract_strided_slice %select_n3A_44 {offsets = [0, 2048], sizes = [256, 128], strides = [1, 1]} : vector<256x4096xi32> to vector<256x128xi32>
    %eq3A_139 = arith.cmpi eq, %slice3A_138, %max3A_57 : vector<256x128xi32>
    %jit3A_140 = arith.constant -2147483648 : i32
    %broadcast_in_dim3A_141 = vector.broadcast %jit3A_140 : i32 to vector<256x128xi32>
    %select_n3A_142 = arith.select %eq3A_139, %broadcast_in_dim3A_141, %slice3A_138 : vector<256x128xi1>, vector<256x128xi32>
    %slice3A_143 = vector.extract_strided_slice %select_n3A_44 {offsets = [0, 2176], sizes = [256, 128], strides = [1, 1]} : vector<256x4096xi32> to vector<256x128xi32>
    %eq3A_144 = arith.cmpi eq, %slice3A_143, %max3A_57 : vector<256x128xi32>
    %jit3A_145 = arith.constant -2147483648 : i32
    %broadcast_in_dim3A_146 = vector.broadcast %jit3A_145 : i32 to vector<256x128xi32>
    %select_n3A_147 = arith.select %eq3A_144, %broadcast_in_dim3A_146, %slice3A_143 : vector<256x128xi1>, vector<256x128xi32>
    %slice3A_148 = vector.extract_strided_slice %select_n3A_44 {offsets = [0, 2304], sizes = [256, 128], strides = [1, 1]} : vector<256x4096xi32> to vector<256x128xi32>
    %eq3A_149 = arith.cmpi eq, %slice3A_148, %max3A_57 : vector<256x128xi32>
    %jit3A_150 = arith.constant -2147483648 : i32
    %broadcast_in_dim3A_151 = vector.broadcast %jit3A_150 : i32 to vector<256x128xi32>
    %select_n3A_152 = arith.select %eq3A_149, %broadcast_in_dim3A_151, %slice3A_148 : vector<256x128xi1>, vector<256x128xi32>
    %slice3A_153 = vector.extract_strided_slice %select_n3A_44 {offsets = [0, 2432], sizes = [256, 128], strides = [1, 1]} : vector<256x4096xi32> to vector<256x128xi32>
    %eq3A_154 = arith.cmpi eq, %slice3A_153, %max3A_57 : vector<256x128xi32>
    %jit3A_155 = arith.constant -2147483648 : i32
    %broadcast_in_dim3A_156 = vector.broadcast %jit3A_155 : i32 to vector<256x128xi32>
    %select_n3A_157 = arith.select %eq3A_154, %broadcast_in_dim3A_156, %slice3A_153 : vector<256x128xi1>, vector<256x128xi32>
    %slice3A_158 = vector.extract_strided_slice %select_n3A_44 {offsets = [0, 2560], sizes = [256, 128], strides = [1, 1]} : vector<256x4096xi32> to vector<256x128xi32>
    %eq3A_159 = arith.cmpi eq, %slice3A_158, %max3A_57 : vector<256x128xi32>
    %jit3A_160 = arith.constant -2147483648 : i32
    %broadcast_in_dim3A_161 = vector.broadcast %jit3A_160 : i32 to vector<256x128xi32>
    %select_n3A_162 = arith.select %eq3A_159, %broadcast_in_dim3A_161, %slice3A_158 : vector<256x128xi1>, vector<256x128xi32>
    %slice3A_163 = vector.extract_strided_slice %select_n3A_44 {offsets = [0, 2688], sizes = [256, 128], strides = [1, 1]} : vector<256x4096xi32> to vector<256x128xi32>
    %eq3A_164 = arith.cmpi eq, %slice3A_163, %max3A_57 : vector<256x128xi32>
    %jit3A_165 = arith.constant -2147483648 : i32
    %broadcast_in_dim3A_166 = vector.broadcast %jit3A_165 : i32 to vector<256x128xi32>
    %select_n3A_167 = arith.select %eq3A_164, %broadcast_in_dim3A_166, %slice3A_163 : vector<256x128xi1>, vector<256x128xi32>
    %slice3A_168 = vector.extract_strided_slice %select_n3A_44 {offsets = [0, 2816], sizes = [256, 128], strides = [1, 1]} : vector<256x4096xi32> to vector<256x128xi32>
    %eq3A_169 = arith.cmpi eq, %slice3A_168, %max3A_57 : vector<256x128xi32>
    %jit3A_170 = arith.constant -2147483648 : i32
    %broadcast_in_dim3A_171 = vector.broadcast %jit3A_170 : i32 to vector<256x128xi32>
    %select_n3A_172 = arith.select %eq3A_169, %broadcast_in_dim3A_171, %slice3A_168 : vector<256x128xi1>, vector<256x128xi32>
    %slice3A_173 = vector.extract_strided_slice %select_n3A_44 {offsets = [0, 2944], sizes = [256, 128], strides = [1, 1]} : vector<256x4096xi32> to vector<256x128xi32>
    %eq3A_174 = arith.cmpi eq, %slice3A_173, %max3A_57 : vector<256x128xi32>
    %jit3A_175 = arith.constant -2147483648 : i32
    %broadcast_in_dim3A_176 = vector.broadcast %jit3A_175 : i32 to vector<256x128xi32>
    %select_n3A_177 = arith.select %eq3A_174, %broadcast_in_dim3A_176, %slice3A_173 : vector<256x128xi1>, vector<256x128xi32>
    %slice3A_178 = vector.extract_strided_slice %select_n3A_44 {offsets = [0, 3072], sizes = [256, 128], strides = [1, 1]} : vector<256x4096xi32> to vector<256x128xi32>
    %eq3A_179 = arith.cmpi eq, %slice3A_178, %max3A_57 : vector<256x128xi32>
    %jit3A_180 = arith.constant -2147483648 : i32
    %broadcast_in_dim3A_181 = vector.broadcast %jit3A_180 : i32 to vector<256x128xi32>
    %select_n3A_182 = arith.select %eq3A_179, %broadcast_in_dim3A_181, %slice3A_178 : vector<256x128xi1>, vector<256x128xi32>
    %slice3A_183 = vector.extract_strided_slice %select_n3A_44 {offsets = [0, 3200], sizes = [256, 128], strides = [1, 1]} : vector<256x4096xi32> to vector<256x128xi32>
    %eq3A_184 = arith.cmpi eq, %slice3A_183, %max3A_57 : vector<256x128xi32>
    %jit3A_185 = arith.constant -2147483648 : i32
    %broadcast_in_dim3A_186 = vector.broadcast %jit3A_185 : i32 to vector<256x128xi32>
    %select_n3A_187 = arith.select %eq3A_184, %broadcast_in_dim3A_186, %slice3A_183 : vector<256x128xi1>, vector<256x128xi32>
    %slice3A_188 = vector.extract_strided_slice %select_n3A_44 {offsets = [0, 3328], sizes = [256, 128], strides = [1, 1]} : vector<256x4096xi32> to vector<256x128xi32>
    %eq3A_189 = arith.cmpi eq, %slice3A_188, %max3A_57 : vector<256x128xi32>
    %jit3A_190 = arith.constant -2147483648 : i32
    %broadcast_in_dim3A_191 = vector.broadcast %jit3A_190 : i32 to vector<256x128xi32>
    %select_n3A_192 = arith.select %eq3A_189, %broadcast_in_dim3A_191, %slice3A_188 : vector<256x128xi1>, vector<256x128xi32>
    %slice3A_193 = vector.extract_strided_slice %select_n3A_44 {offsets = [0, 3456], sizes = [256, 128], strides = [1, 1]} : vector<256x4096xi32> to vector<256x128xi32>
    %eq3A_194 = arith.cmpi eq, %slice3A_193, %max3A_57 : vector<256x128xi32>
    %jit3A_195 = arith.constant -2147483648 : i32
    %broadcast_in_dim3A_196 = vector.broadcast %jit3A_195 : i32 to vector<256x128xi32>
    %select_n3A_197 = arith.select %eq3A_194, %broadcast_in_dim3A_196, %slice3A_193 : vector<256x128xi1>, vector<256x128xi32>
    %slice3A_198 = vector.extract_strided_slice %select_n3A_44 {offsets = [0, 3584], sizes = [256, 128], strides = [1, 1]} : vector<256x4096xi32> to vector<256x128xi32>
    %eq3A_199 = arith.cmpi eq, %slice3A_198, %max3A_57 : vector<256x128xi32>
    %jit3A_200 = arith.constant -2147483648 : i32
    %broadcast_in_dim3A_201 = vector.broadcast %jit3A_200 : i32 to vector<256x128xi32>
    %select_n3A_202 = arith.select %eq3A_199, %broadcast_in_dim3A_201, %slice3A_198 : vector<256x128xi1>, vector<256x128xi32>
    %slice3A_203 = vector.extract_strided_slice %select_n3A_44 {offsets = [0, 3712], sizes = [256, 128], strides = [1, 1]} : vector<256x4096xi32> to vector<256x128xi32>
    %eq3A_204 = arith.cmpi eq, %slice3A_203, %max3A_57 : vector<256x128xi32>
    %jit3A_205 = arith.constant -2147483648 : i32
    %broadcast_in_dim3A_206 = vector.broadcast %jit3A_205 : i32 to vector<256x128xi32>
    %select_n3A_207 = arith.select %eq3A_204, %broadcast_in_dim3A_206, %slice3A_203 : vector<256x128xi1>, vector<256x128xi32>
    %slice3A_208 = vector.extract_strided_slice %select_n3A_44 {offsets = [0, 3840], sizes = [256, 128], strides = [1, 1]} : vector<256x4096xi32> to vector<256x128xi32>
    %eq3A_209 = arith.cmpi eq, %slice3A_208, %max3A_57 : vector<256x128xi32>
    %jit3A_210 = arith.constant -2147483648 : i32
    %broadcast_in_dim3A_211 = vector.broadcast %jit3A_210 : i32 to vector<256x128xi32>
    %select_n3A_212 = arith.select %eq3A_209, %broadcast_in_dim3A_211, %slice3A_208 : vector<256x128xi1>, vector<256x128xi32>
    %slice3A_213 = vector.extract_strided_slice %select_n3A_44 {offsets = [0, 3968], sizes = [256, 128], strides = [1, 1]} : vector<256x4096xi32> to vector<256x128xi32>
    %eq3A_214 = arith.cmpi eq, %slice3A_213, %max3A_57 : vector<256x128xi32>
    %jit3A_215 = arith.constant -2147483648 : i32
    %broadcast_in_dim3A_216 = vector.broadcast %jit3A_215 : i32 to vector<256x128xi32>
    %select_n3A_217 = arith.select %eq3A_214, %broadcast_in_dim3A_216, %slice3A_213 : vector<256x128xi1>, vector<256x128xi32>
    %concatenate3A = tpu.concatenate %select_n3A_62, %select_n3A_67, %select_n3A_72, %select_n3A_77, %select_n3A_82, %select_n3A_87, %select_n3A_92, %select_n3A_97, %select_n3A_102, %select_n3A_107, %select_n3A_112, %select_n3A_117, %select_n3A_122, %select_n3A_127, %select_n3A_132, %select_n3A_137, %select_n3A_142, %select_n3A_147, %select_n3A_152, %select_n3A_157, %select_n3A_162, %select_n3A_167, %select_n3A_172, %select_n3A_177, %select_n3A_182, %select_n3A_187, %select_n3A_192, %select_n3A_197, %select_n3A_202, %select_n3A_207, %select_n3A_212, %select_n3A_217 in 1 : vector<256x128xi32>, vector<256x128xi32>, vector<256x128xi32>, vector<256x128xi32>, vector<256x128xi32>, vector<256x128xi32>, vector<256x128xi32>, vector<256x128xi32>, vector<256x128xi32>, vector<256x128xi32>, vector<256x128xi32>, vector<256x128xi32>, vector<256x128xi32>, vector<256x128xi32>, vector<256x128xi32>, vector<256x128xi32>, vector<256x128xi32>, vector<256x128xi32>, vector<256x128xi32>, vector<256x128xi32>, vector<256x128xi32>, vector<256x128xi32>, vector<256x128xi32>, vector<256x128xi32>, vector<256x128xi32>, vector<256x128xi32>, vector<256x128xi32>, vector<256x128xi32>, vector<256x128xi32>, vector<256x128xi32>, vector<256x128xi32>, vector<256x128xi32> -> vector<256x4096xi32>
    %slice3A_218 = vector.extract_strided_slice %concatenate3A {offsets = [0, 0], sizes = [256, 2048], strides = [1, 1]} : vector<256x4096xi32> to vector<256x2048xi32>
    %slice3A_219 = vector.extract_strided_slice %concatenate3A {offsets = [0, 2048], sizes = [256, 2048], strides = [1, 1]} : vector<256x4096xi32> to vector<256x2048xi32>
    %max3A_220 = arith.maxsi %slice3A_218, %slice3A_219 : vector<256x2048xi32>
    %slice3A_221 = vector.extract_strided_slice %max3A_220 {offsets = [0, 0], sizes = [256, 1024], strides = [1, 1]} : vector<256x2048xi32> to vector<256x1024xi32>
    %slice3A_222 = vector.extract_strided_slice %max3A_220 {offsets = [0, 1024], sizes = [256, 1024], strides = [1, 1]} : vector<256x2048xi32> to vector<256x1024xi32>
    %max3A_223 = arith.maxsi %slice3A_221, %slice3A_222 : vector<256x1024xi32>
    %slice3A_224 = vector.extract_strided_slice %max3A_223 {offsets = [0, 0], sizes = [256, 512], strides = [1, 1]} : vector<256x1024xi32> to vector<256x512xi32>
    %slice3A_225 = vector.extract_strided_slice %max3A_223 {offsets = [0, 512], sizes = [256, 512], strides = [1, 1]} : vector<256x1024xi32> to vector<256x512xi32>
    %max3A_226 = arith.maxsi %slice3A_224, %slice3A_225 : vector<256x512xi32>
    %slice3A_227 = vector.extract_strided_slice %max3A_226 {offsets = [0, 0], sizes = [256, 256], strides = [1, 1]} : vector<256x512xi32> to vector<256x256xi32>
    %slice3A_228 = vector.extract_strided_slice %max3A_226 {offsets = [0, 256], sizes = [256, 256], strides = [1, 1]} : vector<256x512xi32> to vector<256x256xi32>
    %max3A_229 = arith.maxsi %slice3A_227, %slice3A_228 : vector<256x256xi32>
    %slice3A_230 = vector.extract_strided_slice %max3A_229 {offsets = [0, 0], sizes = [256, 128], strides = [1, 1]} : vector<256x256xi32> to vector<256x128xi32>
    %slice3A_231 = vector.extract_strided_slice %max3A_229 {offsets = [0, 128], sizes = [256, 128], strides = [1, 1]} : vector<256x256xi32> to vector<256x128xi32>
    %max3A_232 = arith.maxsi %slice3A_230, %slice3A_231 : vector<256x128xi32>
    %slice3A_233 = vector.extract_strided_slice %concatenate3A {offsets = [0, 0], sizes = [256, 128], strides = [1, 1]} : vector<256x4096xi32> to vector<256x128xi32>
    %eq3A_234 = arith.cmpi eq, %slice3A_233, %max3A_232 : vector<256x128xi32>
    %jit3A_235 = arith.constant -2147483648 : i32
    %broadcast_in_dim3A_236 = vector.broadcast %jit3A_235 : i32 to vector<256x128xi32>
    %select_n3A_237 = arith.select %eq3A_234, %broadcast_in_dim3A_236, %slice3A_233 : vector<256x128xi1>, vector<256x128xi32>
    %slice3A_238 = vector.extract_strided_slice %concatenate3A {offsets = [0, 128], sizes = [256, 128], strides = [1, 1]} : vector<256x4096xi32> to vector<256x128xi32>
    %eq3A_239 = arith.cmpi eq, %slice3A_238, %max3A_232 : vector<256x128xi32>
    %jit3A_240 = arith.constant -2147483648 : i32
    %broadcast_in_dim3A_241 = vector.broadcast %jit3A_240 : i32 to vector<256x128xi32>
    %select_n3A_242 = arith.select %eq3A_239, %broadcast_in_dim3A_241, %slice3A_238 : vector<256x128xi1>, vector<256x128xi32>
    %slice3A_243 = vector.extract_strided_slice %concatenate3A {offsets = [0, 256], sizes = [256, 128], strides = [1, 1]} : vector<256x4096xi32> to vector<256x128xi32>
    %eq3A_244 = arith.cmpi eq, %slice3A_243, %max3A_232 : vector<256x128xi32>
    %jit3A_245 = arith.constant -2147483648 : i32
    %broadcast_in_dim3A_246 = vector.broadcast %jit3A_245 : i32 to vector<256x128xi32>
    %select_n3A_247 = arith.select %eq3A_244, %broadcast_in_dim3A_246, %slice3A_243 : vector<256x128xi1>, vector<256x128xi32>
    %slice3A_248 = vector.extract_strided_slice %concatenate3A {offsets = [0, 384], sizes = [256, 128], strides = [1, 1]} : vector<256x4096xi32> to vector<256x128xi32>
    %eq3A_249 = arith.cmpi eq, %slice3A_248, %max3A_232 : vector<256x128xi32>
    %jit3A_250 = arith.constant -2147483648 : i32
    %broadcast_in_dim3A_251 = vector.broadcast %jit3A_250 : i32 to vector<256x128xi32>
    %select_n3A_252 = arith.select %eq3A_249, %broadcast_in_dim3A_251, %slice3A_248 : vector<256x128xi1>, vector<256x128xi32>
    %slice3A_253 = vector.extract_strided_slice %concatenate3A {offsets = [0, 512], sizes = [256, 128], strides = [1, 1]} : vector<256x4096xi32> to vector<256x128xi32>
    %eq3A_254 = arith.cmpi eq, %slice3A_253, %max3A_232 : vector<256x128xi32>
    %jit3A_255 = arith.constant -2147483648 : i32
    %broadcast_in_dim3A_256 = vector.broadcast %jit3A_255 : i32 to vector<256x128xi32>
    %select_n3A_257 = arith.select %eq3A_254, %broadcast_in_dim3A_256, %slice3A_253 : vector<256x128xi1>, vector<256x128xi32>
    %slice3A_258 = vector.extract_strided_slice %concatenate3A {offsets = [0, 640], sizes = [256, 128], strides = [1, 1]} : vector<256x4096xi32> to vector<256x128xi32>
    %eq3A_259 = arith.cmpi eq, %slice3A_258, %max3A_232 : vector<256x128xi32>
    %jit3A_260 = arith.constant -2147483648 : i32
    %broadcast_in_dim3A_261 = vector.broadcast %jit3A_260 : i32 to vector<256x128xi32>
    %select_n3A_262 = arith.select %eq3A_259, %broadcast_in_dim3A_261, %slice3A_258 : vector<256x128xi1>, vector<256x128xi32>
    %slice3A_263 = vector.extract_strided_slice %concatenate3A {offsets = [0, 768], sizes = [256, 128], strides = [1, 1]} : vector<256x4096xi32> to vector<256x128xi32>
    %eq3A_264 = arith.cmpi eq, %slice3A_263, %max3A_232 : vector<256x128xi32>
    %jit3A_265 = arith.constant -2147483648 : i32
    %broadcast_in_dim3A_266 = vector.broadcast %jit3A_265 : i32 to vector<256x128xi32>
    %select_n3A_267 = arith.select %eq3A_264, %broadcast_in_dim3A_266, %slice3A_263 : vector<256x128xi1>, vector<256x128xi32>
    %slice3A_268 = vector.extract_strided_slice %concatenate3A {offsets = [0, 896], sizes = [256, 128], strides = [1, 1]} : vector<256x4096xi32> to vector<256x128xi32>
    %eq3A_269 = arith.cmpi eq, %slice3A_268, %max3A_232 : vector<256x128xi32>
    %jit3A_270 = arith.constant -2147483648 : i32
    %broadcast_in_dim3A_271 = vector.broadcast %jit3A_270 : i32 to vector<256x128xi32>
    %select_n3A_272 = arith.select %eq3A_269, %broadcast_in_dim3A_271, %slice3A_268 : vector<256x128xi1>, vector<256x128xi32>
    %slice3A_273 = vector.extract_strided_slice %concatenate3A {offsets = [0, 1024], sizes = [256, 128], strides = [1, 1]} : vector<256x4096xi32> to vector<256x128xi32>
    %eq3A_274 = arith.cmpi eq, %slice3A_273, %max3A_232 : vector<256x128xi32>
    %jit3A_275 = arith.constant -2147483648 : i32
    %broadcast_in_dim3A_276 = vector.broadcast %jit3A_275 : i32 to vector<256x128xi32>
    %select_n3A_277 = arith.select %eq3A_274, %broadcast_in_dim3A_276, %slice3A_273 : vector<256x128xi1>, vector<256x128xi32>
    %slice3A_278 = vector.extract_strided_slice %concatenate3A {offsets = [0, 1152], sizes = [256, 128], strides = [1, 1]} : vector<256x4096xi32> to vector<256x128xi32>
    %eq3A_279 = arith.cmpi eq, %slice3A_278, %max3A_232 : vector<256x128xi32>
    %jit3A_280 = arith.constant -2147483648 : i32
    %broadcast_in_dim3A_281 = vector.broadcast %jit3A_280 : i32 to vector<256x128xi32>
    %select_n3A_282 = arith.select %eq3A_279, %broadcast_in_dim3A_281, %slice3A_278 : vector<256x128xi1>, vector<256x128xi32>
    %slice3A_283 = vector.extract_strided_slice %concatenate3A {offsets = [0, 1280], sizes = [256, 128], strides = [1, 1]} : vector<256x4096xi32> to vector<256x128xi32>
    %eq3A_284 = arith.cmpi eq, %slice3A_283, %max3A_232 : vector<256x128xi32>
    %jit3A_285 = arith.constant -2147483648 : i32
    %broadcast_in_dim3A_286 = vector.broadcast %jit3A_285 : i32 to vector<256x128xi32>
    %select_n3A_287 = arith.select %eq3A_284, %broadcast_in_dim3A_286, %slice3A_283 : vector<256x128xi1>, vector<256x128xi32>
    %slice3A_288 = vector.extract_strided_slice %concatenate3A {offsets = [0, 1408], sizes = [256, 128], strides = [1, 1]} : vector<256x4096xi32> to vector<256x128xi32>
    %eq3A_289 = arith.cmpi eq, %slice3A_288, %max3A_232 : vector<256x128xi32>
    %jit3A_290 = arith.constant -2147483648 : i32
    %broadcast_in_dim3A_291 = vector.broadcast %jit3A_290 : i32 to vector<256x128xi32>
    %select_n3A_292 = arith.select %eq3A_289, %broadcast_in_dim3A_291, %slice3A_288 : vector<256x128xi1>, vector<256x128xi32>
    %slice3A_293 = vector.extract_strided_slice %concatenate3A {offsets = [0, 1536], sizes = [256, 128], strides = [1, 1]} : vector<256x4096xi32> to vector<256x128xi32>
    %eq3A_294 = arith.cmpi eq, %slice3A_293, %max3A_232 : vector<256x128xi32>
    %jit3A_295 = arith.constant -2147483648 : i32
    %broadcast_in_dim3A_296 = vector.broadcast %jit3A_295 : i32 to vector<256x128xi32>
    %select_n3A_297 = arith.select %eq3A_294, %broadcast_in_dim3A_296, %slice3A_293 : vector<256x128xi1>, vector<256x128xi32>
    %slice3A_298 = vector.extract_strided_slice %concatenate3A {offsets = [0, 1664], sizes = [256, 128], strides = [1, 1]} : vector<256x4096xi32> to vector<256x128xi32>
    %eq3A_299 = arith.cmpi eq, %slice3A_298, %max3A_232 : vector<256x128xi32>
    %jit3A_300 = arith.constant -2147483648 : i32
    %broadcast_in_dim3A_301 = vector.broadcast %jit3A_300 : i32 to vector<256x128xi32>
    %select_n3A_302 = arith.select %eq3A_299, %broadcast_in_dim3A_301, %slice3A_298 : vector<256x128xi1>, vector<256x128xi32>
    %slice3A_303 = vector.extract_strided_slice %concatenate3A {offsets = [0, 1792], sizes = [256, 128], strides = [1, 1]} : vector<256x4096xi32> to vector<256x128xi32>
    %eq3A_304 = arith.cmpi eq, %slice3A_303, %max3A_232 : vector<256x128xi32>
    %jit3A_305 = arith.constant -2147483648 : i32
    %broadcast_in_dim3A_306 = vector.broadcast %jit3A_305 : i32 to vector<256x128xi32>
    %select_n3A_307 = arith.select %eq3A_304, %broadcast_in_dim3A_306, %slice3A_303 : vector<256x128xi1>, vector<256x128xi32>
    %slice3A_308 = vector.extract_strided_slice %concatenate3A {offsets = [0, 1920], sizes = [256, 128], strides = [1, 1]} : vector<256x4096xi32> to vector<256x128xi32>
    %eq3A_309 = arith.cmpi eq, %slice3A_308, %max3A_232 : vector<256x128xi32>
    %jit3A_310 = arith.constant -2147483648 : i32
    %broadcast_in_dim3A_311 = vector.broadcast %jit3A_310 : i32 to vector<256x128xi32>
    %select_n3A_312 = arith.select %eq3A_309, %broadcast_in_dim3A_311, %slice3A_308 : vector<256x128xi1>, vector<256x128xi32>
    %slice3A_313 = vector.extract_strided_slice %concatenate3A {offsets = [0, 2048], sizes = [256, 128], strides = [1, 1]} : vector<256x4096xi32> to vector<256x128xi32>
    %eq3A_314 = arith.cmpi eq, %slice3A_313, %max3A_232 : vector<256x128xi32>
    %jit3A_315 = arith.constant -2147483648 : i32
    %broadcast_in_dim3A_316 = vector.broadcast %jit3A_315 : i32 to vector<256x128xi32>
    %select_n3A_317 = arith.select %eq3A_314, %broadcast_in_dim3A_316, %slice3A_313 : vector<256x128xi1>, vector<256x128xi32>
    %slice3A_318 = vector.extract_strided_slice %concatenate3A {offsets = [0, 2176], sizes = [256, 128], strides = [1, 1]} : vector<256x4096xi32> to vector<256x128xi32>
    %eq3A_319 = arith.cmpi eq, %slice3A_318, %max3A_232 : vector<256x128xi32>
    %jit3A_320 = arith.constant -2147483648 : i32
    %broadcast_in_dim3A_321 = vector.broadcast %jit3A_320 : i32 to vector<256x128xi32>
    %select_n3A_322 = arith.select %eq3A_319, %broadcast_in_dim3A_321, %slice3A_318 : vector<256x128xi1>, vector<256x128xi32>
    %slice3A_323 = vector.extract_strided_slice %concatenate3A {offsets = [0, 2304], sizes = [256, 128], strides = [1, 1]} : vector<256x4096xi32> to vector<256x128xi32>
    %eq3A_324 = arith.cmpi eq, %slice3A_323, %max3A_232 : vector<256x128xi32>
    %jit3A_325 = arith.constant -2147483648 : i32
    %broadcast_in_dim3A_326 = vector.broadcast %jit3A_325 : i32 to vector<256x128xi32>
    %select_n3A_327 = arith.select %eq3A_324, %broadcast_in_dim3A_326, %slice3A_323 : vector<256x128xi1>, vector<256x128xi32>
    %slice3A_328 = vector.extract_strided_slice %concatenate3A {offsets = [0, 2432], sizes = [256, 128], strides = [1, 1]} : vector<256x4096xi32> to vector<256x128xi32>
    %eq3A_329 = arith.cmpi eq, %slice3A_328, %max3A_232 : vector<256x128xi32>
    %jit3A_330 = arith.constant -2147483648 : i32
    %broadcast_in_dim3A_331 = vector.broadcast %jit3A_330 : i32 to vector<256x128xi32>
    %select_n3A_332 = arith.select %eq3A_329, %broadcast_in_dim3A_331, %slice3A_328 : vector<256x128xi1>, vector<256x128xi32>
    %slice3A_333 = vector.extract_strided_slice %concatenate3A {offsets = [0, 2560], sizes = [256, 128], strides = [1, 1]} : vector<256x4096xi32> to vector<256x128xi32>
    %eq3A_334 = arith.cmpi eq, %slice3A_333, %max3A_232 : vector<256x128xi32>
    %jit3A_335 = arith.constant -2147483648 : i32
    %broadcast_in_dim3A_336 = vector.broadcast %jit3A_335 : i32 to vector<256x128xi32>
    %select_n3A_337 = arith.select %eq3A_334, %broadcast_in_dim3A_336, %slice3A_333 : vector<256x128xi1>, vector<256x128xi32>
    %slice3A_338 = vector.extract_strided_slice %concatenate3A {offsets = [0, 2688], sizes = [256, 128], strides = [1, 1]} : vector<256x4096xi32> to vector<256x128xi32>
    %eq3A_339 = arith.cmpi eq, %slice3A_338, %max3A_232 : vector<256x128xi32>
    %jit3A_340 = arith.constant -2147483648 : i32
    %broadcast_in_dim3A_341 = vector.broadcast %jit3A_340 : i32 to vector<256x128xi32>
    %select_n3A_342 = arith.select %eq3A_339, %broadcast_in_dim3A_341, %slice3A_338 : vector<256x128xi1>, vector<256x128xi32>
    %slice3A_343 = vector.extract_strided_slice %concatenate3A {offsets = [0, 2816], sizes = [256, 128], strides = [1, 1]} : vector<256x4096xi32> to vector<256x128xi32>
    %eq3A_344 = arith.cmpi eq, %slice3A_343, %max3A_232 : vector<256x128xi32>
    %jit3A_345 = arith.constant -2147483648 : i32
    %broadcast_in_dim3A_346 = vector.broadcast %jit3A_345 : i32 to vector<256x128xi32>
    %select_n3A_347 = arith.select %eq3A_344, %broadcast_in_dim3A_346, %slice3A_343 : vector<256x128xi1>, vector<256x128xi32>
    %slice3A_348 = vector.extract_strided_slice %concatenate3A {offsets = [0, 2944], sizes = [256, 128], strides = [1, 1]} : vector<256x4096xi32> to vector<256x128xi32>
    %eq3A_349 = arith.cmpi eq, %slice3A_348, %max3A_232 : vector<256x128xi32>
    %jit3A_350 = arith.constant -2147483648 : i32
    %broadcast_in_dim3A_351 = vector.broadcast %jit3A_350 : i32 to vector<256x128xi32>
    %select_n3A_352 = arith.select %eq3A_349, %broadcast_in_dim3A_351, %slice3A_348 : vector<256x128xi1>, vector<256x128xi32>
    %slice3A_353 = vector.extract_strided_slice %concatenate3A {offsets = [0, 3072], sizes = [256, 128], strides = [1, 1]} : vector<256x4096xi32> to vector<256x128xi32>
    %eq3A_354 = arith.cmpi eq, %slice3A_353, %max3A_232 : vector<256x128xi32>
    %jit3A_355 = arith.constant -2147483648 : i32
    %broadcast_in_dim3A_356 = vector.broadcast %jit3A_355 : i32 to vector<256x128xi32>
    %select_n3A_357 = arith.select %eq3A_354, %broadcast_in_dim3A_356, %slice3A_353 : vector<256x128xi1>, vector<256x128xi32>
    %slice3A_358 = vector.extract_strided_slice %concatenate3A {offsets = [0, 3200], sizes = [256, 128], strides = [1, 1]} : vector<256x4096xi32> to vector<256x128xi32>
    %eq3A_359 = arith.cmpi eq, %slice3A_358, %max3A_232 : vector<256x128xi32>
    %jit3A_360 = arith.constant -2147483648 : i32
    %broadcast_in_dim3A_361 = vector.broadcast %jit3A_360 : i32 to vector<256x128xi32>
    %select_n3A_362 = arith.select %eq3A_359, %broadcast_in_dim3A_361, %slice3A_358 : vector<256x128xi1>, vector<256x128xi32>
    %slice3A_363 = vector.extract_strided_slice %concatenate3A {offsets = [0, 3328], sizes = [256, 128], strides = [1, 1]} : vector<256x4096xi32> to vector<256x128xi32>
    %eq3A_364 = arith.cmpi eq, %slice3A_363, %max3A_232 : vector<256x128xi32>
    %jit3A_365 = arith.constant -2147483648 : i32
    %broadcast_in_dim3A_366 = vector.broadcast %jit3A_365 : i32 to vector<256x128xi32>
    %select_n3A_367 = arith.select %eq3A_364, %broadcast_in_dim3A_366, %slice3A_363 : vector<256x128xi1>, vector<256x128xi32>
    %slice3A_368 = vector.extract_strided_slice %concatenate3A {offsets = [0, 3456], sizes = [256, 128], strides = [1, 1]} : vector<256x4096xi32> to vector<256x128xi32>
    %eq3A_369 = arith.cmpi eq, %slice3A_368, %max3A_232 : vector<256x128xi32>
    %jit3A_370 = arith.constant -2147483648 : i32
    %broadcast_in_dim3A_371 = vector.broadcast %jit3A_370 : i32 to vector<256x128xi32>
    %select_n3A_372 = arith.select %eq3A_369, %broadcast_in_dim3A_371, %slice3A_368 : vector<256x128xi1>, vector<256x128xi32>
    %slice3A_373 = vector.extract_strided_slice %concatenate3A {offsets = [0, 3584], sizes = [256, 128], strides = [1, 1]} : vector<256x4096xi32> to vector<256x128xi32>
    %eq3A_374 = arith.cmpi eq, %slice3A_373, %max3A_232 : vector<256x128xi32>
    %jit3A_375 = arith.constant -2147483648 : i32
    %broadcast_in_dim3A_376 = vector.broadcast %jit3A_375 : i32 to vector<256x128xi32>
    %select_n3A_377 = arith.select %eq3A_374, %broadcast_in_dim3A_376, %slice3A_373 : vector<256x128xi1>, vector<256x128xi32>
    %slice3A_378 = vector.extract_strided_slice %concatenate3A {offsets = [0, 3712], sizes = [256, 128], strides = [1, 1]} : vector<256x4096xi32> to vector<256x128xi32>
    %eq3A_379 = arith.cmpi eq, %slice3A_378, %max3A_232 : vector<256x128xi32>
    %jit3A_380 = arith.constant -2147483648 : i32
    %broadcast_in_dim3A_381 = vector.broadcast %jit3A_380 : i32 to vector<256x128xi32>
    %select_n3A_382 = arith.select %eq3A_379, %broadcast_in_dim3A_381, %slice3A_378 : vector<256x128xi1>, vector<256x128xi32>
    %slice3A_383 = vector.extract_strided_slice %concatenate3A {offsets = [0, 3840], sizes = [256, 128], strides = [1, 1]} : vector<256x4096xi32> to vector<256x128xi32>
    %eq3A_384 = arith.cmpi eq, %slice3A_383, %max3A_232 : vector<256x128xi32>
    %jit3A_385 = arith.constant -2147483648 : i32
    %broadcast_in_dim3A_386 = vector.broadcast %jit3A_385 : i32 to vector<256x128xi32>
    %select_n3A_387 = arith.select %eq3A_384, %broadcast_in_dim3A_386, %slice3A_383 : vector<256x128xi1>, vector<256x128xi32>
    %slice3A_388 = vector.extract_strided_slice %concatenate3A {offsets = [0, 3968], sizes = [256, 128], strides = [1, 1]} : vector<256x4096xi32> to vector<256x128xi32>
    %eq3A_389 = arith.cmpi eq, %slice3A_388, %max3A_232 : vector<256x128xi32>
    %jit3A_390 = arith.constant -2147483648 : i32
    %broadcast_in_dim3A_391 = vector.broadcast %jit3A_390 : i32 to vector<256x128xi32>
    %select_n3A_392 = arith.select %eq3A_389, %broadcast_in_dim3A_391, %slice3A_388 : vector<256x128xi1>, vector<256x128xi32>
    %concatenate3A_393 = tpu.concatenate %select_n3A_237, %select_n3A_242, %select_n3A_247, %select_n3A_252, %select_n3A_257, %select_n3A_262, %select_n3A_267, %select_n3A_272, %select_n3A_277, %select_n3A_282, %select_n3A_287, %select_n3A_292, %select_n3A_297, %select_n3A_302, %select_n3A_307, %select_n3A_312, %select_n3A_317, %select_n3A_322, %select_n3A_327, %select_n3A_332, %select_n3A_337, %select_n3A_342, %select_n3A_347, %select_n3A_352, %select_n3A_357, %select_n3A_362, %select_n3A_367, %select_n3A_372, %select_n3A_377, %select_n3A_382, %select_n3A_387, %select_n3A_392 in 1 : vector<256x128xi32>, vector<256x128xi32>, vector<256x128xi32>, vector<256x128xi32>, vector<256x128xi32>, vector<256x128xi32>, vector<256x128xi32>, vector<256x128xi32>, vector<256x128xi32>, vector<256x128xi32>, vector<256x128xi32>, vector<256x128xi32>, vector<256x128xi32>, vector<256x128xi32>, vector<256x128xi32>, vector<256x128xi32>, vector<256x128xi32>, vector<256x128xi32>, vector<256x128xi32>, vector<256x128xi32>, vector<256x128xi32>, vector<256x128xi32>, vector<256x128xi32>, vector<256x128xi32>, vector<256x128xi32>, vector<256x128xi32>, vector<256x128xi32>, vector<256x128xi32>, vector<256x128xi32>, vector<256x128xi32>, vector<256x128xi32>, vector<256x128xi32> -> vector<256x4096xi32>
    %slice3A_394 = vector.extract_strided_slice %concatenate3A_393 {offsets = [0, 0], sizes = [256, 2048], strides = [1, 1]} : vector<256x4096xi32> to vector<256x2048xi32>
    %slice3A_395 = vector.extract_strided_slice %concatenate3A_393 {offsets = [0, 2048], sizes = [256, 2048], strides = [1, 1]} : vector<256x4096xi32> to vector<256x2048xi32>
    %max3A_396 = arith.maxsi %slice3A_394, %slice3A_395 : vector<256x2048xi32>
    %slice3A_397 = vector.extract_strided_slice %max3A_396 {offsets = [0, 0], sizes = [256, 1024], strides = [1, 1]} : vector<256x2048xi32> to vector<256x1024xi32>
    %slice3A_398 = vector.extract_strided_slice %max3A_396 {offsets = [0, 1024], sizes = [256, 1024], strides = [1, 1]} : vector<256x2048xi32> to vector<256x1024xi32>
    %max3A_399 = arith.maxsi %slice3A_397, %slice3A_398 : vector<256x1024xi32>
    %slice3A_400 = vector.extract_strided_slice %max3A_399 {offsets = [0, 0], sizes = [256, 512], strides = [1, 1]} : vector<256x1024xi32> to vector<256x512xi32>
    %slice3A_401 = vector.extract_strided_slice %max3A_399 {offsets = [0, 512], sizes = [256, 512], strides = [1, 1]} : vector<256x1024xi32> to vector<256x512xi32>
    %max3A_402 = arith.maxsi %slice3A_400, %slice3A_401 : vector<256x512xi32>
    %slice3A_403 = vector.extract_strided_slice %max3A_402 {offsets = [0, 0], sizes = [256, 256], strides = [1, 1]} : vector<256x512xi32> to vector<256x256xi32>
    %slice3A_404 = vector.extract_strided_slice %max3A_402 {offsets = [0, 256], sizes = [256, 256], strides = [1, 1]} : vector<256x512xi32> to vector<256x256xi32>
    %max3A_405 = arith.maxsi %slice3A_403, %slice3A_404 : vector<256x256xi32>
    %slice3A_406 = vector.extract_strided_slice %max3A_405 {offsets = [0, 0], sizes = [256, 128], strides = [1, 1]} : vector<256x256xi32> to vector<256x128xi32>
    %slice3A_407 = vector.extract_strided_slice %max3A_405 {offsets = [0, 128], sizes = [256, 128], strides = [1, 1]} : vector<256x256xi32> to vector<256x128xi32>
    %max3A_408 = arith.maxsi %slice3A_406, %slice3A_407 : vector<256x128xi32>
    %slice3A_409 = vector.extract_strided_slice %concatenate3A_393 {offsets = [0, 0], sizes = [256, 128], strides = [1, 1]} : vector<256x4096xi32> to vector<256x128xi32>
    %eq3A_410 = arith.cmpi eq, %slice3A_409, %max3A_408 : vector<256x128xi32>
    %jit3A_411 = arith.constant -2147483648 : i32
    %broadcast_in_dim3A_412 = vector.broadcast %jit3A_411 : i32 to vector<256x128xi32>
    %select_n3A_413 = arith.select %eq3A_410, %broadcast_in_dim3A_412, %slice3A_409 : vector<256x128xi1>, vector<256x128xi32>
    %slice3A_414 = vector.extract_strided_slice %concatenate3A_393 {offsets = [0, 128], sizes = [256, 128], strides = [1, 1]} : vector<256x4096xi32> to vector<256x128xi32>
    %eq3A_415 = arith.cmpi eq, %slice3A_414, %max3A_408 : vector<256x128xi32>
    %jit3A_416 = arith.constant -2147483648 : i32
    %broadcast_in_dim3A_417 = vector.broadcast %jit3A_416 : i32 to vector<256x128xi32>
    %select_n3A_418 = arith.select %eq3A_415, %broadcast_in_dim3A_417, %slice3A_414 : vector<256x128xi1>, vector<256x128xi32>
    %slice3A_419 = vector.extract_strided_slice %concatenate3A_393 {offsets = [0, 256], sizes = [256, 128], strides = [1, 1]} : vector<256x4096xi32> to vector<256x128xi32>
    %eq3A_420 = arith.cmpi eq, %slice3A_419, %max3A_408 : vector<256x128xi32>
    %jit3A_421 = arith.constant -2147483648 : i32
    %broadcast_in_dim3A_422 = vector.broadcast %jit3A_421 : i32 to vector<256x128xi32>
    %select_n3A_423 = arith.select %eq3A_420, %broadcast_in_dim3A_422, %slice3A_419 : vector<256x128xi1>, vector<256x128xi32>
    %slice3A_424 = vector.extract_strided_slice %concatenate3A_393 {offsets = [0, 384], sizes = [256, 128], strides = [1, 1]} : vector<256x4096xi32> to vector<256x128xi32>
    %eq3A_425 = arith.cmpi eq, %slice3A_424, %max3A_408 : vector<256x128xi32>
    %jit3A_426 = arith.constant -2147483648 : i32
    %broadcast_in_dim3A_427 = vector.broadcast %jit3A_426 : i32 to vector<256x128xi32>
    %select_n3A_428 = arith.select %eq3A_425, %broadcast_in_dim3A_427, %slice3A_424 : vector<256x128xi1>, vector<256x128xi32>
    %slice3A_429 = vector.extract_strided_slice %concatenate3A_393 {offsets = [0, 512], sizes = [256, 128], strides = [1, 1]} : vector<256x4096xi32> to vector<256x128xi32>
    %eq3A_430 = arith.cmpi eq, %slice3A_429, %max3A_408 : vector<256x128xi32>
    %jit3A_431 = arith.constant -2147483648 : i32
    %broadcast_in_dim3A_432 = vector.broadcast %jit3A_431 : i32 to vector<256x128xi32>
    %select_n3A_433 = arith.select %eq3A_430, %broadcast_in_dim3A_432, %slice3A_429 : vector<256x128xi1>, vector<256x128xi32>
    %slice3A_434 = vector.extract_strided_slice %concatenate3A_393 {offsets = [0, 640], sizes = [256, 128], strides = [1, 1]} : vector<256x4096xi32> to vector<256x128xi32>
    %eq3A_435 = arith.cmpi eq, %slice3A_434, %max3A_408 : vector<256x128xi32>
    %jit3A_436 = arith.constant -2147483648 : i32
    %broadcast_in_dim3A_437 = vector.broadcast %jit3A_436 : i32 to vector<256x128xi32>
    %select_n3A_438 = arith.select %eq3A_435, %broadcast_in_dim3A_437, %slice3A_434 : vector<256x128xi1>, vector<256x128xi32>
    %slice3A_439 = vector.extract_strided_slice %concatenate3A_393 {offsets = [0, 768], sizes = [256, 128], strides = [1, 1]} : vector<256x4096xi32> to vector<256x128xi32>
    %eq3A_440 = arith.cmpi eq, %slice3A_439, %max3A_408 : vector<256x128xi32>
    %jit3A_441 = arith.constant -2147483648 : i32
    %broadcast_in_dim3A_442 = vector.broadcast %jit3A_441 : i32 to vector<256x128xi32>
    %select_n3A_443 = arith.select %eq3A_440, %broadcast_in_dim3A_442, %slice3A_439 : vector<256x128xi1>, vector<256x128xi32>
    %slice3A_444 = vector.extract_strided_slice %concatenate3A_393 {offsets = [0, 896], sizes = [256, 128], strides = [1, 1]} : vector<256x4096xi32> to vector<256x128xi32>
    %eq3A_445 = arith.cmpi eq, %slice3A_444, %max3A_408 : vector<256x128xi32>
    %jit3A_446 = arith.constant -2147483648 : i32
    %broadcast_in_dim3A_447 = vector.broadcast %jit3A_446 : i32 to vector<256x128xi32>
    %select_n3A_448 = arith.select %eq3A_445, %broadcast_in_dim3A_447, %slice3A_444 : vector<256x128xi1>, vector<256x128xi32>
    %slice3A_449 = vector.extract_strided_slice %concatenate3A_393 {offsets = [0, 1024], sizes = [256, 128], strides = [1, 1]} : vector<256x4096xi32> to vector<256x128xi32>
    %eq3A_450 = arith.cmpi eq, %slice3A_449, %max3A_408 : vector<256x128xi32>
    %jit3A_451 = arith.constant -2147483648 : i32
    %broadcast_in_dim3A_452 = vector.broadcast %jit3A_451 : i32 to vector<256x128xi32>
    %select_n3A_453 = arith.select %eq3A_450, %broadcast_in_dim3A_452, %slice3A_449 : vector<256x128xi1>, vector<256x128xi32>
    %slice3A_454 = vector.extract_strided_slice %concatenate3A_393 {offsets = [0, 1152], sizes = [256, 128], strides = [1, 1]} : vector<256x4096xi32> to vector<256x128xi32>
    %eq3A_455 = arith.cmpi eq, %slice3A_454, %max3A_408 : vector<256x128xi32>
    %jit3A_456 = arith.constant -2147483648 : i32
    %broadcast_in_dim3A_457 = vector.broadcast %jit3A_456 : i32 to vector<256x128xi32>
    %select_n3A_458 = arith.select %eq3A_455, %broadcast_in_dim3A_457, %slice3A_454 : vector<256x128xi1>, vector<256x128xi32>
    %slice3A_459 = vector.extract_strided_slice %concatenate3A_393 {offsets = [0, 1280], sizes = [256, 128], strides = [1, 1]} : vector<256x4096xi32> to vector<256x128xi32>
    %eq3A_460 = arith.cmpi eq, %slice3A_459, %max3A_408 : vector<256x128xi32>
    %jit3A_461 = arith.constant -2147483648 : i32
    %broadcast_in_dim3A_462 = vector.broadcast %jit3A_461 : i32 to vector<256x128xi32>
    %select_n3A_463 = arith.select %eq3A_460, %broadcast_in_dim3A_462, %slice3A_459 : vector<256x128xi1>, vector<256x128xi32>
    %slice3A_464 = vector.extract_strided_slice %concatenate3A_393 {offsets = [0, 1408], sizes = [256, 128], strides = [1, 1]} : vector<256x4096xi32> to vector<256x128xi32>
    %eq3A_465 = arith.cmpi eq, %slice3A_464, %max3A_408 : vector<256x128xi32>
    %jit3A_466 = arith.constant -2147483648 : i32
    %broadcast_in_dim3A_467 = vector.broadcast %jit3A_466 : i32 to vector<256x128xi32>
    %select_n3A_468 = arith.select %eq3A_465, %broadcast_in_dim3A_467, %slice3A_464 : vector<256x128xi1>, vector<256x128xi32>
    %slice3A_469 = vector.extract_strided_slice %concatenate3A_393 {offsets = [0, 1536], sizes = [256, 128], strides = [1, 1]} : vector<256x4096xi32> to vector<256x128xi32>
    %eq3A_470 = arith.cmpi eq, %slice3A_469, %max3A_408 : vector<256x128xi32>
    %jit3A_471 = arith.constant -2147483648 : i32
    %broadcast_in_dim3A_472 = vector.broadcast %jit3A_471 : i32 to vector<256x128xi32>
    %select_n3A_473 = arith.select %eq3A_470, %broadcast_in_dim3A_472, %slice3A_469 : vector<256x128xi1>, vector<256x128xi32>
    %slice3A_474 = vector.extract_strided_slice %concatenate3A_393 {offsets = [0, 1664], sizes = [256, 128], strides = [1, 1]} : vector<256x4096xi32> to vector<256x128xi32>
    %eq3A_475 = arith.cmpi eq, %slice3A_474, %max3A_408 : vector<256x128xi32>
    %jit3A_476 = arith.constant -2147483648 : i32
    %broadcast_in_dim3A_477 = vector.broadcast %jit3A_476 : i32 to vector<256x128xi32>
    %select_n3A_478 = arith.select %eq3A_475, %broadcast_in_dim3A_477, %slice3A_474 : vector<256x128xi1>, vector<256x128xi32>
    %slice3A_479 = vector.extract_strided_slice %concatenate3A_393 {offsets = [0, 1792], sizes = [256, 128], strides = [1, 1]} : vector<256x4096xi32> to vector<256x128xi32>
    %eq3A_480 = arith.cmpi eq, %slice3A_479, %max3A_408 : vector<256x128xi32>
    %jit3A_481 = arith.constant -2147483648 : i32
    %broadcast_in_dim3A_482 = vector.broadcast %jit3A_481 : i32 to vector<256x128xi32>
    %select_n3A_483 = arith.select %eq3A_480, %broadcast_in_dim3A_482, %slice3A_479 : vector<256x128xi1>, vector<256x128xi32>
    %slice3A_484 = vector.extract_strided_slice %concatenate3A_393 {offsets = [0, 1920], sizes = [256, 128], strides = [1, 1]} : vector<256x4096xi32> to vector<256x128xi32>
    %eq3A_485 = arith.cmpi eq, %slice3A_484, %max3A_408 : vector<256x128xi32>
    %jit3A_486 = arith.constant -2147483648 : i32
    %broadcast_in_dim3A_487 = vector.broadcast %jit3A_486 : i32 to vector<256x128xi32>
    %select_n3A_488 = arith.select %eq3A_485, %broadcast_in_dim3A_487, %slice3A_484 : vector<256x128xi1>, vector<256x128xi32>
    %slice3A_489 = vector.extract_strided_slice %concatenate3A_393 {offsets = [0, 2048], sizes = [256, 128], strides = [1, 1]} : vector<256x4096xi32> to vector<256x128xi32>
    %eq3A_490 = arith.cmpi eq, %slice3A_489, %max3A_408 : vector<256x128xi32>
    %jit3A_491 = arith.constant -2147483648 : i32
    %broadcast_in_dim3A_492 = vector.broadcast %jit3A_491 : i32 to vector<256x128xi32>
    %select_n3A_493 = arith.select %eq3A_490, %broadcast_in_dim3A_492, %slice3A_489 : vector<256x128xi1>, vector<256x128xi32>
    %slice3A_494 = vector.extract_strided_slice %concatenate3A_393 {offsets = [0, 2176], sizes = [256, 128], strides = [1, 1]} : vector<256x4096xi32> to vector<256x128xi32>
    %eq3A_495 = arith.cmpi eq, %slice3A_494, %max3A_408 : vector<256x128xi32>
    %jit3A_496 = arith.constant -2147483648 : i32
    %broadcast_in_dim3A_497 = vector.broadcast %jit3A_496 : i32 to vector<256x128xi32>
    %select_n3A_498 = arith.select %eq3A_495, %broadcast_in_dim3A_497, %slice3A_494 : vector<256x128xi1>, vector<256x128xi32>
    %slice3A_499 = vector.extract_strided_slice %concatenate3A_393 {offsets = [0, 2304], sizes = [256, 128], strides = [1, 1]} : vector<256x4096xi32> to vector<256x128xi32>
    %eq3A_500 = arith.cmpi eq, %slice3A_499, %max3A_408 : vector<256x128xi32>
    %jit3A_501 = arith.constant -2147483648 : i32
    %broadcast_in_dim3A_502 = vector.broadcast %jit3A_501 : i32 to vector<256x128xi32>
    %select_n3A_503 = arith.select %eq3A_500, %broadcast_in_dim3A_502, %slice3A_499 : vector<256x128xi1>, vector<256x128xi32>
    %slice3A_504 = vector.extract_strided_slice %concatenate3A_393 {offsets = [0, 2432], sizes = [256, 128], strides = [1, 1]} : vector<256x4096xi32> to vector<256x128xi32>
    %eq3A_505 = arith.cmpi eq, %slice3A_504, %max3A_408 : vector<256x128xi32>
    %jit3A_506 = arith.constant -2147483648 : i32
    %broadcast_in_dim3A_507 = vector.broadcast %jit3A_506 : i32 to vector<256x128xi32>
    %select_n3A_508 = arith.select %eq3A_505, %broadcast_in_dim3A_507, %slice3A_504 : vector<256x128xi1>, vector<256x128xi32>
    %slice3A_509 = vector.extract_strided_slice %concatenate3A_393 {offsets = [0, 2560], sizes = [256, 128], strides = [1, 1]} : vector<256x4096xi32> to vector<256x128xi32>
    %eq3A_510 = arith.cmpi eq, %slice3A_509, %max3A_408 : vector<256x128xi32>
    %jit3A_511 = arith.constant -2147483648 : i32
    %broadcast_in_dim3A_512 = vector.broadcast %jit3A_511 : i32 to vector<256x128xi32>
    %select_n3A_513 = arith.select %eq3A_510, %broadcast_in_dim3A_512, %slice3A_509 : vector<256x128xi1>, vector<256x128xi32>
    %slice3A_514 = vector.extract_strided_slice %concatenate3A_393 {offsets = [0, 2688], sizes = [256, 128], strides = [1, 1]} : vector<256x4096xi32> to vector<256x128xi32>
    %eq3A_515 = arith.cmpi eq, %slice3A_514, %max3A_408 : vector<256x128xi32>
    %jit3A_516 = arith.constant -2147483648 : i32
    %broadcast_in_dim3A_517 = vector.broadcast %jit3A_516 : i32 to vector<256x128xi32>
    %select_n3A_518 = arith.select %eq3A_515, %broadcast_in_dim3A_517, %slice3A_514 : vector<256x128xi1>, vector<256x128xi32>
    %slice3A_519 = vector.extract_strided_slice %concatenate3A_393 {offsets = [0, 2816], sizes = [256, 128], strides = [1, 1]} : vector<256x4096xi32> to vector<256x128xi32>
    %eq3A_520 = arith.cmpi eq, %slice3A_519, %max3A_408 : vector<256x128xi32>
    %jit3A_521 = arith.constant -2147483648 : i32
    %broadcast_in_dim3A_522 = vector.broadcast %jit3A_521 : i32 to vector<256x128xi32>
    %select_n3A_523 = arith.select %eq3A_520, %broadcast_in_dim3A_522, %slice3A_519 : vector<256x128xi1>, vector<256x128xi32>
    %slice3A_524 = vector.extract_strided_slice %concatenate3A_393 {offsets = [0, 2944], sizes = [256, 128], strides = [1, 1]} : vector<256x4096xi32> to vector<256x128xi32>
    %eq3A_525 = arith.cmpi eq, %slice3A_524, %max3A_408 : vector<256x128xi32>
    %jit3A_526 = arith.constant -2147483648 : i32
    %broadcast_in_dim3A_527 = vector.broadcast %jit3A_526 : i32 to vector<256x128xi32>
    %select_n3A_528 = arith.select %eq3A_525, %broadcast_in_dim3A_527, %slice3A_524 : vector<256x128xi1>, vector<256x128xi32>
    %slice3A_529 = vector.extract_strided_slice %concatenate3A_393 {offsets = [0, 3072], sizes = [256, 128], strides = [1, 1]} : vector<256x4096xi32> to vector<256x128xi32>
    %eq3A_530 = arith.cmpi eq, %slice3A_529, %max3A_408 : vector<256x128xi32>
    %jit3A_531 = arith.constant -2147483648 : i32
    %broadcast_in_dim3A_532 = vector.broadcast %jit3A_531 : i32 to vector<256x128xi32>
    %select_n3A_533 = arith.select %eq3A_530, %broadcast_in_dim3A_532, %slice3A_529 : vector<256x128xi1>, vector<256x128xi32>
    %slice3A_534 = vector.extract_strided_slice %concatenate3A_393 {offsets = [0, 3200], sizes = [256, 128], strides = [1, 1]} : vector<256x4096xi32> to vector<256x128xi32>
    %eq3A_535 = arith.cmpi eq, %slice3A_534, %max3A_408 : vector<256x128xi32>
    %jit3A_536 = arith.constant -2147483648 : i32
    %broadcast_in_dim3A_537 = vector.broadcast %jit3A_536 : i32 to vector<256x128xi32>
    %select_n3A_538 = arith.select %eq3A_535, %broadcast_in_dim3A_537, %slice3A_534 : vector<256x128xi1>, vector<256x128xi32>
    %slice3A_539 = vector.extract_strided_slice %concatenate3A_393 {offsets = [0, 3328], sizes = [256, 128], strides = [1, 1]} : vector<256x4096xi32> to vector<256x128xi32>
    %eq3A_540 = arith.cmpi eq, %slice3A_539, %max3A_408 : vector<256x128xi32>
    %jit3A_541 = arith.constant -2147483648 : i32
    %broadcast_in_dim3A_542 = vector.broadcast %jit3A_541 : i32 to vector<256x128xi32>
    %select_n3A_543 = arith.select %eq3A_540, %broadcast_in_dim3A_542, %slice3A_539 : vector<256x128xi1>, vector<256x128xi32>
    %slice3A_544 = vector.extract_strided_slice %concatenate3A_393 {offsets = [0, 3456], sizes = [256, 128], strides = [1, 1]} : vector<256x4096xi32> to vector<256x128xi32>
    %eq3A_545 = arith.cmpi eq, %slice3A_544, %max3A_408 : vector<256x128xi32>
    %jit3A_546 = arith.constant -2147483648 : i32
    %broadcast_in_dim3A_547 = vector.broadcast %jit3A_546 : i32 to vector<256x128xi32>
    %select_n3A_548 = arith.select %eq3A_545, %broadcast_in_dim3A_547, %slice3A_544 : vector<256x128xi1>, vector<256x128xi32>
    %slice3A_549 = vector.extract_strided_slice %concatenate3A_393 {offsets = [0, 3584], sizes = [256, 128], strides = [1, 1]} : vector<256x4096xi32> to vector<256x128xi32>
    %eq3A_550 = arith.cmpi eq, %slice3A_549, %max3A_408 : vector<256x128xi32>
    %jit3A_551 = arith.constant -2147483648 : i32
    %broadcast_in_dim3A_552 = vector.broadcast %jit3A_551 : i32 to vector<256x128xi32>
    %select_n3A_553 = arith.select %eq3A_550, %broadcast_in_dim3A_552, %slice3A_549 : vector<256x128xi1>, vector<256x128xi32>
    %slice3A_554 = vector.extract_strided_slice %concatenate3A_393 {offsets = [0, 3712], sizes = [256, 128], strides = [1, 1]} : vector<256x4096xi32> to vector<256x128xi32>
    %eq3A_555 = arith.cmpi eq, %slice3A_554, %max3A_408 : vector<256x128xi32>
    %jit3A_556 = arith.constant -2147483648 : i32
    %broadcast_in_dim3A_557 = vector.broadcast %jit3A_556 : i32 to vector<256x128xi32>
    %select_n3A_558 = arith.select %eq3A_555, %broadcast_in_dim3A_557, %slice3A_554 : vector<256x128xi1>, vector<256x128xi32>
    %slice3A_559 = vector.extract_strided_slice %concatenate3A_393 {offsets = [0, 3840], sizes = [256, 128], strides = [1, 1]} : vector<256x4096xi32> to vector<256x128xi32>
    %eq3A_560 = arith.cmpi eq, %slice3A_559, %max3A_408 : vector<256x128xi32>
    %jit3A_561 = arith.constant -2147483648 : i32
    %broadcast_in_dim3A_562 = vector.broadcast %jit3A_561 : i32 to vector<256x128xi32>
    %select_n3A_563 = arith.select %eq3A_560, %broadcast_in_dim3A_562, %slice3A_559 : vector<256x128xi1>, vector<256x128xi32>
    %slice3A_564 = vector.extract_strided_slice %concatenate3A_393 {offsets = [0, 3968], sizes = [256, 128], strides = [1, 1]} : vector<256x4096xi32> to vector<256x128xi32>
    %eq3A_565 = arith.cmpi eq, %slice3A_564, %max3A_408 : vector<256x128xi32>
    %jit3A_566 = arith.constant -2147483648 : i32
    %broadcast_in_dim3A_567 = vector.broadcast %jit3A_566 : i32 to vector<256x128xi32>
    %select_n3A_568 = arith.select %eq3A_565, %broadcast_in_dim3A_567, %slice3A_564 : vector<256x128xi1>, vector<256x128xi32>
    %concatenate3A_569 = tpu.concatenate %select_n3A_413, %select_n3A_418, %select_n3A_423, %select_n3A_428, %select_n3A_433, %select_n3A_438, %select_n3A_443, %select_n3A_448, %select_n3A_453, %select_n3A_458, %select_n3A_463, %select_n3A_468, %select_n3A_473, %select_n3A_478, %select_n3A_483, %select_n3A_488, %select_n3A_493, %select_n3A_498, %select_n3A_503, %select_n3A_508, %select_n3A_513, %select_n3A_518, %select_n3A_523, %select_n3A_528, %select_n3A_533, %select_n3A_538, %select_n3A_543, %select_n3A_548, %select_n3A_553, %select_n3A_558, %select_n3A_563, %select_n3A_568 in 1 : vector<256x128xi32>, vector<256x128xi32>, vector<256x128xi32>, vector<256x128xi32>, vector<256x128xi32>, vector<256x128xi32>, vector<256x128xi32>, vector<256x128xi32>, vector<256x128xi32>, vector<256x128xi32>, vector<256x128xi32>, vector<256x128xi32>, vector<256x128xi32>, vector<256x128xi32>, vector<256x128xi32>, vector<256x128xi32>, vector<256x128xi32>, vector<256x128xi32>, vector<256x128xi32>, vector<256x128xi32>, vector<256x128xi32>, vector<256x128xi32>, vector<256x128xi32>, vector<256x128xi32>, vector<256x128xi32>, vector<256x128xi32>, vector<256x128xi32>, vector<256x128xi32>, vector<256x128xi32>, vector<256x128xi32>, vector<256x128xi32>, vector<256x128xi32> -> vector<256x4096xi32>
    %slice3A_570 = vector.extract_strided_slice %concatenate3A_569 {offsets = [0, 0], sizes = [256, 2048], strides = [1, 1]} : vector<256x4096xi32> to vector<256x2048xi32>
    %slice3A_571 = vector.extract_strided_slice %concatenate3A_569 {offsets = [0, 2048], sizes = [256, 2048], strides = [1, 1]} : vector<256x4096xi32> to vector<256x2048xi32>
    %max3A_572 = arith.maxsi %slice3A_570, %slice3A_571 : vector<256x2048xi32>
    %slice3A_573 = vector.extract_strided_slice %max3A_572 {offsets = [0, 0], sizes = [256, 1024], strides = [1, 1]} : vector<256x2048xi32> to vector<256x1024xi32>
    %slice3A_574 = vector.extract_strided_slice %max3A_572 {offsets = [0, 1024], sizes = [256, 1024], strides = [1, 1]} : vector<256x2048xi32> to vector<256x1024xi32>
    %max3A_575 = arith.maxsi %slice3A_573, %slice3A_574 : vector<256x1024xi32>
    %slice3A_576 = vector.extract_strided_slice %max3A_575 {offsets = [0, 0], sizes = [256, 512], strides = [1, 1]} : vector<256x1024xi32> to vector<256x512xi32>
    %slice3A_577 = vector.extract_strided_slice %max3A_575 {offsets = [0, 512], sizes = [256, 512], strides = [1, 1]} : vector<256x1024xi32> to vector<256x512xi32>
    %max3A_578 = arith.maxsi %slice3A_576, %slice3A_577 : vector<256x512xi32>
    %slice3A_579 = vector.extract_strided_slice %max3A_578 {offsets = [0, 0], sizes = [256, 256], strides = [1, 1]} : vector<256x512xi32> to vector<256x256xi32>
    %slice3A_580 = vector.extract_strided_slice %max3A_578 {offsets = [0, 256], sizes = [256, 256], strides = [1, 1]} : vector<256x512xi32> to vector<256x256xi32>
    %max3A_581 = arith.maxsi %slice3A_579, %slice3A_580 : vector<256x256xi32>
    %slice3A_582 = vector.extract_strided_slice %max3A_581 {offsets = [0, 0], sizes = [256, 128], strides = [1, 1]} : vector<256x256xi32> to vector<256x128xi32>
    %slice3A_583 = vector.extract_strided_slice %max3A_581 {offsets = [0, 128], sizes = [256, 128], strides = [1, 1]} : vector<256x256xi32> to vector<256x128xi32>
    %max3A_584 = arith.maxsi %slice3A_582, %slice3A_583 : vector<256x128xi32>
    %broadcast_in_dim3A_585 = arith.constant 0 : i32
    %broadcast_in_dim3A_586 = vector.broadcast %broadcast_in_dim3A_585 : i32 to vector<256x128xi32>
    %iota3A_587 = tpu.iota {dimensions = array<i32: 1>} : vector<256x128xi32>
    %add3A_588 = vector.broadcast %mul3A_36 : i32 to vector<256x1xi32>
    %add3A_589 = arith.addi %add3A_588, %add3A_40 : vector<256x1xi32>
    %reduce_max3A = arith.constant dense<-2147483648> : vector<256xi32>
    %reduce_max3A_590 = vector.multi_reduction <maxsi>, %max3A_57, %reduce_max3A [1] : vector<256x128xi32> to vector<256xi32>
    %broadcast_in_dim3A_591 = vector.shape_cast %reduce_max3A_590 : vector<256xi32> to vector<256x1xi32>
    %and3A_592 = arith.constant 4095 : i32
    %and3A_593 = vector.broadcast %and3A_592 : i32 to vector<256x1xi32>
    %and3A_594 = arith.andi %broadcast_in_dim3A_591, %and3A_593 : vector<256x1xi32>
    %sub3A_595 = arith.constant 4095 : i32
    %sub3A_596 = vector.broadcast %sub3A_595 : i32 to vector<256x1xi32>
    %sub3A_597 = arith.subi %sub3A_596, %and3A_594 : vector<256x1xi32>
    %add3A_598 = vector.broadcast %mul3A_36 : i32 to vector<256x1xi32>
    %add3A_599 = arith.addi %add3A_598, %sub3A_597 : vector<256x1xi32>
    %and3A_600 = arith.constant 127 : i32
    %and3A_601 = vector.broadcast %and3A_600 : i32 to vector<256x1xi32>
    %and3A_602 = arith.andi %sub3A_597, %and3A_601 : vector<256x1xi32>
    %eq3A_603 = vector.broadcast %and3A_602 : vector<256x1xi32> to vector<256x128xi32>
    %eq3A_604 = arith.cmpi eq, %iota3A_587, %eq3A_603 : vector<256x128xi32>
    %convert_element_type3A_605 = arith.extui %eq3A_604 : vector<256x128xi1> to vector<256x128xi32>
    %add3A_606 = arith.addi %broadcast_in_dim3A_586, %convert_element_type3A_605 : vector<256x128xi32>
    %eq3A_607 = arith.constant 1 : i32
    %eq3A_608 = vector.broadcast %eq3A_607 : i32 to vector<256x128xi32>
    %eq3A_609 = arith.cmpi eq, %add3A_606, %eq3A_608 : vector<256x128xi32>
    %eq3A_610 = arith.constant 2 : i32
    %eq3A_611 = vector.broadcast %eq3A_610 : i32 to vector<256x128xi32>
    %eq3A_612 = arith.cmpi eq, %add3A_606, %eq3A_611 : vector<256x128xi32>
    %eq3A_613 = arith.constant 3 : i32
    %eq3A_614 = vector.broadcast %eq3A_613 : i32 to vector<256x128xi32>
    %eq3A_615 = arith.cmpi eq, %add3A_606, %eq3A_614 : vector<256x128xi32>
    %jit3A_616 = arith.constant -2147483648 : i32
    %broadcast_in_dim3A_617 = vector.broadcast %jit3A_616 : i32 to vector<256x128xi32>
    %select_n3A_618 = arith.select %eq3A_615, %max3A_584, %broadcast_in_dim3A_617 : vector<256x128xi1>, vector<256x128xi32>
    %select_n3A_619 = arith.select %eq3A_612, %max3A_408, %select_n3A_618 : vector<256x128xi1>, vector<256x128xi32>
    %select_n3A_620 = arith.select %eq3A_609, %max3A_232, %select_n3A_619 : vector<256x128xi1>, vector<256x128xi32>
    %select_n3A_621 = arith.select %eq3A_604, %select_n3A_620, %max3A_57 : vector<256x128xi1>, vector<256x128xi32>
    %reduce_max3A_622 = arith.constant dense<-2147483648> : vector<256xi32>
    %reduce_max3A_623 = vector.multi_reduction <maxsi>, %select_n3A_621, %reduce_max3A_622 [1] : vector<256x128xi32> to vector<256xi32>
    %broadcast_in_dim3A_624 = vector.shape_cast %reduce_max3A_623 : vector<256xi32> to vector<256x1xi32>
    %and3A_625 = arith.constant 4095 : i32
    %and3A_626 = vector.broadcast %and3A_625 : i32 to vector<256x1xi32>
    %and3A_627 = arith.andi %broadcast_in_dim3A_624, %and3A_626 : vector<256x1xi32>
    %sub3A_628 = arith.constant 4095 : i32
    %sub3A_629 = vector.broadcast %sub3A_628 : i32 to vector<256x1xi32>
    %sub3A_630 = arith.subi %sub3A_629, %and3A_627 : vector<256x1xi32>
    %add3A_631 = vector.broadcast %mul3A_36 : i32 to vector<256x1xi32>
    %add3A_632 = arith.addi %add3A_631, %sub3A_630 : vector<256x1xi32>
    %and3A_633 = arith.constant 127 : i32
    %and3A_634 = vector.broadcast %and3A_633 : i32 to vector<256x1xi32>
    %and3A_635 = arith.andi %sub3A_630, %and3A_634 : vector<256x1xi32>
    %eq3A_636 = vector.broadcast %and3A_635 : vector<256x1xi32> to vector<256x128xi32>
    %eq3A_637 = arith.cmpi eq, %iota3A_587, %eq3A_636 : vector<256x128xi32>
    %convert_element_type3A_638 = arith.extui %eq3A_637 : vector<256x128xi1> to vector<256x128xi32>
    %add3A_639 = arith.addi %add3A_606, %convert_element_type3A_638 : vector<256x128xi32>
    %eq3A_640 = arith.constant 1 : i32
    %eq3A_641 = vector.broadcast %eq3A_640 : i32 to vector<256x128xi32>
    %eq3A_642 = arith.cmpi eq, %add3A_639, %eq3A_641 : vector<256x128xi32>
    %eq3A_643 = arith.constant 2 : i32
    %eq3A_644 = vector.broadcast %eq3A_643 : i32 to vector<256x128xi32>
    %eq3A_645 = arith.cmpi eq, %add3A_639, %eq3A_644 : vector<256x128xi32>
    %eq3A_646 = arith.constant 3 : i32
    %eq3A_647 = vector.broadcast %eq3A_646 : i32 to vector<256x128xi32>
    %eq3A_648 = arith.cmpi eq, %add3A_639, %eq3A_647 : vector<256x128xi32>
    %jit3A_649 = arith.constant -2147483648 : i32
    %broadcast_in_dim3A_650 = vector.broadcast %jit3A_649 : i32 to vector<256x128xi32>
    %select_n3A_651 = arith.select %eq3A_648, %max3A_584, %broadcast_in_dim3A_650 : vector<256x128xi1>, vector<256x128xi32>
    %select_n3A_652 = arith.select %eq3A_645, %max3A_408, %select_n3A_651 : vector<256x128xi1>, vector<256x128xi32>
    %select_n3A_653 = arith.select %eq3A_642, %max3A_232, %select_n3A_652 : vector<256x128xi1>, vector<256x128xi32>
    %select_n3A_654 = arith.select %eq3A_637, %select_n3A_653, %select_n3A_621 : vector<256x128xi1>, vector<256x128xi32>
    %reduce_max3A_655 = arith.constant dense<-2147483648> : vector<256xi32>
    %reduce_max3A_656 = vector.multi_reduction <maxsi>, %select_n3A_654, %reduce_max3A_655 [1] : vector<256x128xi32> to vector<256xi32>
    %broadcast_in_dim3A_657 = vector.shape_cast %reduce_max3A_656 : vector<256xi32> to vector<256x1xi32>
    %and3A_658 = arith.constant 4095 : i32
    %and3A_659 = vector.broadcast %and3A_658 : i32 to vector<256x1xi32>
    %and3A_660 = arith.andi %broadcast_in_dim3A_657, %and3A_659 : vector<256x1xi32>
    %sub3A_661 = arith.constant 4095 : i32
    %sub3A_662 = vector.broadcast %sub3A_661 : i32 to vector<256x1xi32>
    %sub3A_663 = arith.subi %sub3A_662, %and3A_660 : vector<256x1xi32>
    %add3A_664 = vector.broadcast %mul3A_36 : i32 to vector<256x1xi32>
    %add3A_665 = arith.addi %add3A_664, %sub3A_663 : vector<256x1xi32>
    %and3A_666 = arith.constant 127 : i32
    %and3A_667 = vector.broadcast %and3A_666 : i32 to vector<256x1xi32>
    %and3A_668 = arith.andi %sub3A_663, %and3A_667 : vector<256x1xi32>
    %eq3A_669 = vector.broadcast %and3A_668 : vector<256x1xi32> to vector<256x128xi32>
    %eq3A_670 = arith.cmpi eq, %iota3A_587, %eq3A_669 : vector<256x128xi32>
    %convert_element_type3A_671 = arith.extui %eq3A_670 : vector<256x128xi1> to vector<256x128xi32>
    %add3A_672 = arith.addi %add3A_639, %convert_element_type3A_671 : vector<256x128xi32>
    %eq3A_673 = arith.constant 1 : i32
    %eq3A_674 = vector.broadcast %eq3A_673 : i32 to vector<256x128xi32>
    %eq3A_675 = arith.cmpi eq, %add3A_672, %eq3A_674 : vector<256x128xi32>
    %eq3A_676 = arith.constant 2 : i32
    %eq3A_677 = vector.broadcast %eq3A_676 : i32 to vector<256x128xi32>
    %eq3A_678 = arith.cmpi eq, %add3A_672, %eq3A_677 : vector<256x128xi32>
    %eq3A_679 = arith.constant 3 : i32
    %eq3A_680 = vector.broadcast %eq3A_679 : i32 to vector<256x128xi32>
    %eq3A_681 = arith.cmpi eq, %add3A_672, %eq3A_680 : vector<256x128xi32>
    %jit3A_682 = arith.constant -2147483648 : i32
    %broadcast_in_dim3A_683 = vector.broadcast %jit3A_682 : i32 to vector<256x128xi32>
    %select_n3A_684 = arith.select %eq3A_681, %max3A_584, %broadcast_in_dim3A_683 : vector<256x128xi1>, vector<256x128xi32>
    %select_n3A_685 = arith.select %eq3A_678, %max3A_408, %select_n3A_684 : vector<256x128xi1>, vector<256x128xi32>
    %select_n3A_686 = arith.select %eq3A_675, %max3A_232, %select_n3A_685 : vector<256x128xi1>, vector<256x128xi32>
    %select_n3A_687 = arith.select %eq3A_670, %select_n3A_686, %select_n3A_654 : vector<256x128xi1>, vector<256x128xi32>
    %reduce_max3A_688 = arith.constant dense<-2147483648> : vector<256xi32>
    %reduce_max3A_689 = vector.multi_reduction <maxsi>, %select_n3A_687, %reduce_max3A_688 [1] : vector<256x128xi32> to vector<256xi32>
    %broadcast_in_dim3A_690 = vector.shape_cast %reduce_max3A_689 : vector<256xi32> to vector<256x1xi32>
    %and3A_691 = arith.constant 4095 : i32
    %and3A_692 = vector.broadcast %and3A_691 : i32 to vector<256x1xi32>
    %and3A_693 = arith.andi %broadcast_in_dim3A_690, %and3A_692 : vector<256x1xi32>
    %sub3A_694 = arith.constant 4095 : i32
    %sub3A_695 = vector.broadcast %sub3A_694 : i32 to vector<256x1xi32>
    %sub3A_696 = arith.subi %sub3A_695, %and3A_693 : vector<256x1xi32>
    %add3A_697 = vector.broadcast %mul3A_36 : i32 to vector<256x1xi32>
    %add3A_698 = arith.addi %add3A_697, %sub3A_696 : vector<256x1xi32>
    %and3A_699 = arith.constant 127 : i32
    %and3A_700 = vector.broadcast %and3A_699 : i32 to vector<256x1xi32>
    %and3A_701 = arith.andi %sub3A_696, %and3A_700 : vector<256x1xi32>
    %eq3A_702 = vector.broadcast %and3A_701 : vector<256x1xi32> to vector<256x128xi32>
    %eq3A_703 = arith.cmpi eq, %iota3A_587, %eq3A_702 : vector<256x128xi32>
    %convert_element_type3A_704 = arith.extui %eq3A_703 : vector<256x128xi1> to vector<256x128xi32>
    %add3A_705 = arith.addi %add3A_672, %convert_element_type3A_704 : vector<256x128xi32>
    %eq3A_706 = arith.constant 1 : i32
    %eq3A_707 = vector.broadcast %eq3A_706 : i32 to vector<256x128xi32>
    %eq3A_708 = arith.cmpi eq, %add3A_705, %eq3A_707 : vector<256x128xi32>
    %eq3A_709 = arith.constant 2 : i32
    %eq3A_710 = vector.broadcast %eq3A_709 : i32 to vector<256x128xi32>
    %eq3A_711 = arith.cmpi eq, %add3A_705, %eq3A_710 : vector<256x128xi32>
    %eq3A_712 = arith.constant 3 : i32
    %eq3A_713 = vector.broadcast %eq3A_712 : i32 to vector<256x128xi32>
    %eq3A_714 = arith.cmpi eq, %add3A_705, %eq3A_713 : vector<256x128xi32>
    %jit3A_715 = arith.constant -2147483648 : i32
    %broadcast_in_dim3A_716 = vector.broadcast %jit3A_715 : i32 to vector<256x128xi32>
    %select_n3A_717 = arith.select %eq3A_714, %max3A_584, %broadcast_in_dim3A_716 : vector<256x128xi1>, vector<256x128xi32>
    %select_n3A_718 = arith.select %eq3A_711, %max3A_408, %select_n3A_717 : vector<256x128xi1>, vector<256x128xi32>
    %select_n3A_719 = arith.select %eq3A_708, %max3A_232, %select_n3A_718 : vector<256x128xi1>, vector<256x128xi32>
    %select_n3A_720 = arith.select %eq3A_703, %select_n3A_719, %select_n3A_687 : vector<256x128xi1>, vector<256x128xi32>
    %reduce_max3A_721 = arith.constant dense<-2147483648> : vector<256xi32>
    %reduce_max3A_722 = vector.multi_reduction <maxsi>, %select_n3A_720, %reduce_max3A_721 [1] : vector<256x128xi32> to vector<256xi32>
    %broadcast_in_dim3A_723 = vector.shape_cast %reduce_max3A_722 : vector<256xi32> to vector<256x1xi32>
    %and3A_724 = arith.constant 4095 : i32
    %and3A_725 = vector.broadcast %and3A_724 : i32 to vector<256x1xi32>
    %and3A_726 = arith.andi %broadcast_in_dim3A_723, %and3A_725 : vector<256x1xi32>
    %sub3A_727 = arith.constant 4095 : i32
    %sub3A_728 = vector.broadcast %sub3A_727 : i32 to vector<256x1xi32>
    %sub3A_729 = arith.subi %sub3A_728, %and3A_726 : vector<256x1xi32>
    %add3A_730 = vector.broadcast %mul3A_36 : i32 to vector<256x1xi32>
    %add3A_731 = arith.addi %add3A_730, %sub3A_729 : vector<256x1xi32>
    %and3A_732 = arith.constant 127 : i32
    %and3A_733 = vector.broadcast %and3A_732 : i32 to vector<256x1xi32>
    %and3A_734 = arith.andi %sub3A_729, %and3A_733 : vector<256x1xi32>
    %eq3A_735 = vector.broadcast %and3A_734 : vector<256x1xi32> to vector<256x128xi32>
    %eq3A_736 = arith.cmpi eq, %iota3A_587, %eq3A_735 : vector<256x128xi32>
    %convert_element_type3A_737 = arith.extui %eq3A_736 : vector<256x128xi1> to vector<256x128xi32>
    %add3A_738 = arith.addi %add3A_705, %convert_element_type3A_737 : vector<256x128xi32>
    %eq3A_739 = arith.constant 1 : i32
    %eq3A_740 = vector.broadcast %eq3A_739 : i32 to vector<256x128xi32>
    %eq3A_741 = arith.cmpi eq, %add3A_738, %eq3A_740 : vector<256x128xi32>
    %eq3A_742 = arith.constant 2 : i32
    %eq3A_743 = vector.broadcast %eq3A_742 : i32 to vector<256x128xi32>
    %eq3A_744 = arith.cmpi eq, %add3A_738, %eq3A_743 : vector<256x128xi32>
    %eq3A_745 = arith.constant 3 : i32
    %eq3A_746 = vector.broadcast %eq3A_745 : i32 to vector<256x128xi32>
    %eq3A_747 = arith.cmpi eq, %add3A_738, %eq3A_746 : vector<256x128xi32>
    %jit3A_748 = arith.constant -2147483648 : i32
    %broadcast_in_dim3A_749 = vector.broadcast %jit3A_748 : i32 to vector<256x128xi32>
    %select_n3A_750 = arith.select %eq3A_747, %max3A_584, %broadcast_in_dim3A_749 : vector<256x128xi1>, vector<256x128xi32>
    %select_n3A_751 = arith.select %eq3A_744, %max3A_408, %select_n3A_750 : vector<256x128xi1>, vector<256x128xi32>
    %select_n3A_752 = arith.select %eq3A_741, %max3A_232, %select_n3A_751 : vector<256x128xi1>, vector<256x128xi32>
    %select_n3A_753 = arith.select %eq3A_736, %select_n3A_752, %select_n3A_720 : vector<256x128xi1>, vector<256x128xi32>
    %reduce_max3A_754 = arith.constant dense<-2147483648> : vector<256xi32>
    %reduce_max3A_755 = vector.multi_reduction <maxsi>, %select_n3A_753, %reduce_max3A_754 [1] : vector<256x128xi32> to vector<256xi32>
    %broadcast_in_dim3A_756 = vector.shape_cast %reduce_max3A_755 : vector<256xi32> to vector<256x1xi32>
    %and3A_757 = arith.constant 4095 : i32
    %and3A_758 = vector.broadcast %and3A_757 : i32 to vector<256x1xi32>
    %and3A_759 = arith.andi %broadcast_in_dim3A_756, %and3A_758 : vector<256x1xi32>
    %sub3A_760 = arith.constant 4095 : i32
    %sub3A_761 = vector.broadcast %sub3A_760 : i32 to vector<256x1xi32>
    %sub3A_762 = arith.subi %sub3A_761, %and3A_759 : vector<256x1xi32>
    %add3A_763 = vector.broadcast %mul3A_36 : i32 to vector<256x1xi32>
    %add3A_764 = arith.addi %add3A_763, %sub3A_762 : vector<256x1xi32>
    %and3A_765 = arith.constant 127 : i32
    %and3A_766 = vector.broadcast %and3A_765 : i32 to vector<256x1xi32>
    %and3A_767 = arith.andi %sub3A_762, %and3A_766 : vector<256x1xi32>
    %eq3A_768 = vector.broadcast %and3A_767 : vector<256x1xi32> to vector<256x128xi32>
    %eq3A_769 = arith.cmpi eq, %iota3A_587, %eq3A_768 : vector<256x128xi32>
    %convert_element_type3A_770 = arith.extui %eq3A_769 : vector<256x128xi1> to vector<256x128xi32>
    %add3A_771 = arith.addi %add3A_738, %convert_element_type3A_770 : vector<256x128xi32>
    %eq3A_772 = arith.constant 1 : i32
    %eq3A_773 = vector.broadcast %eq3A_772 : i32 to vector<256x128xi32>
    %eq3A_774 = arith.cmpi eq, %add3A_771, %eq3A_773 : vector<256x128xi32>
    %eq3A_775 = arith.constant 2 : i32
    %eq3A_776 = vector.broadcast %eq3A_775 : i32 to vector<256x128xi32>
    %eq3A_777 = arith.cmpi eq, %add3A_771, %eq3A_776 : vector<256x128xi32>
    %eq3A_778 = arith.constant 3 : i32
    %eq3A_779 = vector.broadcast %eq3A_778 : i32 to vector<256x128xi32>
    %eq3A_780 = arith.cmpi eq, %add3A_771, %eq3A_779 : vector<256x128xi32>
    %jit3A_781 = arith.constant -2147483648 : i32
    %broadcast_in_dim3A_782 = vector.broadcast %jit3A_781 : i32 to vector<256x128xi32>
    %select_n3A_783 = arith.select %eq3A_780, %max3A_584, %broadcast_in_dim3A_782 : vector<256x128xi1>, vector<256x128xi32>
    %select_n3A_784 = arith.select %eq3A_777, %max3A_408, %select_n3A_783 : vector<256x128xi1>, vector<256x128xi32>
    %select_n3A_785 = arith.select %eq3A_774, %max3A_232, %select_n3A_784 : vector<256x128xi1>, vector<256x128xi32>
    %select_n3A_786 = arith.select %eq3A_769, %select_n3A_785, %select_n3A_753 : vector<256x128xi1>, vector<256x128xi32>
    %reduce_max3A_787 = arith.constant dense<-2147483648> : vector<256xi32>
    %reduce_max3A_788 = vector.multi_reduction <maxsi>, %select_n3A_786, %reduce_max3A_787 [1] : vector<256x128xi32> to vector<256xi32>
    %broadcast_in_dim3A_789 = vector.shape_cast %reduce_max3A_788 : vector<256xi32> to vector<256x1xi32>
    %and3A_790 = arith.constant 4095 : i32
    %and3A_791 = vector.broadcast %and3A_790 : i32 to vector<256x1xi32>
    %and3A_792 = arith.andi %broadcast_in_dim3A_789, %and3A_791 : vector<256x1xi32>
    %sub3A_793 = arith.constant 4095 : i32
    %sub3A_794 = vector.broadcast %sub3A_793 : i32 to vector<256x1xi32>
    %sub3A_795 = arith.subi %sub3A_794, %and3A_792 : vector<256x1xi32>
    %add3A_796 = vector.broadcast %mul3A_36 : i32 to vector<256x1xi32>
    %add3A_797 = arith.addi %add3A_796, %sub3A_795 : vector<256x1xi32>
    %and3A_798 = arith.constant 127 : i32
    %and3A_799 = vector.broadcast %and3A_798 : i32 to vector<256x1xi32>
    %and3A_800 = arith.andi %sub3A_795, %and3A_799 : vector<256x1xi32>
    %eq3A_801 = vector.broadcast %and3A_800 : vector<256x1xi32> to vector<256x128xi32>
    %eq3A_802 = arith.cmpi eq, %iota3A_587, %eq3A_801 : vector<256x128xi32>
    %convert_element_type3A_803 = arith.extui %eq3A_802 : vector<256x128xi1> to vector<256x128xi32>
    %add3A_804 = arith.addi %add3A_771, %convert_element_type3A_803 : vector<256x128xi32>
    %eq3A_805 = arith.constant 1 : i32
    %eq3A_806 = vector.broadcast %eq3A_805 : i32 to vector<256x128xi32>
    %eq3A_807 = arith.cmpi eq, %add3A_804, %eq3A_806 : vector<256x128xi32>
    %eq3A_808 = arith.constant 2 : i32
    %eq3A_809 = vector.broadcast %eq3A_808 : i32 to vector<256x128xi32>
    %eq3A_810 = arith.cmpi eq, %add3A_804, %eq3A_809 : vector<256x128xi32>
    %eq3A_811 = arith.constant 3 : i32
    %eq3A_812 = vector.broadcast %eq3A_811 : i32 to vector<256x128xi32>
    %eq3A_813 = arith.cmpi eq, %add3A_804, %eq3A_812 : vector<256x128xi32>
    %jit3A_814 = arith.constant -2147483648 : i32
    %broadcast_in_dim3A_815 = vector.broadcast %jit3A_814 : i32 to vector<256x128xi32>
    %select_n3A_816 = arith.select %eq3A_813, %max3A_584, %broadcast_in_dim3A_815 : vector<256x128xi1>, vector<256x128xi32>
    %select_n3A_817 = arith.select %eq3A_810, %max3A_408, %select_n3A_816 : vector<256x128xi1>, vector<256x128xi32>
    %select_n3A_818 = arith.select %eq3A_807, %max3A_232, %select_n3A_817 : vector<256x128xi1>, vector<256x128xi32>
    %select_n3A_819 = arith.select %eq3A_802, %select_n3A_818, %select_n3A_786 : vector<256x128xi1>, vector<256x128xi32>
    %reduce_max3A_820 = arith.constant dense<-2147483648> : vector<256xi32>
    %reduce_max3A_821 = vector.multi_reduction <maxsi>, %select_n3A_819, %reduce_max3A_820 [1] : vector<256x128xi32> to vector<256xi32>
    %broadcast_in_dim3A_822 = vector.shape_cast %reduce_max3A_821 : vector<256xi32> to vector<256x1xi32>
    %and3A_823 = arith.constant 4095 : i32
    %and3A_824 = vector.broadcast %and3A_823 : i32 to vector<256x1xi32>
    %and3A_825 = arith.andi %broadcast_in_dim3A_822, %and3A_824 : vector<256x1xi32>
    %sub3A_826 = arith.constant 4095 : i32
    %sub3A_827 = vector.broadcast %sub3A_826 : i32 to vector<256x1xi32>
    %sub3A_828 = arith.subi %sub3A_827, %and3A_825 : vector<256x1xi32>
    %add3A_829 = vector.broadcast %mul3A_36 : i32 to vector<256x1xi32>
    %add3A_830 = arith.addi %add3A_829, %sub3A_828 : vector<256x1xi32>
    %and3A_831 = arith.constant 127 : i32
    %and3A_832 = vector.broadcast %and3A_831 : i32 to vector<256x1xi32>
    %and3A_833 = arith.andi %sub3A_828, %and3A_832 : vector<256x1xi32>
    %eq3A_834 = vector.broadcast %and3A_833 : vector<256x1xi32> to vector<256x128xi32>
    %eq3A_835 = arith.cmpi eq, %iota3A_587, %eq3A_834 : vector<256x128xi32>
    %convert_element_type3A_836 = arith.extui %eq3A_835 : vector<256x128xi1> to vector<256x128xi32>
    %add3A_837 = arith.addi %add3A_804, %convert_element_type3A_836 : vector<256x128xi32>
    %eq3A_838 = arith.constant 1 : i32
    %eq3A_839 = vector.broadcast %eq3A_838 : i32 to vector<256x128xi32>
    %eq3A_840 = arith.cmpi eq, %add3A_837, %eq3A_839 : vector<256x128xi32>
    %eq3A_841 = arith.constant 2 : i32
    %eq3A_842 = vector.broadcast %eq3A_841 : i32 to vector<256x128xi32>
    %eq3A_843 = arith.cmpi eq, %add3A_837, %eq3A_842 : vector<256x128xi32>
    %eq3A_844 = arith.constant 3 : i32
    %eq3A_845 = vector.broadcast %eq3A_844 : i32 to vector<256x128xi32>
    %eq3A_846 = arith.cmpi eq, %add3A_837, %eq3A_845 : vector<256x128xi32>
    %jit3A_847 = arith.constant -2147483648 : i32
    %broadcast_in_dim3A_848 = vector.broadcast %jit3A_847 : i32 to vector<256x128xi32>
    %select_n3A_849 = arith.select %eq3A_846, %max3A_584, %broadcast_in_dim3A_848 : vector<256x128xi1>, vector<256x128xi32>
    %select_n3A_850 = arith.select %eq3A_843, %max3A_408, %select_n3A_849 : vector<256x128xi1>, vector<256x128xi32>
    %select_n3A_851 = arith.select %eq3A_840, %max3A_232, %select_n3A_850 : vector<256x128xi1>, vector<256x128xi32>
    %select_n3A_852 = arith.select %eq3A_835, %select_n3A_851, %select_n3A_819 : vector<256x128xi1>, vector<256x128xi32>
    %reduce_max3A_853 = arith.constant dense<-2147483648> : vector<256xi32>
    %reduce_max3A_854 = vector.multi_reduction <maxsi>, %select_n3A_852, %reduce_max3A_853 [1] : vector<256x128xi32> to vector<256xi32>
    %broadcast_in_dim3A_855 = vector.shape_cast %reduce_max3A_854 : vector<256xi32> to vector<256x1xi32>
    %and3A_856 = arith.constant 4095 : i32
    %and3A_857 = vector.broadcast %and3A_856 : i32 to vector<256x1xi32>
    %and3A_858 = arith.andi %broadcast_in_dim3A_855, %and3A_857 : vector<256x1xi32>
    %sub3A_859 = arith.constant 4095 : i32
    %sub3A_860 = vector.broadcast %sub3A_859 : i32 to vector<256x1xi32>
    %sub3A_861 = arith.subi %sub3A_860, %and3A_858 : vector<256x1xi32>
    %add3A_862 = vector.broadcast %mul3A_36 : i32 to vector<256x1xi32>
    %add3A_863 = arith.addi %add3A_862, %sub3A_861 : vector<256x1xi32>
    %and3A_864 = arith.constant 127 : i32
    %and3A_865 = vector.broadcast %and3A_864 : i32 to vector<256x1xi32>
    %and3A_866 = arith.andi %sub3A_861, %and3A_865 : vector<256x1xi32>
    %eq3A_867 = vector.broadcast %and3A_866 : vector<256x1xi32> to vector<256x128xi32>
    %eq3A_868 = arith.cmpi eq, %iota3A_587, %eq3A_867 : vector<256x128xi32>
    %convert_element_type3A_869 = arith.extui %eq3A_868 : vector<256x128xi1> to vector<256x128xi32>
    %add3A_870 = arith.addi %add3A_837, %convert_element_type3A_869 : vector<256x128xi32>
    %eq3A_871 = arith.constant 1 : i32
    %eq3A_872 = vector.broadcast %eq3A_871 : i32 to vector<256x128xi32>
    %eq3A_873 = arith.cmpi eq, %add3A_870, %eq3A_872 : vector<256x128xi32>
    %eq3A_874 = arith.constant 2 : i32
    %eq3A_875 = vector.broadcast %eq3A_874 : i32 to vector<256x128xi32>
    %eq3A_876 = arith.cmpi eq, %add3A_870, %eq3A_875 : vector<256x128xi32>
    %eq3A_877 = arith.constant 3 : i32
    %eq3A_878 = vector.broadcast %eq3A_877 : i32 to vector<256x128xi32>
    %eq3A_879 = arith.cmpi eq, %add3A_870, %eq3A_878 : vector<256x128xi32>
    %jit3A_880 = arith.constant -2147483648 : i32
    %broadcast_in_dim3A_881 = vector.broadcast %jit3A_880 : i32 to vector<256x128xi32>
    %select_n3A_882 = arith.select %eq3A_879, %max3A_584, %broadcast_in_dim3A_881 : vector<256x128xi1>, vector<256x128xi32>
    %select_n3A_883 = arith.select %eq3A_876, %max3A_408, %select_n3A_882 : vector<256x128xi1>, vector<256x128xi32>
    %select_n3A_884 = arith.select %eq3A_873, %max3A_232, %select_n3A_883 : vector<256x128xi1>, vector<256x128xi32>
    %select_n3A_885 = arith.select %eq3A_868, %select_n3A_884, %select_n3A_852 : vector<256x128xi1>, vector<256x128xi32>
    %reduce_max3A_886 = arith.constant dense<-2147483648> : vector<256xi32>
    %reduce_max3A_887 = vector.multi_reduction <maxsi>, %select_n3A_885, %reduce_max3A_886 [1] : vector<256x128xi32> to vector<256xi32>
    %broadcast_in_dim3A_888 = vector.shape_cast %reduce_max3A_887 : vector<256xi32> to vector<256x1xi32>
    %and3A_889 = arith.constant 4095 : i32
    %and3A_890 = vector.broadcast %and3A_889 : i32 to vector<256x1xi32>
    %and3A_891 = arith.andi %broadcast_in_dim3A_888, %and3A_890 : vector<256x1xi32>
    %sub3A_892 = arith.constant 4095 : i32
    %sub3A_893 = vector.broadcast %sub3A_892 : i32 to vector<256x1xi32>
    %sub3A_894 = arith.subi %sub3A_893, %and3A_891 : vector<256x1xi32>
    %add3A_895 = vector.broadcast %mul3A_36 : i32 to vector<256x1xi32>
    %add3A_896 = arith.addi %add3A_895, %sub3A_894 : vector<256x1xi32>
    %and3A_897 = arith.constant 127 : i32
    %and3A_898 = vector.broadcast %and3A_897 : i32 to vector<256x1xi32>
    %and3A_899 = arith.andi %sub3A_894, %and3A_898 : vector<256x1xi32>
    %eq3A_900 = vector.broadcast %and3A_899 : vector<256x1xi32> to vector<256x128xi32>
    %eq3A_901 = arith.cmpi eq, %iota3A_587, %eq3A_900 : vector<256x128xi32>
    %convert_element_type3A_902 = arith.extui %eq3A_901 : vector<256x128xi1> to vector<256x128xi32>
    %add3A_903 = arith.addi %add3A_870, %convert_element_type3A_902 : vector<256x128xi32>
    %eq3A_904 = arith.constant 1 : i32
    %eq3A_905 = vector.broadcast %eq3A_904 : i32 to vector<256x128xi32>
    %eq3A_906 = arith.cmpi eq, %add3A_903, %eq3A_905 : vector<256x128xi32>
    %eq3A_907 = arith.constant 2 : i32
    %eq3A_908 = vector.broadcast %eq3A_907 : i32 to vector<256x128xi32>
    %eq3A_909 = arith.cmpi eq, %add3A_903, %eq3A_908 : vector<256x128xi32>
    %eq3A_910 = arith.constant 3 : i32
    %eq3A_911 = vector.broadcast %eq3A_910 : i32 to vector<256x128xi32>
    %eq3A_912 = arith.cmpi eq, %add3A_903, %eq3A_911 : vector<256x128xi32>
    %jit3A_913 = arith.constant -2147483648 : i32
    %broadcast_in_dim3A_914 = vector.broadcast %jit3A_913 : i32 to vector<256x128xi32>
    %select_n3A_915 = arith.select %eq3A_912, %max3A_584, %broadcast_in_dim3A_914 : vector<256x128xi1>, vector<256x128xi32>
    %select_n3A_916 = arith.select %eq3A_909, %max3A_408, %select_n3A_915 : vector<256x128xi1>, vector<256x128xi32>
    %select_n3A_917 = arith.select %eq3A_906, %max3A_232, %select_n3A_916 : vector<256x128xi1>, vector<256x128xi32>
    %select_n3A_918 = arith.select %eq3A_901, %select_n3A_917, %select_n3A_885 : vector<256x128xi1>, vector<256x128xi32>
    %reduce_max3A_919 = arith.constant dense<-2147483648> : vector<256xi32>
    %reduce_max3A_920 = vector.multi_reduction <maxsi>, %select_n3A_918, %reduce_max3A_919 [1] : vector<256x128xi32> to vector<256xi32>
    %broadcast_in_dim3A_921 = vector.shape_cast %reduce_max3A_920 : vector<256xi32> to vector<256x1xi32>
    %and3A_922 = arith.constant 4095 : i32
    %and3A_923 = vector.broadcast %and3A_922 : i32 to vector<256x1xi32>
    %and3A_924 = arith.andi %broadcast_in_dim3A_921, %and3A_923 : vector<256x1xi32>
    %sub3A_925 = arith.constant 4095 : i32
    %sub3A_926 = vector.broadcast %sub3A_925 : i32 to vector<256x1xi32>
    %sub3A_927 = arith.subi %sub3A_926, %and3A_924 : vector<256x1xi32>
    %add3A_928 = vector.broadcast %mul3A_36 : i32 to vector<256x1xi32>
    %add3A_929 = arith.addi %add3A_928, %sub3A_927 : vector<256x1xi32>
    %and3A_930 = arith.constant 127 : i32
    %and3A_931 = vector.broadcast %and3A_930 : i32 to vector<256x1xi32>
    %and3A_932 = arith.andi %sub3A_927, %and3A_931 : vector<256x1xi32>
    %eq3A_933 = vector.broadcast %and3A_932 : vector<256x1xi32> to vector<256x128xi32>
    %eq3A_934 = arith.cmpi eq, %iota3A_587, %eq3A_933 : vector<256x128xi32>
    %convert_element_type3A_935 = arith.extui %eq3A_934 : vector<256x128xi1> to vector<256x128xi32>
    %add3A_936 = arith.addi %add3A_903, %convert_element_type3A_935 : vector<256x128xi32>
    %eq3A_937 = arith.constant 1 : i32
    %eq3A_938 = vector.broadcast %eq3A_937 : i32 to vector<256x128xi32>
    %eq3A_939 = arith.cmpi eq, %add3A_936, %eq3A_938 : vector<256x128xi32>
    %eq3A_940 = arith.constant 2 : i32
    %eq3A_941 = vector.broadcast %eq3A_940 : i32 to vector<256x128xi32>
    %eq3A_942 = arith.cmpi eq, %add3A_936, %eq3A_941 : vector<256x128xi32>
    %eq3A_943 = arith.constant 3 : i32
    %eq3A_944 = vector.broadcast %eq3A_943 : i32 to vector<256x128xi32>
    %eq3A_945 = arith.cmpi eq, %add3A_936, %eq3A_944 : vector<256x128xi32>
    %jit3A_946 = arith.constant -2147483648 : i32
    %broadcast_in_dim3A_947 = vector.broadcast %jit3A_946 : i32 to vector<256x128xi32>
    %select_n3A_948 = arith.select %eq3A_945, %max3A_584, %broadcast_in_dim3A_947 : vector<256x128xi1>, vector<256x128xi32>
    %select_n3A_949 = arith.select %eq3A_942, %max3A_408, %select_n3A_948 : vector<256x128xi1>, vector<256x128xi32>
    %select_n3A_950 = arith.select %eq3A_939, %max3A_232, %select_n3A_949 : vector<256x128xi1>, vector<256x128xi32>
    %select_n3A_951 = arith.select %eq3A_934, %select_n3A_950, %select_n3A_918 : vector<256x128xi1>, vector<256x128xi32>
    %reduce_max3A_952 = arith.constant dense<-2147483648> : vector<256xi32>
    %reduce_max3A_953 = vector.multi_reduction <maxsi>, %select_n3A_951, %reduce_max3A_952 [1] : vector<256x128xi32> to vector<256xi32>
    %broadcast_in_dim3A_954 = vector.shape_cast %reduce_max3A_953 : vector<256xi32> to vector<256x1xi32>
    %and3A_955 = arith.constant 4095 : i32
    %and3A_956 = vector.broadcast %and3A_955 : i32 to vector<256x1xi32>
    %and3A_957 = arith.andi %broadcast_in_dim3A_954, %and3A_956 : vector<256x1xi32>
    %sub3A_958 = arith.constant 4095 : i32
    %sub3A_959 = vector.broadcast %sub3A_958 : i32 to vector<256x1xi32>
    %sub3A_960 = arith.subi %sub3A_959, %and3A_957 : vector<256x1xi32>
    %add3A_961 = vector.broadcast %mul3A_36 : i32 to vector<256x1xi32>
    %add3A_962 = arith.addi %add3A_961, %sub3A_960 : vector<256x1xi32>
    %and3A_963 = arith.constant 127 : i32
    %and3A_964 = vector.broadcast %and3A_963 : i32 to vector<256x1xi32>
    %and3A_965 = arith.andi %sub3A_960, %and3A_964 : vector<256x1xi32>
    %eq3A_966 = vector.broadcast %and3A_965 : vector<256x1xi32> to vector<256x128xi32>
    %eq3A_967 = arith.cmpi eq, %iota3A_587, %eq3A_966 : vector<256x128xi32>
    %convert_element_type3A_968 = arith.extui %eq3A_967 : vector<256x128xi1> to vector<256x128xi32>
    %add3A_969 = arith.addi %add3A_936, %convert_element_type3A_968 : vector<256x128xi32>
    %eq3A_970 = arith.constant 1 : i32
    %eq3A_971 = vector.broadcast %eq3A_970 : i32 to vector<256x128xi32>
    %eq3A_972 = arith.cmpi eq, %add3A_969, %eq3A_971 : vector<256x128xi32>
    %eq3A_973 = arith.constant 2 : i32
    %eq3A_974 = vector.broadcast %eq3A_973 : i32 to vector<256x128xi32>
    %eq3A_975 = arith.cmpi eq, %add3A_969, %eq3A_974 : vector<256x128xi32>
    %eq3A_976 = arith.constant 3 : i32
    %eq3A_977 = vector.broadcast %eq3A_976 : i32 to vector<256x128xi32>
    %eq3A_978 = arith.cmpi eq, %add3A_969, %eq3A_977 : vector<256x128xi32>
    %jit3A_979 = arith.constant -2147483648 : i32
    %broadcast_in_dim3A_980 = vector.broadcast %jit3A_979 : i32 to vector<256x128xi32>
    %select_n3A_981 = arith.select %eq3A_978, %max3A_584, %broadcast_in_dim3A_980 : vector<256x128xi1>, vector<256x128xi32>
    %select_n3A_982 = arith.select %eq3A_975, %max3A_408, %select_n3A_981 : vector<256x128xi1>, vector<256x128xi32>
    %select_n3A_983 = arith.select %eq3A_972, %max3A_232, %select_n3A_982 : vector<256x128xi1>, vector<256x128xi32>
    %select_n3A_984 = arith.select %eq3A_967, %select_n3A_983, %select_n3A_951 : vector<256x128xi1>, vector<256x128xi32>
    %reduce_max3A_985 = arith.constant dense<-2147483648> : vector<256xi32>
    %reduce_max3A_986 = vector.multi_reduction <maxsi>, %select_n3A_984, %reduce_max3A_985 [1] : vector<256x128xi32> to vector<256xi32>
    %broadcast_in_dim3A_987 = vector.shape_cast %reduce_max3A_986 : vector<256xi32> to vector<256x1xi32>
    %and3A_988 = arith.constant 4095 : i32
    %and3A_989 = vector.broadcast %and3A_988 : i32 to vector<256x1xi32>
    %and3A_990 = arith.andi %broadcast_in_dim3A_987, %and3A_989 : vector<256x1xi32>
    %sub3A_991 = arith.constant 4095 : i32
    %sub3A_992 = vector.broadcast %sub3A_991 : i32 to vector<256x1xi32>
    %sub3A_993 = arith.subi %sub3A_992, %and3A_990 : vector<256x1xi32>
    %add3A_994 = vector.broadcast %mul3A_36 : i32 to vector<256x1xi32>
    %add3A_995 = arith.addi %add3A_994, %sub3A_993 : vector<256x1xi32>
    %and3A_996 = arith.constant 127 : i32
    %and3A_997 = vector.broadcast %and3A_996 : i32 to vector<256x1xi32>
    %and3A_998 = arith.andi %sub3A_993, %and3A_997 : vector<256x1xi32>
    %eq3A_999 = vector.broadcast %and3A_998 : vector<256x1xi32> to vector<256x128xi32>
    %eq3A_1000 = arith.cmpi eq, %iota3A_587, %eq3A_999 : vector<256x128xi32>
    %convert_element_type3A_1001 = arith.extui %eq3A_1000 : vector<256x128xi1> to vector<256x128xi32>
    %add3A_1002 = arith.addi %add3A_969, %convert_element_type3A_1001 : vector<256x128xi32>
    %eq3A_1003 = arith.constant 1 : i32
    %eq3A_1004 = vector.broadcast %eq3A_1003 : i32 to vector<256x128xi32>
    %eq3A_1005 = arith.cmpi eq, %add3A_1002, %eq3A_1004 : vector<256x128xi32>
    %eq3A_1006 = arith.constant 2 : i32
    %eq3A_1007 = vector.broadcast %eq3A_1006 : i32 to vector<256x128xi32>
    %eq3A_1008 = arith.cmpi eq, %add3A_1002, %eq3A_1007 : vector<256x128xi32>
    %eq3A_1009 = arith.constant 3 : i32
    %eq3A_1010 = vector.broadcast %eq3A_1009 : i32 to vector<256x128xi32>
    %eq3A_1011 = arith.cmpi eq, %add3A_1002, %eq3A_1010 : vector<256x128xi32>
    %jit3A_1012 = arith.constant -2147483648 : i32
    %broadcast_in_dim3A_1013 = vector.broadcast %jit3A_1012 : i32 to vector<256x128xi32>
    %select_n3A_1014 = arith.select %eq3A_1011, %max3A_584, %broadcast_in_dim3A_1013 : vector<256x128xi1>, vector<256x128xi32>
    %select_n3A_1015 = arith.select %eq3A_1008, %max3A_408, %select_n3A_1014 : vector<256x128xi1>, vector<256x128xi32>
    %select_n3A_1016 = arith.select %eq3A_1005, %max3A_232, %select_n3A_1015 : vector<256x128xi1>, vector<256x128xi32>
    %select_n3A_1017 = arith.select %eq3A_1000, %select_n3A_1016, %select_n3A_984 : vector<256x128xi1>, vector<256x128xi32>
    %reduce_max3A_1018 = arith.constant dense<-2147483648> : vector<256xi32>
    %reduce_max3A_1019 = vector.multi_reduction <maxsi>, %select_n3A_1017, %reduce_max3A_1018 [1] : vector<256x128xi32> to vector<256xi32>
    %broadcast_in_dim3A_1020 = vector.shape_cast %reduce_max3A_1019 : vector<256xi32> to vector<256x1xi32>
    %and3A_1021 = arith.constant 4095 : i32
    %and3A_1022 = vector.broadcast %and3A_1021 : i32 to vector<256x1xi32>
    %and3A_1023 = arith.andi %broadcast_in_dim3A_1020, %and3A_1022 : vector<256x1xi32>
    %sub3A_1024 = arith.constant 4095 : i32
    %sub3A_1025 = vector.broadcast %sub3A_1024 : i32 to vector<256x1xi32>
    %sub3A_1026 = arith.subi %sub3A_1025, %and3A_1023 : vector<256x1xi32>
    %add3A_1027 = vector.broadcast %mul3A_36 : i32 to vector<256x1xi32>
    %add3A_1028 = arith.addi %add3A_1027, %sub3A_1026 : vector<256x1xi32>
    %and3A_1029 = arith.constant 127 : i32
    %and3A_1030 = vector.broadcast %and3A_1029 : i32 to vector<256x1xi32>
    %and3A_1031 = arith.andi %sub3A_1026, %and3A_1030 : vector<256x1xi32>
    %eq3A_1032 = vector.broadcast %and3A_1031 : vector<256x1xi32> to vector<256x128xi32>
    %eq3A_1033 = arith.cmpi eq, %iota3A_587, %eq3A_1032 : vector<256x128xi32>
    %convert_element_type3A_1034 = arith.extui %eq3A_1033 : vector<256x128xi1> to vector<256x128xi32>
    %add3A_1035 = arith.addi %add3A_1002, %convert_element_type3A_1034 : vector<256x128xi32>
    %eq3A_1036 = arith.constant 1 : i32
    %eq3A_1037 = vector.broadcast %eq3A_1036 : i32 to vector<256x128xi32>
    %eq3A_1038 = arith.cmpi eq, %add3A_1035, %eq3A_1037 : vector<256x128xi32>
    %eq3A_1039 = arith.constant 2 : i32
    %eq3A_1040 = vector.broadcast %eq3A_1039 : i32 to vector<256x128xi32>
    %eq3A_1041 = arith.cmpi eq, %add3A_1035, %eq3A_1040 : vector<256x128xi32>
    %eq3A_1042 = arith.constant 3 : i32
    %eq3A_1043 = vector.broadcast %eq3A_1042 : i32 to vector<256x128xi32>
    %eq3A_1044 = arith.cmpi eq, %add3A_1035, %eq3A_1043 : vector<256x128xi32>
    %jit3A_1045 = arith.constant -2147483648 : i32
    %broadcast_in_dim3A_1046 = vector.broadcast %jit3A_1045 : i32 to vector<256x128xi32>
    %select_n3A_1047 = arith.select %eq3A_1044, %max3A_584, %broadcast_in_dim3A_1046 : vector<256x128xi1>, vector<256x128xi32>
    %select_n3A_1048 = arith.select %eq3A_1041, %max3A_408, %select_n3A_1047 : vector<256x128xi1>, vector<256x128xi32>
    %select_n3A_1049 = arith.select %eq3A_1038, %max3A_232, %select_n3A_1048 : vector<256x128xi1>, vector<256x128xi32>
    %select_n3A_1050 = arith.select %eq3A_1033, %select_n3A_1049, %select_n3A_1017 : vector<256x128xi1>, vector<256x128xi32>
    %reduce_max3A_1051 = arith.constant dense<-2147483648> : vector<256xi32>
    %reduce_max3A_1052 = vector.multi_reduction <maxsi>, %select_n3A_1050, %reduce_max3A_1051 [1] : vector<256x128xi32> to vector<256xi32>
    %broadcast_in_dim3A_1053 = vector.shape_cast %reduce_max3A_1052 : vector<256xi32> to vector<256x1xi32>
    %and3A_1054 = arith.constant 4095 : i32
    %and3A_1055 = vector.broadcast %and3A_1054 : i32 to vector<256x1xi32>
    %and3A_1056 = arith.andi %broadcast_in_dim3A_1053, %and3A_1055 : vector<256x1xi32>
    %sub3A_1057 = arith.constant 4095 : i32
    %sub3A_1058 = vector.broadcast %sub3A_1057 : i32 to vector<256x1xi32>
    %sub3A_1059 = arith.subi %sub3A_1058, %and3A_1056 : vector<256x1xi32>
    %add3A_1060 = vector.broadcast %mul3A_36 : i32 to vector<256x1xi32>
    %add3A_1061 = arith.addi %add3A_1060, %sub3A_1059 : vector<256x1xi32>
    %concatenate3A_1062 = tpu.concatenate %add3A_589, %add3A_599, %add3A_632, %add3A_665, %add3A_698, %add3A_731, %add3A_764, %add3A_797, %add3A_830, %add3A_863, %add3A_896, %add3A_929, %add3A_962, %add3A_995, %add3A_1028, %add3A_1061 in 1 : vector<256x1xi32>, vector<256x1xi32>, vector<256x1xi32>, vector<256x1xi32>, vector<256x1xi32>, vector<256x1xi32>, vector<256x1xi32>, vector<256x1xi32>, vector<256x1xi32>, vector<256x1xi32>, vector<256x1xi32>, vector<256x1xi32>, vector<256x1xi32>, vector<256x1xi32>, vector<256x1xi32>, vector<256x1xi32> -> vector<256x16xi32>
    %swap3A = arith.constant 0 : index
    %swap3A_1063 = arith.constant 0 : index
    %swap3A_1064 = arith.constant 0 : index
    %swap3A_1065 = vector.load %arg7[%swap3A, %swap3A_1063, %swap3A_1064] : memref<1x256x16xi32, #tpu.memory_space<vmem>>, vector<1x256x16xi32>
    %swap3A_1066 = vector.shape_cast %swap3A_1065 : vector<1x256x16xi32> to vector<256x16xi32>
    %swap3A_1067 = vector.shape_cast %concatenate3A_1062 : vector<256x16xi32> to vector<1x256x16xi32>
    tpu.vector_store %arg7[%swap3A, %swap3A_1063, %swap3A_1064], %swap3A_1067 {strides = array<i32>} : memref<1x256x16xi32, #tpu.memory_space<vmem>>, vector<1x256x16xi32>,
    return
  }
  func.func @transform_0(%arg0: i32, %arg1: i32) -> (i32, i32, i32) {
    %c0_i32 = arith.constant 0 : i32
    %c0_i32_0 = arith.constant 0 : i32
    %c0_i32_1 = arith.constant 0 : i32
    return %arg0, %c0_i32, %c0_i32_0 : i32, i32, i32
  }
  func.func @transform_1(%arg0: i32, %arg1: i32) -> (i32, i32, i32) {
    %c0_i32 = arith.constant 0 : i32
    %c0_i32_0 = arith.constant 0 : i32
    return %arg0, %arg1, %c0_i32 : i32, i32, i32
  }
  func.func @transform_2(%arg0: i32, %arg1: i32) -> (i32, i32, i32) {
    %c0_i32 = arith.constant 0 : i32
    %c0_i32_0 = arith.constant 0 : i32
    %c0_i32_1 = arith.constant 0 : i32
    return %arg0, %c0_i32, %c0_i32_0 : i32, i32, i32
  }
  func.func @transform_3(%arg0: i32, %arg1: i32) -> (i32, i32) {
    %c0_i32 = arith.constant 0 : i32
    %c0_i32_0 = arith.constant 0 : i32
    %c0_i32_1 = arith.constant 0 : i32
    return %c0_i32, %c0_i32_0 : i32, i32
  }
  func.func @transform_4(%arg0: i32, %arg1: i32) -> (i32, i32) {
    %c0_i32 = arith.constant 0 : i32
    %c0_i32_0 = arith.constant 0 : i32
    %c0_i32_1 = arith.constant 0 : i32
    return %c0_i32, %c0_i32_0 : i32, i32
  }
  func.func @transform_5(%arg0: i32, %arg1: i32) -> (i32, i32, i32) {
    %c0_i32 = arith.constant 0 : i32
    %c0_i32_0 = arith.constant 0 : i32
    return %arg0, %arg1, %c0_i32 : i32, i32, i32
  }
  func.func @transform_6(%arg0: i32, %arg1: i32) -> (i32, i32, i32) {
    %c0_i32 = arith.constant 0 : i32
    %c0_i32_0 = arith.constant 0 : i32
    %c0_i32_1 = arith.constant 0 : i32
    return %arg0, %c0_i32, %c0_i32_0 : i32, i32, i32
  }
  func.func @transform_7(%arg0: i32, %arg1: i32) -> (i32, i32, i32) {
    %c0_i32 = arith.constant 0 : i32
    %c0_i32_0 = arith.constant 0 : i32
    %c0_i32_1 = arith.constant 0 : i32
    return %arg0, %c0_i32, %c0_i32_0 : i32, i32, i32
  }
}

module attributes {stable_mosaic.version = 14 : i64} {
  func.func @_stats_kernel(%arg0: i32, %arg1: i32, %arg2: memref<1x256x16x64xf32, #tpu.memory_space<vmem>>, %arg3: memref<1x256x64xf32, #tpu.memory_space<vmem>>, %arg4: memref<1x64xf32, #tpu.memory_space<vmem>>, %arg5: memref<1x64xf32, #tpu.memory_space<vmem>>) attributes {dimension_semantics = [#tpu.dimension_semantics<arbitrary>, #tpu.dimension_semantics<arbitrary>], iteration_bounds = array<i64: 2, 16>, scalar_prefetch = 0 : i64, scratch_operands = 0 : i64, tpu.core_type = #tpu.core_type<tc>, window_params = [{transform_indices = @transform_0, window_bounds = array<i64: 1, 256, 16, 64>}, {transform_indices = @transform_1, window_bounds = array<i64: 1, 256, 64>}, {pipeline_mode = #tpu.pipeline_mode<synchronous>, transform_indices = @transform_2, window_bounds = array<i64: 1, 64>}, {pipeline_mode = #tpu.pipeline_mode<synchronous>, transform_indices = @transform_3, window_bounds = array<i64: 1, 64>}]} {
    %eq3A = arith.constant 0 : i32
    %eq3A_0 = arith.cmpi eq, %arg0, %eq3A : i32
    %eq3A_1 = arith.constant 0 : i32
    %eq3A_2 = arith.cmpi eq, %arg1, %eq3A_1 : i32
    %and3A = arith.andi %eq3A_0, %eq3A_2 : i1
    %convert_element_type3A = arith.extui %and3A : i1 to i32
    %cond3A = arith.constant 0 : i32
    %cond3A_3 = arith.cmpi ne, %convert_element_type3A, %cond3A : i32
    scf.if %cond3A_3 {
      %broadcast_in_dim3A_32 = arith.constant 0.000000e+00 : f32
      %broadcast_in_dim3A_33 = vector.broadcast %broadcast_in_dim3A_32 : f32 to vector<1x64xf32>
      %swap3A_34 = arith.constant 0 : index
      %swap3A_35 = arith.constant 0 : index
      %swap3A_36 = vector.load %arg4[%swap3A_34, %swap3A_35] : memref<1x64xf32, #tpu.memory_space<vmem>>, vector<1x64xf32>
      tpu.vector_store %arg4[%swap3A_34, %swap3A_35], %broadcast_in_dim3A_33 {strides = array<i32>} : memref<1x64xf32, #tpu.memory_space<vmem>>, vector<1x64xf32>,
      %broadcast_in_dim3A_37 = arith.constant 0.000000e+00 : f32
      %broadcast_in_dim3A_38 = vector.broadcast %broadcast_in_dim3A_37 : f32 to vector<1x64xf32>
      %swap3A_39 = arith.constant 0 : index
      %swap3A_40 = arith.constant 0 : index
      %swap3A_41 = vector.load %arg5[%swap3A_39, %swap3A_40] : memref<1x64xf32, #tpu.memory_space<vmem>>, vector<1x64xf32>
      tpu.vector_store %arg5[%swap3A_39, %swap3A_40], %broadcast_in_dim3A_38 {strides = array<i32>} : memref<1x64xf32, #tpu.memory_space<vmem>>, vector<1x64xf32>,
    } else {
    }
    %get3A = arith.constant 0 : index
    %get3A_4 = arith.constant 0 : index
    %get3A_5 = arith.constant 0 : index
    %get3A_6 = arith.constant 0 : index
    %get3A_7 = vector.load %arg2[%get3A, %get3A_4, %get3A_5, %get3A_6] : memref<1x256x16x64xf32, #tpu.memory_space<vmem>>, vector<1x256x16x64xf32>
    %get3A_8 = vector.shape_cast %get3A_7 : vector<1x256x16x64xf32> to vector<256x16x64xf32>
    %get3A_9 = arith.constant 0 : index
    %get3A_10 = arith.constant 0 : index
    %get3A_11 = arith.constant 0 : index
    %get3A_12 = vector.load %arg3[%get3A_9, %get3A_10, %get3A_11] : memref<1x256x64xf32, #tpu.memory_space<vmem>>, vector<1x256x64xf32>
    %get3A_13 = vector.shape_cast %get3A_12 : vector<1x256x64xf32> to vector<256x64xf32>
    %broadcast_in_dim3A = vector.shape_cast %get3A_13 : vector<256x64xf32> to vector<256x1x64xf32>
    %add3A = vector.broadcast %broadcast_in_dim3A : vector<256x1x64xf32> to vector<256x16x64xf32>
    %add3A_14 = arith.addf %get3A_8, %add3A : vector<256x16x64xf32>
    %get3A_15 = arith.constant 0 : index
    %get3A_16 = arith.constant 0 : index
    %get3A_17 = vector.load %arg4[%get3A_15, %get3A_16] : memref<1x64xf32, #tpu.memory_space<vmem>>, vector<1x64xf32>
    %reduce_sum3A = arith.constant dense<0.000000e+00> : vector<64xf32>
    %reduce_sum3A_18 = vector.multi_reduction <add>, %add3A_14, %reduce_sum3A [0, 1] : vector<256x16x64xf32> to vector<64xf32>
    %reshape3A = vector.shape_cast %reduce_sum3A_18 : vector<64xf32> to vector<1x64xf32>
    %add3A_19 = arith.addf %get3A_17, %reshape3A : vector<1x64xf32>
    %swap3A = arith.constant 0 : index
    %swap3A_20 = arith.constant 0 : index
    %swap3A_21 = vector.load %arg4[%swap3A, %swap3A_20] : memref<1x64xf32, #tpu.memory_space<vmem>>, vector<1x64xf32>
    tpu.vector_store %arg4[%swap3A, %swap3A_20], %add3A_19 {strides = array<i32>} : memref<1x64xf32, #tpu.memory_space<vmem>>, vector<1x64xf32>,
    %get3A_22 = arith.constant 0 : index
    %get3A_23 = arith.constant 0 : index
    %get3A_24 = vector.load %arg5[%get3A_22, %get3A_23] : memref<1x64xf32, #tpu.memory_space<vmem>>, vector<1x64xf32>
    %mul3A = arith.mulf %add3A_14, %add3A_14 : vector<256x16x64xf32>
    %reduce_sum3A_25 = arith.constant dense<0.000000e+00> : vector<64xf32>
    %reduce_sum3A_26 = vector.multi_reduction <add>, %mul3A, %reduce_sum3A_25 [0, 1] : vector<256x16x64xf32> to vector<64xf32>
    %reshape3A_27 = vector.shape_cast %reduce_sum3A_26 : vector<64xf32> to vector<1x64xf32>
    %add3A_28 = arith.addf %get3A_24, %reshape3A_27 : vector<1x64xf32>
    %swap3A_29 = arith.constant 0 : index
    %swap3A_30 = arith.constant 0 : index
    %swap3A_31 = vector.load %arg5[%swap3A_29, %swap3A_30] : memref<1x64xf32, #tpu.memory_space<vmem>>, vector<1x64xf32>
    tpu.vector_store %arg5[%swap3A_29, %swap3A_30], %add3A_28 {strides = array<i32>} : memref<1x64xf32, #tpu.memory_space<vmem>>, vector<1x64xf32>,
    return
  }
  func.func @transform_0(%arg0: i32, %arg1: i32) -> (i32, i32, i32, i32) {
    %c0_i32 = arith.constant 0 : i32
    %c0_i32_0 = arith.constant 0 : i32
    %c0_i32_1 = arith.constant 0 : i32
    return %arg0, %arg1, %c0_i32, %c0_i32_0 : i32, i32, i32, i32
  }
  func.func @transform_1(%arg0: i32, %arg1: i32) -> (i32, i32, i32) {
    %c0_i32 = arith.constant 0 : i32
    %c0_i32_0 = arith.constant 0 : i32
    return %arg0, %arg1, %c0_i32 : i32, i32, i32
  }
  func.func @transform_2(%arg0: i32, %arg1: i32) -> (i32, i32) {
    %c0_i32 = arith.constant 0 : i32
    %c0_i32_0 = arith.constant 0 : i32
    %c0_i32_1 = arith.constant 0 : i32
    return %c0_i32, %c0_i32_0 : i32, i32
  }
  func.func @transform_3(%arg0: i32, %arg1: i32) -> (i32, i32) {
    %c0_i32 = arith.constant 0 : i32
    %c0_i32_0 = arith.constant 0 : i32
    %c0_i32_1 = arith.constant 0 : i32
    return %c0_i32, %c0_i32_0 : i32, i32
  }
}

module attributes {stable_mosaic.version = 14 : i64} {
  func.func @_bn_act_mean_kernel(%arg0: i32, %arg1: i32, %arg2: memref<1x256x16x64xf32, #tpu.memory_space<vmem>>, %arg3: memref<1x256x64xf32, #tpu.memory_space<vmem>>, %arg4: memref<2x64xf32, #tpu.memory_space<vmem>>, %arg5: memref<2x64xf32, #tpu.memory_space<vmem>>, %arg6: memref<1x64xf32, #tpu.memory_space<vmem>>, %arg7: memref<1x64xf32, #tpu.memory_space<vmem>>, %arg8: memref<1x1xf32, #tpu.memory_space<smem>>, %arg9: memref<1x256x64xf32, #tpu.memory_space<vmem>>) attributes {dimension_semantics = [#tpu.dimension_semantics<arbitrary>, #tpu.dimension_semantics<arbitrary>], iteration_bounds = array<i64: 2, 16>, scalar_prefetch = 0 : i64, scratch_operands = 0 : i64, tpu.core_type = #tpu.core_type<tc>, window_params = [{transform_indices = @transform_0, window_bounds = array<i64: 1, 256, 16, 64>}, {transform_indices = @transform_1, window_bounds = array<i64: 1, 256, 64>}, {pipeline_mode = #tpu.pipeline_mode<synchronous>, transform_indices = @transform_2, window_bounds = array<i64: 2, 64>}, {pipeline_mode = #tpu.pipeline_mode<synchronous>, transform_indices = @transform_3, window_bounds = array<i64: 2, 64>}, {pipeline_mode = #tpu.pipeline_mode<synchronous>, transform_indices = @transform_4, window_bounds = array<i64: 1, 64>}, {pipeline_mode = #tpu.pipeline_mode<synchronous>, transform_indices = @transform_5, window_bounds = array<i64: 1, 64>}, {transform_indices = @transform_6, window_bounds = array<i64: 1, 1>}, {transform_indices = @transform_7, window_bounds = array<i64: 1, 256, 64>}]} {
    %get3A = arith.constant 0 : index
    %get3A_0 = arith.constant 0 : index
    %get3A_1 = memref.load %arg8[%get3A, %get3A_0] : memref<1x1xf32, #tpu.memory_space<smem>>
    %get3A_2 = arith.constant 0 : index
    %get3A_3 = arith.constant 0 : index
    %get3A_4 = vector.load %arg4[%get3A_2, %get3A_3] : memref<2x64xf32, #tpu.memory_space<vmem>>, vector<2x64xf32>
    %reduce_sum3A = arith.constant dense<0.000000e+00> : vector<64xf32>
    %reduce_sum3A_5 = vector.multi_reduction <add>, %get3A_4, %reduce_sum3A [0] : vector<2x64xf32> to vector<64xf32>
    %broadcast_in_dim3A = vector.shape_cast %reduce_sum3A_5 : vector<64xf32> to vector<1x64xf32>
    %div3A = vector.broadcast %get3A_1 : f32 to vector<1x64xf32>
    %div3A_6 = arith.divf %broadcast_in_dim3A, %div3A : vector<1x64xf32>
    %get3A_7 = arith.constant 0 : index
    %get3A_8 = arith.constant 0 : index
    %get3A_9 = vector.load %arg5[%get3A_7, %get3A_8] : memref<2x64xf32, #tpu.memory_space<vmem>>, vector<2x64xf32>
    %reduce_sum3A_10 = arith.constant dense<0.000000e+00> : vector<64xf32>
    %reduce_sum3A_11 = vector.multi_reduction <add>, %get3A_9, %reduce_sum3A_10 [0] : vector<2x64xf32> to vector<64xf32>
    %broadcast_in_dim3A_12 = vector.shape_cast %reduce_sum3A_11 : vector<64xf32> to vector<1x64xf32>
    %div3A_13 = vector.broadcast %get3A_1 : f32 to vector<1x64xf32>
    %div3A_14 = arith.divf %broadcast_in_dim3A_12, %div3A_13 : vector<1x64xf32>
    %mul3A = arith.mulf %div3A_6, %div3A_6 : vector<1x64xf32>
    %sub3A = arith.subf %div3A_14, %mul3A : vector<1x64xf32>
    %add3A = arith.constant 9.99999974E-6 : f32
    %add3A_15 = vector.broadcast %add3A : f32 to vector<1x64xf32>
    %add3A_16 = arith.addf %sub3A, %add3A_15 : vector<1x64xf32>
    %rsqrt3A = math.rsqrt %add3A_16 : vector<1x64xf32>
    %get3A_17 = arith.constant 0 : index
    %get3A_18 = arith.constant 0 : index
    %get3A_19 = vector.load %arg6[%get3A_17, %get3A_18] : memref<1x64xf32, #tpu.memory_space<vmem>>, vector<1x64xf32>
    %mul3A_20 = arith.mulf %get3A_19, %rsqrt3A : vector<1x64xf32>
    %get3A_21 = arith.constant 0 : index
    %get3A_22 = arith.constant 0 : index
    %get3A_23 = vector.load %arg7[%get3A_21, %get3A_22] : memref<1x64xf32, #tpu.memory_space<vmem>>, vector<1x64xf32>
    %mul3A_24 = arith.mulf %div3A_6, %mul3A_20 : vector<1x64xf32>
    %sub3A_25 = arith.subf %get3A_23, %mul3A_24 : vector<1x64xf32>
    %get3A_26 = arith.constant 0 : index
    %get3A_27 = arith.constant 0 : index
    %get3A_28 = arith.constant 0 : index
    %get3A_29 = arith.constant 0 : index
    %get3A_30 = vector.load %arg2[%get3A_26, %get3A_27, %get3A_28, %get3A_29] : memref<1x256x16x64xf32, #tpu.memory_space<vmem>>, vector<1x256x16x64xf32>
    %get3A_31 = vector.shape_cast %get3A_30 : vector<1x256x16x64xf32> to vector<256x16x64xf32>
    %get3A_32 = arith.constant 0 : index
    %get3A_33 = arith.constant 0 : index
    %get3A_34 = arith.constant 0 : index
    %get3A_35 = vector.load %arg3[%get3A_32, %get3A_33, %get3A_34] : memref<1x256x64xf32, #tpu.memory_space<vmem>>, vector<1x256x64xf32>
    %get3A_36 = vector.shape_cast %get3A_35 : vector<1x256x64xf32> to vector<256x64xf32>
    %broadcast_in_dim3A_37 = vector.shape_cast %get3A_36 : vector<256x64xf32> to vector<256x1x64xf32>
    %add3A_38 = vector.broadcast %broadcast_in_dim3A_37 : vector<256x1x64xf32> to vector<256x16x64xf32>
    %add3A_39 = arith.addf %get3A_31, %add3A_38 : vector<256x16x64xf32>
    %squeeze3A = vector.shape_cast %mul3A_20 : vector<1x64xf32> to vector<64xf32>
    %broadcast_in_dim3A_40 = vector.shape_cast %squeeze3A : vector<64xf32> to vector<1x1x64xf32>
    %mul3A_41 = vector.broadcast %broadcast_in_dim3A_40 : vector<1x1x64xf32> to vector<256x16x64xf32>
    %mul3A_42 = arith.mulf %add3A_39, %mul3A_41 : vector<256x16x64xf32>
    %squeeze3A_43 = vector.shape_cast %sub3A_25 : vector<1x64xf32> to vector<64xf32>
    %broadcast_in_dim3A_44 = vector.shape_cast %squeeze3A_43 : vector<64xf32> to vector<1x1x64xf32>
    %add3A_45 = vector.broadcast %broadcast_in_dim3A_44 : vector<1x1x64xf32> to vector<256x16x64xf32>
    %add3A_46 = arith.addf %mul3A_42, %add3A_45 : vector<256x16x64xf32>
    %ge3A = arith.constant 0.000000e+00 : f32
    %ge3A_47 = vector.broadcast %ge3A : f32 to vector<256x16x64xf32>
    %ge3A_48 = arith.cmpf oge, %add3A_46, %ge3A_47 : vector<256x16x64xf32>
    %mul3A_49 = arith.constant 2.000000e-01 : f32
    %mul3A_50 = vector.broadcast %mul3A_49 : f32 to vector<256x16x64xf32>
    %mul3A_51 = arith.mulf %mul3A_50, %add3A_46 : vector<256x16x64xf32>
    %select_n3A = arith.select %ge3A_48, %add3A_46, %mul3A_51 : vector<256x16x64xi1>, vector<256x16x64xf32>
    %reduce_sum3A_52 = arith.constant dense<0.000000e+00> : vector<256x64xf32>
    %reduce_sum3A_53 = vector.multi_reduction <add>, %select_n3A, %reduce_sum3A_52 [1] : vector<256x16x64xf32> to vector<256x64xf32>
    %div3A_54 = arith.constant 1.600000e+01 : f32
    %div3A_55 = vector.broadcast %div3A_54 : f32 to vector<256x64xf32>
    %div3A_56 = arith.divf %reduce_sum3A_53, %div3A_55 : vector<256x64xf32>
    %swap3A = arith.constant 0 : index
    %swap3A_57 = arith.constant 0 : index
    %swap3A_58 = arith.constant 0 : index
    %swap3A_59 = vector.load %arg9[%swap3A, %swap3A_57, %swap3A_58] : memref<1x256x64xf32, #tpu.memory_space<vmem>>, vector<1x256x64xf32>
    %swap3A_60 = vector.shape_cast %swap3A_59 : vector<1x256x64xf32> to vector<256x64xf32>
    %swap3A_61 = vector.shape_cast %div3A_56 : vector<256x64xf32> to vector<1x256x64xf32>
    tpu.vector_store %arg9[%swap3A, %swap3A_57, %swap3A_58], %swap3A_61 {strides = array<i32>} : memref<1x256x64xf32, #tpu.memory_space<vmem>>, vector<1x256x64xf32>,
    return
  }
  func.func @transform_0(%arg0: i32, %arg1: i32) -> (i32, i32, i32, i32) {
    %c0_i32 = arith.constant 0 : i32
    %c0_i32_0 = arith.constant 0 : i32
    %c0_i32_1 = arith.constant 0 : i32
    return %arg0, %arg1, %c0_i32, %c0_i32_0 : i32, i32, i32, i32
  }
  func.func @transform_1(%arg0: i32, %arg1: i32) -> (i32, i32, i32) {
    %c0_i32 = arith.constant 0 : i32
    %c0_i32_0 = arith.constant 0 : i32
    return %arg0, %arg1, %c0_i32 : i32, i32, i32
  }
  func.func @transform_2(%arg0: i32, %arg1: i32) -> (i32, i32) {
    %c0_i32 = arith.constant 0 : i32
    %c0_i32_0 = arith.constant 0 : i32
    %c0_i32_1 = arith.constant 0 : i32
    return %c0_i32, %c0_i32_0 : i32, i32
  }
  func.func @transform_3(%arg0: i32, %arg1: i32) -> (i32, i32) {
    %c0_i32 = arith.constant 0 : i32
    %c0_i32_0 = arith.constant 0 : i32
    %c0_i32_1 = arith.constant 0 : i32
    return %c0_i32, %c0_i32_0 : i32, i32
  }
  func.func @transform_4(%arg0: i32, %arg1: i32) -> (i32, i32) {
    %c0_i32 = arith.constant 0 : i32
    %c0_i32_0 = arith.constant 0 : i32
    %c0_i32_1 = arith.constant 0 : i32
    return %c0_i32, %c0_i32_0 : i32, i32
  }
  func.func @transform_5(%arg0: i32, %arg1: i32) -> (i32, i32) {
    %c0_i32 = arith.constant 0 : i32
    %c0_i32_0 = arith.constant 0 : i32
    %c0_i32_1 = arith.constant 0 : i32
    return %c0_i32, %c0_i32_0 : i32, i32
  }
  func.func @transform_6(%arg0: i32, %arg1: i32) -> (i32, i32) {
    %c0_i32 = arith.constant 0 : i32
    %c0_i32_0 = arith.constant 0 : i32
    %c0_i32_1 = arith.constant 0 : i32
    return %c0_i32, %c0_i32_0 : i32, i32
  }
  func.func @transform_7(%arg0: i32, %arg1: i32) -> (i32, i32, i32) {
    %c0_i32 = arith.constant 0 : i32
    %c0_i32_0 = arith.constant 0 : i32
    return %arg0, %arg1, %c0_i32 : i32, i32, i32
  }
}

</mosaic_0001>

<sc_bundles>
// kernel: kernel.10.cloned.1.call-start
scs
__scs_entry_jumppad:
0x0: {  	(pc) =	sbr.rel $0x88, $3  }
0x1: {  	(tag) =	ssettag $0x0;
	lr =	simm.s32 $0x1  }
0x2: {  	[smem:$0x3F9C] =	sst lr;
	_ =	strace $0xD0000000  }
0x3: {  	_ = 	snop  }
0x4: {  	_ = 	snop  }
0x5: {  	_ = 	snop  }
0x6: {  	_ = 	snop  }
0x7: {  	_ = 	snop  }
__scs_overlays_trampoline_lowered:
0x8: {  	[smem:$0x3FAB] =	sst s0  }
0x9: {  	[smem:$0x3FAC] =	sst s1  }
0xa: {  	[smem:$0x3FAD] =	sst s2  }
0xb: {  	[smem:$0x3FAE] =	sst s3  }
0xc: {  	[smem:$0x3FAF] =	sst s4  }
0xd: {  	[smem:$0x3FB0] =	sst s5  }
0xe: {  	[smem:$0x3FB1] =	sst s6  }
0xf: {  	[smem:$0x3FB2] =	sst s7  }
0x10: {  	[smem:$0x3FB3] =	sst s8  }
0x11: {  	[smem:$0x3FB4] =	sst s9;
	s0 =	simm.s32 @!p0 $0x0  }
0x12: {  	s1 =	sld [smem:$0x3F9A];
	s0 =	simm.s32 @p0 $0x1  }
0x13: {  	[smem:$0x3FB5] =	sst s0;
	s0 =	simm.s32 @!p1 $0x0  }
0x14: {  	s2 =	sld [smem:$0x3F99];
	s0 =	simm.s32 @p1 $0x1  }
0x15: {  	[smem:$0x3FB6] =	sst s0;
	s0 =	simm.s32 @!p2 $0x0  }
0x16: {  	s3 =	sld [smem:$0x3FDB];
	s0 =	simm.s32 @p2 $0x1  }
0x17: {  	s4 =	simm.s32 $0x1BF5;
	[smem:$0x3FB8] =	sst s0  }
0x18: {  	s0 =	sld [smem:$0x3F9B];
	_ =	swait.ge [sflag:s4], $0x0  }
0x19: {  	s7 =	sld [smem:$0x3F9C]  }
0x1a: {  	s8 =	sadd.s32 $0xFFFFE003, lr  }
0x1b: {  	s9 =	sadd.s32 $0xFFFFFEF7, lr;
	s5 =	simm.s32 $0xFFFFFFFF;
	p2 =	slt.u32 s8, $0xFFFFF086  }
0x1c: {  	p1 =	slt.u32 s9, $0xF7A;
	s5 =	simm.s32 @!p2 $0x0  }
0x1d: {  	s5 =	simm.s32 @p1 $0x1;
	p0 =	seq.s32 s7, s2  }
0x1e: {  	s7 =	smul.u32 @!p0 $0xF7A, s2;
	p2 =	seq.s32 @!p0 s5, $0x0  }
0x1f: {  	s9 =	smul.u32 $0xF7A, s1;
	s8 =	simm.s32 @!p0 $0x1BF5;
	p2 =	por !p2, p0  }
0x20: {  	[sflag:s8] =	ssyncset.s32 @!p0 $0xFFFFF086;
	s6 =	sadd.s32 @!p0 s3, s7;
	s7 =	simm.s32 @!p0 $0x108  }
0x21: {  	s3 =	sadd.s32 s3, s9;
	s6 =	sadd.s32 @!p0 $0x88, s6;
	s7 =	simm.s32 @p2 $0x1082  }
0x22: {  	[simem:s7], [sflag:s8] =	dma.local @!p0 [hbm:s6], $0xF7A  }
0x23: {  	s9 =	sor.u32 $0xD0000000, s2;
	s6 =	simm.s32 $0x108;
	_ =	swait.ge @!p0 [sflag:s8], $0x0  }
0x24: {  	s3 =	sadd.s32 $0x88, s3;
	s6 =	simm.s32 @!p1 $0x1082;
	[sflag:s4] =	ssyncset.s32 $0xFFFFF086  }
0x25: {  	[simem:s6], [sflag:s4] =	dma.local [hbm:s3], $0xF7A  }
0x26: {  	[smem:$0x3F9C] =	sst s1;
	(tag) =	ssettag s2;
	_ =	strace s9  }
0x27: {  	s1 =	sld [smem:$0x3FAC]  }
0x28: {  	s2 =	sld [smem:$0x3FAD]  }
0x29: {  	s4 =	sld [smem:$0x3FAF]  }
0x2a: {  	p0 =	seq.s32 s5, $0x0;
	s5 =	sld [smem:$0x3FB0]  }
0x2b: {  	s6 =	sld [smem:$0x3FB1]  }
0x2c: {  	s7 =	sld [smem:$0x3FB2]  }
0x2d: {  	s3 =	simm.s32 $0x108;
	s8 =	sld [smem:$0x3FB3]  }
0x2e: {  	s3 =	simm.s32 @!p0 $0x1082;
	s9 =	sld [smem:$0x3FB4]  }
0x2f: {  	lr =	sadd.s32 s0, s3;
	s0 =	sld [smem:$0x3FAB]  }
0x30: {  	s3 =	sld [smem:$0x3FAE]  }
0x31: {  	[smem:$0x3FB7] =	sst s10  }
0x32: {  	s10 =	sld [smem:$0x3FB5];
	_ =	sdelay $0x3  }
0x33: {  	p0 =	seq.s32 s10, $0x1;
	s10 =	sld [smem:$0x3FB7];
	_ =	sdelay $0x3  }
0x34: {  	[smem:$0x3FB7] =	sst s10  }
0x35: {  	s10 =	sld [smem:$0x3FB6];
	_ =	sdelay $0x3  }
0x36: {  	p1 =	seq.s32 s10, $0x1;
	s10 =	sld [smem:$0x3FB7];
	_ =	sdelay $0x3  }
0x37: {  	[smem:$0x3FB7] =	sst s10  }
0x38: {  	s10 =	sld [smem:$0x3FB8]  }
0x39: {  	_ = 	snop;
	(pc) =	sbr.ind lr, $3  }
0x3a: {  	_ = 	snop  }
0x3b: {  	_ = 	snop  }
0x3c: {  	p2 =	seq.s32 s10, $0x1;
	s10 =	sld [smem:$0x3FB7]  }
0x3d: {  	_ =	shalt  }
0x3e: {  	_ =	shalt  }
0x3f: {  	_ =	shalt  }
0x40: {  	_ =	shalt  }
0x41: {  	_ =	shalt  }
0x42: {  	_ =	shalt  }
0x43: {  	_ =	shalt  }
0x44: {  	_ =	shalt  }
0x45: {  	_ =	shalt  }
0x46: {  	_ =	shalt  }
0x47: {  	_ =	shalt  }
0x48: {  	_ =	shalt  }
0x49: {  	_ =	shalt  }
0x4a: {  	_ =	shalt  }
0x4b: {  	_ =	shalt  }
0x4c: {  	_ =	shalt  }
0x4d: {  	_ =	shalt  }
0x4e: {  	_ =	shalt  }
0x4f: {  	_ =	shalt  }
0x50: {  	_ =	shalt  }
0x51: {  	_ =	shalt  }
0x52: {  	_ =	shalt  }
0x53: {  	_ =	shalt  }
0x54: {  	_ =	shalt  }
0x55: {  	_ =	shalt  }
0x56: {  	_ =	shalt  }
0x57: {  	_ =	shalt  }
0x58: {  	_ =	shalt  }
0x59: {  	_ =	shalt  }
0x5a: {  	_ =	shalt  }
0x5b: {  	_ =	shalt  }
0x5c: {  	_ =	shalt  }
0x5d: {  	_ =	shalt  }
0x5e: {  	_ =	shalt  }
0x5f: {  	_ =	shalt  }
0x60: {  	_ =	shalt  }
0x61: {  	_ =	shalt  }
0x62: {  	_ =	shalt  }
0x63: {  	_ =	shalt  }
0x64: {  	_ =	shalt  }
0x65: {  	_ =	shalt  }
0x66: {  	_ =	shalt  }
0x67: {  	_ =	shalt  }
0x68: {  	_ =	shalt  }
0x69: {  	_ =	shalt  }
0x6a: {  	_ =	shalt  }
0x6b: {  	_ =	shalt  }
0x6c: {  	_ =	shalt  }
0x6d: {  	_ =	shalt  }
0x6e: {  	_ =	shalt  }
0x6f: {  	_ =	shalt  }
0x70: {  	_ =	shalt  }
0x71: {  	_ =	shalt  }
0x72: {  	_ =	shalt  }
0x73: {  	_ =	shalt  }
0x74: {  	_ =	shalt  }
0x75: {  	_ =	shalt  }
0x76: {  	_ =	shalt  }
0x77: {  	_ =	shalt  }
0x78: {  	_ =	shalt  }
0x79: {  	_ =	shalt  }
0x7a: {  	_ =	shalt  }
0x7b: {  	_ =	shalt  }
0x7c: {  	_ =	shalt  }
0x7d: {  	_ =	shalt  }
0x7e: {  	_ =	shalt  }
0x7f: {  	_ =	shalt  }
0x80: {  	_ =	shalt  }
0x81: {  	_ =	shalt  }
0x82: {  	_ =	shalt  }
0x83: {  	_ =	shalt  }
0x84: {  	_ =	shalt  }
0x85: {  	_ =	shalt  }
0x86: {  	_ =	shalt  }
0x87: {  	_ =	shalt  }
.Lfunc_end0:
.L_simem_size_0:
called_computation_lowered:
.L_overlay_start_0:
0x88: {  	s2 =	sld [smem:$0x3FD9]  }
0x89: {  	s3 =	sld [smem:$0x3FFE];
	_ =	sdelay $0x1  }
0x8a: {  	s1 =	srdreg.scid  }
0x8b: {  	s0 =	sand.u32 $0x1, s1  }
0x8c: {  	s17 =	sshll.u32 s0, $0xA;
	s2 =	sadd.s32 s3, s2  }
0x8d: {  	s2 =	sadd.s32 s2, s17  }
0x8e: {  	[smem:$0x3FC3] =	sst s2  }
0x8f: {  	_ = 	snop  }
0x90: {  	(tm) =	ssettm $0x1  }
0x91: {  	s18 =	sld [smem:$0x3FFB];
	_ =	sdelay $0x3  }
0x92: {  	_ =	strace s18  }
0x93: {  	s2 =	sld [smem:$0x3FFC];
	_ =	sdelay $0x3  }
0x94: {  	_ =	strace s2  }
0x95: {  	s2 =	sld [smem:$0x3FFD];
	_ =	sdelay $0x3  }
0x96: {  	_ =	strace s2  }
0x97: {  	_ =	strace $0x8FFFFFFF  }
0x98: {  	s19 =	sld [smem:$0x3FDB];
	_ =	sdelay $0x1  }
0x99: {  	s20 =	simm.s32 $_scs_section_size  }
0x9a: {  	s4 =	simm.s32 $_size__tile_overlayer_lowered;
	s5 =	simm.s32 $_tile_overlayer_lowered  }
0x9b: {  	s6 =	simm.s32 $0x1BFF;
	s21 =	sshll.u32 s5, $0x1;
	s3 =	sadd.s32 s20, s19  }
0x9c: {  	s22 =	simm.s32 $0x0;
	s4 =	sshll.u32 s4, $0x1;
	s5 =	sadd.s32 s21, s3  }
0x9d: {  	[timem:s22], [sflag:s6] =	dma.local [hbm:s5], s4  }
0x9e: {  	_ =	swait.ge [sflag:s6], s4  }
0x9f: {  	s4 =	ssub.s32 $0x0, s4;
	[sflag:s6] =	ssyncset.done $0x0  }
0xa0: {  	[sflag:s6] =	ssyncadd.s32 s4;
	_ =	sdelay $0x1  }
0xa1: {  	s23 =	simm.s32 $0x1B8B  }
0xa2: {  	_ =	swait.ge [sflag:s23], $0x1  }
0xa3: {  	[sflag:s23] =	ssyncset.done $0x0  }
0xa4: {  	[sflag:s23] =	ssyncadd.s32 $0xFFFFFFFF  }
0xa5: {  	s4 =	sld [smem:$0x0]  }
0xa6: {  	s5 =	sand.u32 $0xFFFFFFFE, s1  }
0xa7: {  	p0 =	sne.s32 s1, s5  }
0xa8: {  	s5 =	sshll.u32 @p0 s5, $0xE  }
0xa9: {  	s5 =	sadd.s32 @p0 $0x11B8D, s5;
	s6 =	sshll.u32 @p0 s4, $0x11  }
0xaa: {  	s5 =	sor.u32 @p0 s6, s5  }
0xab: {  	[sflag:s5] =	ssyncadd.remote.s32 @p0 $0x1;
	_ =	sdelay $0x1  }
0xac: {  	s5 =	simm.s32 @p0 $0x1B8D  }
0xad: {  	_ =	swait.eq @p0 [sflag:s5], $0x1  }
0xae: {  	[sflag:s5] =	ssyncadd.s32 @p0 $0xFFFFFFFF  }
0xaf: {  	s6 =	sshll.u32 @!p0 s1, $0xE  }
0xb0: {  	s6 =	sor.u32 @!p0 $0x4000, s6;
	s5 =	simm.s32 @!p0 $0x1B8D  }
0xb1: {  	s4 =	sshll.u32 @!p0 s4, $0x11;
	s6 =	sadd.s32 @!p0 $0x11B8D, s6;
	_ =	swait.eq @!p0 [sflag:s5], $0x1  }
0xb2: {  	s4 =	sor.u32 @!p0 s4, s6;
	[sflag:s5] =	ssyncadd.s32 @!p0 $0xFFFFFFFF  }
0xb3: {  	s25 =	simm.s32 $0x1B8E;
	s24 =	sld [smem:$0x3FFE];
	[sflag:s4] =	ssyncadd.remote.s32 @!p0 $0x1  }
0xb4: {  	s26 =	simm.s32 $execute0_lowered;
	[smem:$0x3FD2] =	sst s25  }
0xb5: {  	s5 =	sshll.u32 s26, $0x1;
	_ =	strace $0x80000049;
	[dreg:$0x1] =	wrdreg $0xFFFFFFFF  }
0xb6: {  	s28 =	simm.s32 $_size_execute0_lowered;
	s3 =	sadd.s32 s3, s5;
	[dreg:$0x0] =	wrdreg $0x0  }
0xb7: {  	s5 =	sshll.u32 s28, $0x1;
	[dreg:$0x2] =	wrdreg s3  }
0xb8: {  	[dreg:$0x3] =	wrdreg s5  }
0xb9: {  	[dreg:$0x4] =	wrdreg $0xC0  }
0xba: {  	_ =	task [dreg:s22], $0x5FFFF  }
0xbb: {  	[dreg:$0x1] =	wrdreg $0xFFFFFFFF  }
0xbc: {  	[dreg:$0x0] =	wrdreg $0x60  }
0xbd: {  	[dreg:$0x2] =	wrdreg s24  }
0xbe: {  	[dreg:$0x3] =	wrdreg $0x9  }
0xbf: {  	_ =	task.clear_ibuf [dreg:s22], $0x4FFFF;
	_ =	strace $0x90000049  }
0xc0: {  	s29 =	simm.s32 $0x9;
	_ =	strace $0x8000004B  }
0xc1: {  	_ =	swait.ge [sflag:s29], $0x1  }
0xc2: {  	[sflag:s29] =	ssyncadd.s32 $0xFFFFFFFF  }
0xc3: {  	_ =	strace $0x9000004B  }
0xc4: {  	_ =	sfence  }
0xc5: {  	s30 =	sld [smem:$0x0];
	_ =	sdelay $0x2  }
0xc6: {  	s31 =	sshll.u32 s1, $0xD;
	s1 =	sshrl.u32 s1, $0x2  }
0xc7: {  	s4 =	sand.u32 $0x4000, s31;
	s1 =	sadd.s32 s1, s30  }
0xc8: {  	s0 =	sor.u32 s4, s0;
	s1 =	sshll.u32 s1, $0x11  }
0xc9: {  	s0 =	sor.u32 s1, s0  }
0xca: {  	s0 =	sadd.s32 $0x8F2B, s0  }
0xcb: {  	[sflag:s0] =	ssyncadd.remote.s32 $0x1  }
0xcc: {  	_ =	sfence.sel $0xFFFF  }
0xcd: {  	[dreg:$0x0] =	wrdreg $0xFFFFFFFF;
	(pc) =	sbr.abs _section_cstart, $3  }
0xce: {  	[dreg:$0x1] =	wrdreg $0xFFFFFFFF  }
0xcf: {  	_ =	task.clear_ibuf [dreg:s22], $0x2FFFF;
	_ =	strace $0x9FFFFFFF  }
0xd0: {  	(tm) =	ssettm $0x7FFFFFFF  }
0xd1: {  	_ =	shalt  }
tec
execute0_lowered:
.L_overlay_start_1:
0x0: {  	(tag) =	ssettag $0x1  }
0x1: {  	s1 =	srdreg.scid  }
0x2: {  	s0 =	stileid.u32;
	s24 =	sand.u32 $0x1, s1  }
0x3: {  	s30 =	sshll.u32 s0, $0xD;
	s2 =	sshll.u32 s24, $0xC  }
0x4: {  	s11 =	sor.u32 s2, s30  }
0x5: {  	s10 =	rddreg [dreg:$0x0];
	s2 =	simm.s32 $0x0;
	s3 =	sshrl.u32 s11, $0x3  }
0x6: {  	s4 =	simm.s32 $0x3;
	[smem:$0x7FF] =	sst s2;
	s3 =	sadd.s32 s3, s10  }
0x7: {  	s1 =	rddreg [dreg:$0x1];
	_ =	strace $0x8000004A;
	s3 =	sadd.s32 $0x116600, s3  }
0x8: {  	[tilespmem:s2], [sflag:$0x3] =	stream.linear.gather [hbm4b:s3+s2], $0x1000, $0x38;
	[tilespmem:$0x11000] =	vst v63  }
0x9: {  	_ =	swait.ge [sflag:s4], $0x1000  }
0xa: {  	s6 =	simm.s32 $0x200;
	[sflag:s4] =	ssyncset.done $0x0  }
0xb: {  	s7 =	simm.s32 $0x1000;
	s5 =	sadd.s32 $0x11A600, s10;
	[sflag:s4] =	ssyncadd.s32 $0xFFFFF000  }
0xc: {  	[tilespmem:s7], [sflag:$0x1] =	stream.indirect.gather [hbm4b:s5+s6], $0x40, s2, s6, $0xb8;
	[tilespmem:$0x11000] =	vst v63  }
0xd: {  	s8 =	simm.s32 $0x9000;
	s9 =	simm.s32 $0x1  }
0xe: {  	[tilespmem:s8], [sflag:$0x1] =	stream.indirect.gather [hbm4b:s5+s6], $0x40, s6, s6, $0xb8;
	[tilespmem:$0x11000] =	vst v63  }
0xf: {  	s11 =	sshll.u32 s11, $0x3;
	_ =	swait.ge [sflag:s9], $0x8000  }
0x10: {  	s25 =	sadd.s32 s11, s10;
	[sflag:s9] =	ssyncset.done $0x0  }
0x11: {  	s10 =	simm.s32 $0x2;
	s11 =	sadd.s32 $0x12A600, s25;
	[sflag:s9] =	ssyncadd.s32 $0xFFFF8000  }
0x12: {  	[hbm4b:s11+s2] =	stream.linear.scatter [tilespmem:s7], [sflag:$0x2], $0x8000, $0x38;
	[tilespmem:$0x11000] =	vst v63  }
0x13: {  	_ =	swait.ge [sflag:s10], $0x8000  }
0x14: {  	[sflag:s10] =	ssyncset.done $0x0  }
0x15: {  	s12 =	simm.s32 $0x400;
	[sflag:s10] =	ssyncadd.s32 $0xFFFF8000  }
0x16: {  	[tilespmem:s7], [sflag:$0x1] =	stream.indirect.gather [hbm4b:s5+s6], $0x40, s12, s6, $0xb8;
	[tilespmem:$0x11000] =	vst v63  }
0x17: {  	_ =	swait.ge [sflag:s9], $0x8000  }
0x18: {  	[sflag:s9] =	ssyncset.done $0x0  }
0x19: {  	s13 =	sadd.s32 $0x12B600, s25;
	[sflag:s9] =	ssyncadd.s32 $0xFFFF8000  }
0x1a: {  	[hbm4b:s13+s2] =	stream.linear.scatter [tilespmem:s8], [sflag:$0x2], $0x8000, $0x38;
	[tilespmem:$0x11000] =	vst v63  }
0x1b: {  	_ =	swait.ge [sflag:s10], $0x8000  }
0x1c: {  	[sflag:s10] =	ssyncset.done $0x0  }
0x1d: {  	s14 =	simm.s32 $0x600;
	[sflag:s10] =	ssyncadd.s32 $0xFFFF8000  }
0x1e: {  	[tilespmem:s8], [sflag:$0x1] =	stream.indirect.gather [hbm4b:s5+s6], $0x40, s14, s6, $0xb8;
	[tilespmem:$0x11000] =	vst v63  }
0x1f: {  	_ =	swait.ge [sflag:s9], $0x8000  }
0x20: {  	[sflag:s9] =	ssyncset.done $0x0  }
0x21: {  	s15 =	sadd.s32 $0x12C600, s25;
	[sflag:s9] =	ssyncadd.s32 $0xFFFF8000  }
0x22: {  	[hbm4b:s15+s2] =	stream.linear.scatter [tilespmem:s7], [sflag:$0x2], $0x8000, $0x38;
	[tilespmem:$0x11000] =	vst v63  }
0x23: {  	_ =	swait.ge [sflag:s10], $0x8000  }
0x24: {  	[sflag:s10] =	ssyncset.done $0x0  }
0x25: {  	s16 =	simm.s32 $0x800;
	[sflag:s10] =	ssyncadd.s32 $0xFFFF8000  }
0x26: {  	[tilespmem:s7], [sflag:$0x1] =	stream.indirect.gather [hbm4b:s5+s6], $0x40, s16, s6, $0xb8;
	[tilespmem:$0x11000] =	vst v63  }
0x27: {  	_ =	swait.ge [sflag:s9], $0x8000  }
0x28: {  	[sflag:s9] =	ssyncset.done $0x0  }
0x29: {  	s17 =	sadd.s32 $0x12D600, s25;
	[sflag:s9] =	ssyncadd.s32 $0xFFFF8000  }
0x2a: {  	[hbm4b:s17+s2] =	stream.linear.scatter [tilespmem:s8], [sflag:$0x2], $0x8000, $0x38;
	[tilespmem:$0x11000] =	vst v63  }
0x2b: {  	_ =	swait.ge [sflag:s10], $0x8000  }
0x2c: {  	[sflag:s10] =	ssyncset.done $0x0  }
0x2d: {  	s18 =	simm.s32 $0xA00;
	[sflag:s10] =	ssyncadd.s32 $0xFFFF8000  }
0x2e: {  	[tilespmem:s8], [sflag:$0x1] =	stream.indirect.gather [hbm4b:s5+s6], $0x40, s18, s6, $0xb8;
	[tilespmem:$0x11000] =	vst v63  }
0x2f: {  	_ =	swait.ge [sflag:s9], $0x8000  }
0x30: {  	[sflag:s9] =	ssyncset.done $0x0  }
0x31: {  	s19 =	sadd.s32 $0x12E600, s25;
	[sflag:s9] =	ssyncadd.s32 $0xFFFF8000  }
0x32: {  	[hbm4b:s19+s2] =	stream.linear.scatter [tilespmem:s7], [sflag:$0x2], $0x8000, $0x38;
	[tilespmem:$0x11000] =	vst v63  }
0x33: {  	_ =	swait.ge [sflag:s10], $0x8000  }
0x34: {  	[sflag:s10] =	ssyncset.done $0x0  }
0x35: {  	s20 =	simm.s32 $0xC00;
	[sflag:s10] =	ssyncadd.s32 $0xFFFF8000  }
0x36: {  	[tilespmem:s7], [sflag:$0x1] =	stream.indirect.gather [hbm4b:s5+s6], $0x40, s20, s6, $0xb8;
	[tilespmem:$0x11000] =	vst v63  }
0x37: {  	_ =	swait.ge [sflag:s9], $0x8000  }
0x38: {  	[sflag:s9] =	ssyncset.done $0x0  }
0x39: {  	s21 =	sadd.s32 $0x12F600, s25;
	[sflag:s9] =	ssyncadd.s32 $0xFFFF8000  }
0x3a: {  	[hbm4b:s21+s2] =	stream.linear.scatter [tilespmem:s8], [sflag:$0x2], $0x8000, $0x38;
	[tilespmem:$0x11000] =	vst v63  }
0x3b: {  	_ =	swait.ge [sflag:s10], $0x8000  }
0x3c: {  	[sflag:s10] =	ssyncset.done $0x0  }
0x3d: {  	s22 =	simm.s32 $0xE00;
	[sflag:s10] =	ssyncadd.s32 $0xFFFF8000  }
0x3e: {  	[tilespmem:s8], [sflag:$0x1] =	stream.indirect.gather [hbm4b:s5+s6], $0x40, s22, s6, $0xb8;
	[tilespmem:$0x11000] =	vst v63  }
0x3f: {  	_ =	swait.ge [sflag:s9], $0x8000  }
0x40: {  	s26 =	ssub.s32 $0x2, s24;
	[sflag:s9] =	ssyncset.done $0x0  }
0x41: {  	s31 =	sshrl.u32 s26, $0x1;
	s23 =	sadd.s32 $0x130600, s25;
	[sflag:s9] =	ssyncadd.s32 $0xFFFF8000  }
0x42: {  	[hbm4b:s23+s2] =	stream.linear.scatter [tilespmem:s7], [sflag:$0x2], $0x8000, $0x38;
	[tilespmem:$0x11000] =	vst v63  }
0x43: {  	s24 =	sadd.s32 $0x131600, s25;
	s25 =	ssub.s32 s26, s31;
	_ =	swait.ge [sflag:s9], $0x8000  }
0x44: {  	s25 =	smax.u32 s25, $0x1;
	[sflag:s9] =	ssyncset.done $0x0  }
0x45: {  	p0 =	sne.s32 s25, $0x1;
	[sflag:s9] =	ssyncadd.s32 $0xFFFF8000  }
0x46: {  	[hbm4b:s24+s2] =	stream.linear.scatter [tilespmem:s8], [sflag:$0x2], $0x8000, $0x38;
	[tilespmem:$0x11000] =	vst v63  }
.Ltmp0:
0x47: {  	_ =	swait.ge [sflag:s10], $0x8000;
	(pc) =	sbr.rel @!p0 .LBB2_2-.Ltmp0, $4  }
0x48: {  	[sflag:s10] =	ssyncset.done $0x0  }
0x49: {  	[sflag:s10] =	ssyncadd.s32 $0xFFFF8000  }
0x4a: {  	_ =	swait.ge [sflag:s10], $0x8000  }
0x4b: {  	s25 =	sadd.s32 $0xFFFFFFFF, s25;
	[sflag:s10] =	ssyncset.done $0x0  }
.LBB2_1:
0x4c: {  	p0 =	sne.s32 s25, $0x1;
	s25 =	sadd.s32 $0xFFFFFFFF, s25;
	[sflag:s10] =	ssyncadd.s32 $0xFFFF8000  }
0x4d: {  	[tilespmem:s2], [sflag:$0x3] =	stream.linear.gather [hbm4b:s3+s2], $0x1000, $0x38;
	[tilespmem:$0x11000] =	vst v63  }
0x4e: {  	_ =	swait.ge [sflag:s4], $0x1000  }
0x4f: {  	[sflag:s4] =	ssyncset.done $0x0  }
0x50: {  	[sflag:s4] =	ssyncadd.s32 $0xFFFFF000  }
0x51: {  	[tilespmem:s7], [sflag:$0x1] =	stream.indirect.gather [hbm4b:s5+s6], $0x40, s2, s6, $0xb8;
	[tilespmem:$0x11000] =	vst v63  }
0x52: {  	_ = 	snop  }
0x53: {  	[tilespmem:s8], [sflag:$0x1] =	stream.indirect.gather [hbm4b:s5+s6], $0x40, s6, s6, $0xb8;
	[tilespmem:$0x11000] =	vst v63  }
0x54: {  	_ =	swait.ge [sflag:s9], $0x8000  }
0x55: {  	[sflag:s9] =	ssyncset.done $0x0  }
0x56: {  	[sflag:s9] =	ssyncadd.s32 $0xFFFF8000  }
0x57: {  	[hbm4b:s11+s2] =	stream.linear.scatter [tilespmem:s7], [sflag:$0x2], $0x8000, $0x38;
	[tilespmem:$0x11000] =	vst v63  }
0x58: {  	_ =	swait.ge [sflag:s10], $0x8000  }
0x59: {  	[sflag:s10] =	ssyncset.done $0x0  }
0x5a: {  	[sflag:s10] =	ssyncadd.s32 $0xFFFF8000  }
0x5b: {  	[tilespmem:s7], [sflag:$0x1] =	stream.indirect.gather [hbm4b:s5+s6], $0x40, s12, s6, $0xb8;
	[tilespmem:$0x11000] =	vst v63  }
0x5c: {  	_ =	swait.ge [sflag:s9], $0x8000  }
0x5d: {  	[sflag:s9] =	ssyncset.done $0x0  }
0x5e: {  	[sflag:s9] =	ssyncadd.s32 $0xFFFF8000  }
0x5f: {  	[hbm4b:s13+s2] =	stream.linear.scatter [tilespmem:s8], [sflag:$0x2], $0x8000, $0x38;
	[tilespmem:$0x11000] =	vst v63  }
0x60: {  	_ =	swait.ge [sflag:s10], $0x8000  }
0x61: {  	[sflag:s10] =	ssyncset.done $0x0  }
0x62: {  	[sflag:s10] =	ssyncadd.s32 $0xFFFF8000  }
0x63: {  	[tilespmem:s8], [sflag:$0x1] =	stream.indirect.gather [hbm4b:s5+s6], $0x40, s14, s6, $0xb8;
	[tilespmem:$0x11000] =	vst v63  }
0x64: {  	_ =	swait.ge [sflag:s9], $0x8000  }
0x65: {  	[sflag:s9] =	ssyncset.done $0x0  }
0x66: {  	[sflag:s9] =	ssyncadd.s32 $0xFFFF8000  }
0x67: {  	[hbm4b:s15+s2] =	stream.linear.scatter [tilespmem:s7], [sflag:$0x2], $0x8000, $0x38;
	[tilespmem:$0x11000] =	vst v63  }
0x68: {  	_ =	swait.ge [sflag:s10], $0x8000  }
0x69: {  	[sflag:s10] =	ssyncset.done $0x0  }
0x6a: {  	[sflag:s10] =	ssyncadd.s32 $0xFFFF8000  }
0x6b: {  	[tilespmem:s7], [sflag:$0x1] =	stream.indirect.gather [hbm4b:s5+s6], $0x40, s16, s6, $0xb8;
	[tilespmem:$0x11000] =	vst v63  }
0x6c: {  	_ =	swait.ge [sflag:s9], $0x8000  }
0x6d: {  	[sflag:s9] =	ssyncset.done $0x0  }
0x6e: {  	[sflag:s9] =	ssyncadd.s32 $0xFFFF8000  }
0x6f: {  	[hbm4b:s17+s2] =	stream.linear.scatter [tilespmem:s8], [sflag:$0x2], $0x8000, $0x38;
	[tilespmem:$0x11000] =	vst v63  }
0x70: {  	_ =	swait.ge [sflag:s10], $0x8000  }
0x71: {  	[sflag:s10] =	ssyncset.done $0x0  }
0x72: {  	[sflag:s10] =	ssyncadd.s32 $0xFFFF8000  }
0x73: {  	[tilespmem:s8], [sflag:$0x1] =	stream.indirect.gather [hbm4b:s5+s6], $0x40, s18, s6, $0xb8;
	[tilespmem:$0x11000] =	vst v63  }
0x74: {  	_ =	swait.ge [sflag:s9], $0x8000  }
0x75: {  	[sflag:s9] =	ssyncset.done $0x0  }
0x76: {  	[sflag:s9] =	ssyncadd.s32 $0xFFFF8000  }
0x77: {  	[hbm4b:s19+s2] =	stream.linear.scatter [tilespmem:s7], [sflag:$0x2], $0x8000, $0x38;
	[tilespmem:$0x11000] =	vst v63  }
0x78: {  	_ =	swait.ge [sflag:s10], $0x8000  }
0x79: {  	[sflag:s10] =	ssyncset.done $0x0  }
0x7a: {  	[sflag:s10] =	ssyncadd.s32 $0xFFFF8000  }
0x7b: {  	[tilespmem:s7], [sflag:$0x1] =	stream.indirect.gather [hbm4b:s5+s6], $0x40, s20, s6, $0xb8;
	[tilespmem:$0x11000] =	vst v63  }
0x7c: {  	_ =	swait.ge [sflag:s9], $0x8000  }
0x7d: {  	[sflag:s9] =	ssyncset.done $0x0  }
0x7e: {  	[sflag:s9] =	ssyncadd.s32 $0xFFFF8000  }
0x7f: {  	[hbm4b:s21+s2] =	stream.linear.scatter [tilespmem:s8], [sflag:$0x2], $0x8000, $0x38;
	[tilespmem:$0x11000] =	vst v63  }
0x80: {  	_ =	swait.ge [sflag:s10], $0x8000  }
0x81: {  	[sflag:s10] =	ssyncset.done $0x0  }
0x82: {  	[sflag:s10] =	ssyncadd.s32 $0xFFFF8000  }
0x83: {  	[tilespmem:s8], [sflag:$0x1] =	stream.indirect.gather [hbm4b:s5+s6], $0x40, s22, s6, $0xb8;
	[tilespmem:$0x11000] =	vst v63  }
0x84: {  	_ =	swait.ge [sflag:s9], $0x8000  }
0x85: {  	[sflag:s9] =	ssyncset.done $0x0  }
0x86: {  	[sflag:s9] =	ssyncadd.s32 $0xFFFF8000  }
0x87: {  	[hbm4b:s23+s2] =	stream.linear.scatter [tilespmem:s7], [sflag:$0x2], $0x8000, $0x38;
	[tilespmem:$0x11000] =	vst v63  }
0x88: {  	_ =	swait.ge [sflag:s9], $0x8000  }
0x89: {  	[sflag:s9] =	ssyncset.done $0x0  }
0x8a: {  	[sflag:s9] =	ssyncadd.s32 $0xFFFF8000  }
0x8b: {  	[hbm4b:s24+s2] =	stream.linear.scatter [tilespmem:s8], [sflag:$0x2], $0x8000, $0x38;
	[tilespmem:$0x11000] =	vst v63  }
.Ltmp1:
0x8c: {  	_ =	swait.ge [sflag:s10], $0x8000;
	(pc) =	sbr.rel @p0 .LBB2_1-.Ltmp1, $4  }
0x8d: {  	[sflag:s10] =	ssyncset.done $0x0  }
0x8e: {  	[sflag:s10] =	ssyncadd.s32 $0xFFFF8000  }
0x8f: {  	_ =	swait.ge [sflag:s10], $0x8000  }
0x90: {  	[sflag:s10] =	ssyncset.done $0x0  }
.LBB2_2:
0x91: {  	[sflag:s10] =	ssyncadd.s32 $0xFFFF8000  }
0x92: {  	_ =	sfence.sel $0x180000  }
0x93: {  	[bflag:$0x0] =	sbarrier.arrive $0xFFFF  }
0x94: {  	p0 =	sne.s32 s0, $0x0;
	_ =	strace $0x9000004A  }
0x95: {  	s0 =	sadd.s32 @!p0 $0x100000, s1;
	[bflag:$0x2] =	sbarrier.arrive $0xFFFF  }
0x96: {  	[sflag:s0] =	ssyncadd.tile.s32 @!p0 $0x1;
	_ =	shalt  }
.Lfunc_end2:
_tile_overlayer_lowered:
.L_overlay_start_2:
0x97: {  	(tag) =	ssettag $0x2  }
0x98: {  	s0 =	rddreg [dreg:$0x0];
	s2 =	stileid.u32  }
0x99: {  	s1 =	rddreg [dreg:$0x1];
	p0 =	sne.s32 s2, $0x0  }
0x9a: {  	s3 =	rddreg [dreg:$0x2];
	[bflag:$0x3] =	sbarrier.arrive $0xFFFF;
	s2 =	simm.s32 @!p0 $0x1C03  }
0x9b: {  	[timem:s3], [sflag:s2] =	dma.local @!p0 [hbm:s0], s1  }
0x9c: {  	s0 =	simm.s32 @!p0 $0x3  }
0x9d: {  	_ =	swait.ge @!p0 [sflag:s0], s1  }
0x9e: {  	s1 =	ssub.s32 @!p0 $0x0, s1;
	[sflag:s0] =	ssyncset.done @!p0 $0x0  }
0x9f: {  	[sflag:s0] =	ssyncadd.s32 @!p0 s1  }
0xa0: {  	[bflag:$0x3] =	sbarrier.arrive $0xFFFF  }
0xa1: {  	_ =	shalt  }

// kernel: kernel.13.cloned.1.call-start
scs
__scs_entry_jumppad:
0x0: {  	(pc) =	sbr.rel $0x88, $3  }
0x1: {  	(tag) =	ssettag $0x0;
	lr =	simm.s32 $0x1  }
0x2: {  	[smem:$0x3F9C] =	sst lr;
	_ =	strace $0xD0000000  }
0x3: {  	_ = 	snop  }
0x4: {  	_ = 	snop  }
0x5: {  	_ = 	snop  }
0x6: {  	_ = 	snop  }
0x7: {  	_ = 	snop  }
__scs_overlays_trampoline_lowered:
0x8: {  	[smem:$0x3FAB] =	sst s0  }
0x9: {  	[smem:$0x3FAC] =	sst s1  }
0xa: {  	[smem:$0x3FAD] =	sst s2  }
0xb: {  	[smem:$0x3FAE] =	sst s3  }
0xc: {  	[smem:$0x3FAF] =	sst s4  }
0xd: {  	[smem:$0x3FB0] =	sst s5  }
0xe: {  	[smem:$0x3FB1] =	sst s6  }
0xf: {  	[smem:$0x3FB2] =	sst s7  }
0x10: {  	[smem:$0x3FB3] =	sst s8  }
0x11: {  	[smem:$0x3FB4] =	sst s9;
	s0 =	simm.s32 @!p0 $0x0  }
0x12: {  	s1 =	sld [smem:$0x3F9A];
	s0 =	simm.s32 @p0 $0x1  }
0x13: {  	[smem:$0x3FB5] =	sst s0;
	s0 =	simm.s32 @!p1 $0x0  }
0x14: {  	s2 =	sld [smem:$0x3F99];
	s0 =	simm.s32 @p1 $0x1  }
0x15: {  	[smem:$0x3FB6] =	sst s0;
	s0 =	simm.s32 @!p2 $0x0  }
0x16: {  	s3 =	sld [smem:$0x3FDB];
	s0 =	simm.s32 @p2 $0x1  }
0x17: {  	s4 =	simm.s32 $0x1BF5;
	[smem:$0x3FB8] =	sst s0  }
0x18: {  	s0 =	sld [smem:$0x3F9B];
	_ =	swait.ge [sflag:s4], $0x0  }
0x19: {  	s7 =	sld [smem:$0x3F9C]  }
0x1a: {  	s8 =	sadd.s32 $0xFFFFE003, lr  }
0x1b: {  	s9 =	sadd.s32 $0xFFFFFEF7, lr;
	s5 =	simm.s32 $0xFFFFFFFF;
	p2 =	slt.u32 s8, $0xFFFFF086  }
0x1c: {  	p1 =	slt.u32 s9, $0xF7A;
	s5 =	simm.s32 @!p2 $0x0  }
0x1d: {  	s5 =	simm.s32 @p1 $0x1;
	p0 =	seq.s32 s7, s2  }
0x1e: {  	s7 =	smul.u32 @!p0 $0xF7A, s2;
	p2 =	seq.s32 @!p0 s5, $0x0  }
0x1f: {  	s9 =	smul.u32 $0xF7A, s1;
	s8 =	simm.s32 @!p0 $0x1BF5;
	p2 =	por !p2, p0  }
0x20: {  	[sflag:s8] =	ssyncset.s32 @!p0 $0xFFFFF086;
	s6 =	sadd.s32 @!p0 s3, s7;
	s7 =	simm.s32 @!p0 $0x108  }
0x21: {  	s3 =	sadd.s32 s3, s9;
	s6 =	sadd.s32 @!p0 $0x88, s6;
	s7 =	simm.s32 @p2 $0x1082  }
0x22: {  	[simem:s7], [sflag:s8] =	dma.local @!p0 [hbm:s6], $0xF7A  }
0x23: {  	s9 =	sor.u32 $0xD0000000, s2;
	s6 =	simm.s32 $0x108;
	_ =	swait.ge @!p0 [sflag:s8], $0x0  }
0x24: {  	s3 =	sadd.s32 $0x88, s3;
	s6 =	simm.s32 @!p1 $0x1082;
	[sflag:s4] =	ssyncset.s32 $0xFFFFF086  }
0x25: {  	[simem:s6], [sflag:s4] =	dma.local [hbm:s3], $0xF7A  }
0x26: {  	[smem:$0x3F9C] =	sst s1;
	(tag) =	ssettag s2;
	_ =	strace s9  }
0x27: {  	s1 =	sld [smem:$0x3FAC]  }
0x28: {  	s2 =	sld [smem:$0x3FAD]  }
0x29: {  	s4 =	sld [smem:$0x3FAF]  }
0x2a: {  	p0 =	seq.s32 s5, $0x0;
	s5 =	sld [smem:$0x3FB0]  }
0x2b: {  	s6 =	sld [smem:$0x3FB1]  }
0x2c: {  	s7 =	sld [smem:$0x3FB2]  }
0x2d: {  	s3 =	simm.s32 $0x108;
	s8 =	sld [smem:$0x3FB3]  }
0x2e: {  	s3 =	simm.s32 @!p0 $0x1082;
	s9 =	sld [smem:$0x3FB4]  }
0x2f: {  	lr =	sadd.s32 s0, s3;
	s0 =	sld [smem:$0x3FAB]  }
0x30: {  	s3 =	sld [smem:$0x3FAE]  }
0x31: {  	[smem:$0x3FB7] =	sst s10  }
0x32: {  	s10 =	sld [smem:$0x3FB5];
	_ =	sdelay $0x3  }
0x33: {  	p0 =	seq.s32 s10, $0x1;
	s10 =	sld [smem:$0x3FB7];
	_ =	sdelay $0x3  }
0x34: {  	[smem:$0x3FB7] =	sst s10  }
0x35: {  	s10 =	sld [smem:$0x3FB6];
	_ =	sdelay $0x3  }
0x36: {  	p1 =	seq.s32 s10, $0x1;
	s10 =	sld [smem:$0x3FB7];
	_ =	sdelay $0x3  }
0x37: {  	[smem:$0x3FB7] =	sst s10  }
0x38: {  	s10 =	sld [smem:$0x3FB8]  }
0x39: {  	_ = 	snop;
	(pc) =	sbr.ind lr, $3  }
0x3a: {  	_ = 	snop  }
0x3b: {  	_ = 	snop  }
0x3c: {  	p2 =	seq.s32 s10, $0x1;
	s10 =	sld [smem:$0x3FB7]  }
0x3d: {  	_ =	shalt  }
0x3e: {  	_ =	shalt  }
0x3f: {  	_ =	shalt  }
0x40: {  	_ =	shalt  }
0x41: {  	_ =	shalt  }
0x42: {  	_ =	shalt  }
0x43: {  	_ =	shalt  }
0x44: {  	_ =	shalt  }
0x45: {  	_ =	shalt  }
0x46: {  	_ =	shalt  }
0x47: {  	_ =	shalt  }
0x48: {  	_ =	shalt  }
0x49: {  	_ =	shalt  }
0x4a: {  	_ =	shalt  }
0x4b: {  	_ =	shalt  }
0x4c: {  	_ =	shalt  }
0x4d: {  	_ =	shalt  }
0x4e: {  	_ =	shalt  }
0x4f: {  	_ =	shalt  }
0x50: {  	_ =	shalt  }
0x51: {  	_ =	shalt  }
0x52: {  	_ =	shalt  }
0x53: {  	_ =	shalt  }
0x54: {  	_ =	shalt  }
0x55: {  	_ =	shalt  }
0x56: {  	_ =	shalt  }
0x57: {  	_ =	shalt  }
0x58: {  	_ =	shalt  }
0x59: {  	_ =	shalt  }
0x5a: {  	_ =	shalt  }
0x5b: {  	_ =	shalt  }
0x5c: {  	_ =	shalt  }
0x5d: {  	_ =	shalt  }
0x5e: {  	_ =	shalt  }
0x5f: {  	_ =	shalt  }
0x60: {  	_ =	shalt  }
0x61: {  	_ =	shalt  }
0x62: {  	_ =	shalt  }
0x63: {  	_ =	shalt  }
0x64: {  	_ =	shalt  }
0x65: {  	_ =	shalt  }
0x66: {  	_ =	shalt  }
0x67: {  	_ =	shalt  }
0x68: {  	_ =	shalt  }
0x69: {  	_ =	shalt  }
0x6a: {  	_ =	shalt  }
0x6b: {  	_ =	shalt  }
0x6c: {  	_ =	shalt  }
0x6d: {  	_ =	shalt  }
0x6e: {  	_ =	shalt  }
0x6f: {  	_ =	shalt  }
0x70: {  	_ =	shalt  }
0x71: {  	_ =	shalt  }
0x72: {  	_ =	shalt  }
0x73: {  	_ =	shalt  }
0x74: {  	_ =	shalt  }
0x75: {  	_ =	shalt  }
0x76: {  	_ =	shalt  }
0x77: {  	_ =	shalt  }
0x78: {  	_ =	shalt  }
0x79: {  	_ =	shalt  }
0x7a: {  	_ =	shalt  }
0x7b: {  	_ =	shalt  }
0x7c: {  	_ =	shalt  }
0x7d: {  	_ =	shalt  }
0x7e: {  	_ =	shalt  }
0x7f: {  	_ =	shalt  }
0x80: {  	_ =	shalt  }
0x81: {  	_ =	shalt  }
0x82: {  	_ =	shalt  }
0x83: {  	_ =	shalt  }
0x84: {  	_ =	shalt  }
0x85: {  	_ =	shalt  }
0x86: {  	_ =	shalt  }
0x87: {  	_ =	shalt  }
.Lfunc_end0:
.L_simem_size_0:
called_computation.1_lowered:
.L_overlay_start_0:
0x88: {  	s2 =	sld [smem:$0x3FD9]  }
0x89: {  	s3 =	sld [smem:$0x3FFE];
	_ =	sdelay $0x1  }
0x8a: {  	s1 =	srdreg.scid  }
0x8b: {  	s0 =	sand.u32 $0x1, s1  }
0x8c: {  	s16 =	sshll.u32 s0, $0xA;
	s2 =	sadd.s32 s3, s2  }
0x8d: {  	s2 =	sadd.s32 s2, s16  }
0x8e: {  	[smem:$0x3FC3] =	sst s2  }
0x8f: {  	_ = 	snop  }
0x90: {  	(tm) =	ssettm $0x1  }
0x91: {  	s17 =	sld [smem:$0x3FFB];
	_ =	sdelay $0x3  }
0x92: {  	_ =	strace s17  }
0x93: {  	s2 =	sld [smem:$0x3FFC];
	_ =	sdelay $0x3  }
0x94: {  	_ =	strace s2  }
0x95: {  	s2 =	sld [smem:$0x3FFD];
	_ =	sdelay $0x3  }
0x96: {  	_ =	strace s2  }
0x97: {  	_ =	strace $0x8FFFFFFF  }
0x98: {  	s18 =	sld [smem:$0x3FDB];
	_ =	sdelay $0x1  }
0x99: {  	s19 =	simm.s32 $_scs_section_size  }
0x9a: {  	s4 =	simm.s32 $_size__tile_overlayer_lowered;
	s5 =	simm.s32 $_tile_overlayer_lowered  }
0x9b: {  	s22 =	simm.s32 $0x1BFF;
	s21 =	sshll.u32 s5, $0x1;
	s2 =	sadd.s32 s19, s18  }
0x9c: {  	s6 =	simm.s32 $0x0;
	s20 =	sshll.u32 s4, $0x1;
	s4 =	sadd.s32 s21, s2  }
0x9d: {  	[timem:s6], [sflag:s22] =	dma.local [hbm:s4], s20  }
0x9e: {  	_ =	swait.ge [sflag:s22], s20  }
0x9f: {  	s3 =	ssub.s32 $0x0, s20;
	[sflag:s22] =	ssyncset.done $0x0  }
0xa0: {  	[sflag:s22] =	ssyncadd.s32 s3;
	_ =	sdelay $0x1  }
0xa1: {  	s23 =	simm.s32 $0x1B8B  }
0xa2: {  	_ =	swait.ge [sflag:s23], $0x1  }
0xa3: {  	[sflag:s23] =	ssyncset.done $0x0  }
0xa4: {  	s25 =	simm.s32 $0x1B8E;
	s24 =	sld [smem:$0x3FFE];
	[sflag:s23] =	ssyncadd.s32 $0xFFFFFFFF  }
0xa5: {  	s26 =	simm.s32 $execute0_lowered;
	[smem:$0x3FD2] =	sst s25  }
0xa6: {  	s4 =	sshll.u32 s26, $0x1;
	_ =	strace $0x80000046;
	[dreg:$0x1] =	wrdreg $0xFFFFFFFF  }
0xa7: {  	s28 =	simm.s32 $_size_execute0_lowered;
	s2 =	sadd.s32 s2, s4;
	[dreg:$0x0] =	wrdreg $0x0  }
0xa8: {  	s4 =	sshll.u32 s28, $0x1;
	[dreg:$0x2] =	wrdreg s2  }
0xa9: {  	[dreg:$0x3] =	wrdreg s4  }
0xaa: {  	[dreg:$0x4] =	wrdreg $0xC0  }
0xab: {  	_ =	task [dreg:s6], $0x5FFFF  }
0xac: {  	[dreg:$0x1] =	wrdreg $0xFFFFFFFF  }
0xad: {  	[dreg:$0x0] =	wrdreg $0x60  }
0xae: {  	[dreg:$0x2] =	wrdreg s24  }
0xaf: {  	[dreg:$0x3] =	wrdreg $0xA  }
0xb0: {  	_ =	task.clear_ibuf [dreg:s6], $0x4FFFF;
	_ =	strace $0x90000046  }
0xb1: {  	s29 =	simm.s32 $0xA;
	_ =	strace $0x80000048  }
0xb2: {  	_ =	swait.ge [sflag:s29], $0x1  }
0xb3: {  	[sflag:s29] =	ssyncadd.s32 $0xFFFFFFFF  }
0xb4: {  	_ =	strace $0x90000048  }
0xb5: {  	_ =	sfence  }
0xb6: {  	s30 =	sld [smem:$0x0];
	_ =	sdelay $0x2  }
0xb7: {  	s31 =	sshll.u32 s1, $0xD;
	s1 =	sshrl.u32 s1, $0x2  }
0xb8: {  	s3 =	sand.u32 $0x4000, s31;
	s1 =	sadd.s32 s1, s30  }
0xb9: {  	s0 =	sor.u32 s3, s0;
	s1 =	sshll.u32 s1, $0x11  }
0xba: {  	s0 =	sor.u32 s1, s0  }
0xbb: {  	s0 =	sadd.s32 $0x8F2B, s0  }
0xbc: {  	[sflag:s0] =	ssyncadd.remote.s32 $0x1  }
0xbd: {  	_ =	sfence.sel $0xFFFF  }
0xbe: {  	[dreg:$0x0] =	wrdreg $0xFFFFFFFF;
	(pc) =	sbr.abs _section_cstart, $3  }
0xbf: {  	[dreg:$0x1] =	wrdreg $0xFFFFFFFF  }
0xc0: {  	_ =	task.clear_ibuf [dreg:s6], $0x2FFFF;
	_ =	strace $0x9FFFFFFF  }
0xc1: {  	(tm) =	ssettm $0x7FFFFFFF  }
tec
execute0_lowered:
.L_overlay_start_1:
0x0: {  	(tag) =	ssettag $0x1  }
0x1: {  	s1 =	srdreg.scid  }
0x2: {  	s0 =	stileid.u32;
	s24 =	sand.u32 $0x1, s1  }
0x3: {  	s30 =	sshll.u32 s0, $0xD;
	s2 =	sshll.u32 s24, $0xC  }
0x4: {  	s11 =	sor.u32 s2, s30  }
0x5: {  	s10 =	rddreg [dreg:$0x0];
	s2 =	simm.s32 $0x0;
	s3 =	sshrl.u32 s11, $0x3  }
0x6: {  	s4 =	simm.s32 $0x3;
	[smem:$0x7FF] =	sst s2;
	s3 =	sadd.s32 s3, s10  }
0x7: {  	s1 =	rddreg [dreg:$0x1];
	_ =	strace $0x80000047;
	s3 =	sadd.s32 $0x2600, s3  }
0x8: {  	[tilespmem:s2], [sflag:$0x3] =	stream.linear.gather [hbm4b:s3+s2], $0x1000, $0x38;
	[tilespmem:$0x11000] =	vst v63  }
0x9: {  	_ =	swait.ge [sflag:s4], $0x1000  }
0xa: {  	s6 =	simm.s32 $0x200;
	[sflag:s4] =	ssyncset.done $0x0  }
0xb: {  	s7 =	simm.s32 $0x1000;
	s5 =	sadd.s32 $0x6600, s10;
	[sflag:s4] =	ssyncadd.s32 $0xFFFFF000  }
0xc: {  	[tilespmem:s7], [sflag:$0x1] =	stream.indirect.gather [hbm4b:s5+s6], $0x40, s2, s6, $0xb8;
	[tilespmem:$0x11000] =	vst v63  }
0xd: {  	s8 =	simm.s32 $0x9000;
	s9 =	simm.s32 $0x1  }
0xe: {  	[tilespmem:s8], [sflag:$0x1] =	stream.indirect.gather [hbm4b:s5+s6], $0x40, s6, s6, $0xb8;
	[tilespmem:$0x11000] =	vst v63  }
0xf: {  	s11 =	sshll.u32 s11, $0x3;
	_ =	swait.ge [sflag:s9], $0x8000  }
0x10: {  	s25 =	sadd.s32 s11, s10;
	[sflag:s9] =	ssyncset.done $0x0  }
0x11: {  	s10 =	simm.s32 $0x2;
	s11 =	sadd.s32 $0x16600, s25;
	[sflag:s9] =	ssyncadd.s32 $0xFFFF8000  }
0x12: {  	[hbm4b:s11+s2] =	stream.linear.scatter [tilespmem:s7], [sflag:$0x2], $0x8000, $0x38;
	[tilespmem:$0x11000] =	vst v63  }
0x13: {  	_ =	swait.ge [sflag:s10], $0x8000  }
0x14: {  	[sflag:s10] =	ssyncset.done $0x0  }
0x15: {  	s12 =	simm.s32 $0x400;
	[sflag:s10] =	ssyncadd.s32 $0xFFFF8000  }
0x16: {  	[tilespmem:s7], [sflag:$0x1] =	stream.indirect.gather [hbm4b:s5+s6], $0x40, s12, s6, $0xb8;
	[tilespmem:$0x11000] =	vst v63  }
0x17: {  	_ =	swait.ge [sflag:s9], $0x8000  }
0x18: {  	[sflag:s9] =	ssyncset.done $0x0  }
0x19: {  	s13 =	sadd.s32 $0x17600, s25;
	[sflag:s9] =	ssyncadd.s32 $0xFFFF8000  }
0x1a: {  	[hbm4b:s13+s2] =	stream.linear.scatter [tilespmem:s8], [sflag:$0x2], $0x8000, $0x38;
	[tilespmem:$0x11000] =	vst v63  }
0x1b: {  	_ =	swait.ge [sflag:s10], $0x8000  }
0x1c: {  	[sflag:s10] =	ssyncset.done $0x0  }
0x1d: {  	s14 =	simm.s32 $0x600;
	[sflag:s10] =	ssyncadd.s32 $0xFFFF8000  }
0x1e: {  	[tilespmem:s8], [sflag:$0x1] =	stream.indirect.gather [hbm4b:s5+s6], $0x40, s14, s6, $0xb8;
	[tilespmem:$0x11000] =	vst v63  }
0x1f: {  	_ =	swait.ge [sflag:s9], $0x8000  }
0x20: {  	[sflag:s9] =	ssyncset.done $0x0  }
0x21: {  	s15 =	sadd.s32 $0x18600, s25;
	[sflag:s9] =	ssyncadd.s32 $0xFFFF8000  }
0x22: {  	[hbm4b:s15+s2] =	stream.linear.scatter [tilespmem:s7], [sflag:$0x2], $0x8000, $0x38;
	[tilespmem:$0x11000] =	vst v63  }
0x23: {  	_ =	swait.ge [sflag:s10], $0x8000  }
0x24: {  	[sflag:s10] =	ssyncset.done $0x0  }
0x25: {  	s16 =	simm.s32 $0x800;
	[sflag:s10] =	ssyncadd.s32 $0xFFFF8000  }
0x26: {  	[tilespmem:s7], [sflag:$0x1] =	stream.indirect.gather [hbm4b:s5+s6], $0x40, s16, s6, $0xb8;
	[tilespmem:$0x11000] =	vst v63  }
0x27: {  	_ =	swait.ge [sflag:s9], $0x8000  }
0x28: {  	[sflag:s9] =	ssyncset.done $0x0  }
0x29: {  	s17 =	sadd.s32 $0x19600, s25;
	[sflag:s9] =	ssyncadd.s32 $0xFFFF8000  }
0x2a: {  	[hbm4b:s17+s2] =	stream.linear.scatter [tilespmem:s8], [sflag:$0x2], $0x8000, $0x38;
	[tilespmem:$0x11000] =	vst v63  }
0x2b: {  	_ =	swait.ge [sflag:s10], $0x8000  }
0x2c: {  	[sflag:s10] =	ssyncset.done $0x0  }
0x2d: {  	s18 =	simm.s32 $0xA00;
	[sflag:s10] =	ssyncadd.s32 $0xFFFF8000  }
0x2e: {  	[tilespmem:s8], [sflag:$0x1] =	stream.indirect.gather [hbm4b:s5+s6], $0x40, s18, s6, $0xb8;
	[tilespmem:$0x11000] =	vst v63  }
0x2f: {  	_ =	swait.ge [sflag:s9], $0x8000  }
0x30: {  	[sflag:s9] =	ssyncset.done $0x0  }
0x31: {  	s19 =	sadd.s32 $0x1A600, s25;
	[sflag:s9] =	ssyncadd.s32 $0xFFFF8000  }
0x32: {  	[hbm4b:s19+s2] =	stream.linear.scatter [tilespmem:s7], [sflag:$0x2], $0x8000, $0x38;
	[tilespmem:$0x11000] =	vst v63  }
0x33: {  	_ =	swait.ge [sflag:s10], $0x8000  }
0x34: {  	[sflag:s10] =	ssyncset.done $0x0  }
0x35: {  	s20 =	simm.s32 $0xC00;
	[sflag:s10] =	ssyncadd.s32 $0xFFFF8000  }
0x36: {  	[tilespmem:s7], [sflag:$0x1] =	stream.indirect.gather [hbm4b:s5+s6], $0x40, s20, s6, $0xb8;
	[tilespmem:$0x11000] =	vst v63  }
0x37: {  	_ =	swait.ge [sflag:s9], $0x8000  }
0x38: {  	[sflag:s9] =	ssyncset.done $0x0  }
0x39: {  	s21 =	sadd.s32 $0x1B600, s25;
	[sflag:s9] =	ssyncadd.s32 $0xFFFF8000  }
0x3a: {  	[hbm4b:s21+s2] =	stream.linear.scatter [tilespmem:s8], [sflag:$0x2], $0x8000, $0x38;
	[tilespmem:$0x11000] =	vst v63  }
0x3b: {  	_ =	swait.ge [sflag:s10], $0x8000  }
0x3c: {  	[sflag:s10] =	ssyncset.done $0x0  }
0x3d: {  	s22 =	simm.s32 $0xE00;
	[sflag:s10] =	ssyncadd.s32 $0xFFFF8000  }
0x3e: {  	[tilespmem:s8], [sflag:$0x1] =	stream.indirect.gather [hbm4b:s5+s6], $0x40, s22, s6, $0xb8;
	[tilespmem:$0x11000] =	vst v63  }
0x3f: {  	_ =	swait.ge [sflag:s9], $0x8000  }
0x40: {  	s26 =	ssub.s32 $0x2, s24;
	[sflag:s9] =	ssyncset.done $0x0  }
0x41: {  	s31 =	sshrl.u32 s26, $0x1;
	s23 =	sadd.s32 $0x1C600, s25;
	[sflag:s9] =	ssyncadd.s32 $0xFFFF8000  }
0x42: {  	[hbm4b:s23+s2] =	stream.linear.scatter [tilespmem:s7], [sflag:$0x2], $0x8000, $0x38;
	[tilespmem:$0x11000] =	vst v63  }
0x43: {  	s24 =	sadd.s32 $0x1D600, s25;
	s25 =	ssub.s32 s26, s31;
	_ =	swait.ge [sflag:s9], $0x8000  }
0x44: {  	s25 =	smax.u32 s25, $0x1;
	[sflag:s9] =	ssyncset.done $0x0  }
0x45: {  	p0 =	sne.s32 s25, $0x1;
	[sflag:s9] =	ssyncadd.s32 $0xFFFF8000  }
0x46: {  	[hbm4b:s24+s2] =	stream.linear.scatter [tilespmem:s8], [sflag:$0x2], $0x8000, $0x38;
	[tilespmem:$0x11000] =	vst v63  }
.Ltmp0:
0x47: {  	_ =	swait.ge [sflag:s10], $0x8000;
	(pc) =	sbr.rel @!p0 .LBB2_2-.Ltmp0, $4  }
0x48: {  	[sflag:s10] =	ssyncset.done $0x0  }
0x49: {  	[sflag:s10] =	ssyncadd.s32 $0xFFFF8000  }
0x4a: {  	_ =	swait.ge [sflag:s10], $0x8000  }
0x4b: {  	s25 =	sadd.s32 $0xFFFFFFFF, s25;
	[sflag:s10] =	ssyncset.done $0x0  }
.LBB2_1:
0x4c: {  	p0 =	sne.s32 s25, $0x1;
	s25 =	sadd.s32 $0xFFFFFFFF, s25;
	[sflag:s10] =	ssyncadd.s32 $0xFFFF8000  }
0x4d: {  	[tilespmem:s2], [sflag:$0x3] =	stream.linear.gather [hbm4b:s3+s2], $0x1000, $0x38;
	[tilespmem:$0x11000] =	vst v63  }
0x4e: {  	_ =	swait.ge [sflag:s4], $0x1000  }
0x4f: {  	[sflag:s4] =	ssyncset.done $0x0  }
0x50: {  	[sflag:s4] =	ssyncadd.s32 $0xFFFFF000  }
0x51: {  	[tilespmem:s7], [sflag:$0x1] =	stream.indirect.gather [hbm4b:s5+s6], $0x40, s2, s6, $0xb8;
	[tilespmem:$0x11000] =	vst v63  }
0x52: {  	_ = 	snop  }
0x53: {  	[tilespmem:s8], [sflag:$0x1] =	stream.indirect.gather [hbm4b:s5+s6], $0x40, s6, s6, $0xb8;
	[tilespmem:$0x11000] =	vst v63  }
0x54: {  	_ =	swait.ge [sflag:s9], $0x8000  }
0x55: {  	[sflag:s9] =	ssyncset.done $0x0  }
0x56: {  	[sflag:s9] =	ssyncadd.s32 $0xFFFF8000  }
0x57: {  	[hbm4b:s11+s2] =	stream.linear.scatter [tilespmem:s7], [sflag:$0x2], $0x8000, $0x38;
	[tilespmem:$0x11000] =	vst v63  }
0x58: {  	_ =	swait.ge [sflag:s10], $0x8000  }
0x59: {  	[sflag:s10] =	ssyncset.done $0x0  }
0x5a: {  	[sflag:s10] =	ssyncadd.s32 $0xFFFF8000  }
0x5b: {  	[tilespmem:s7], [sflag:$0x1] =	stream.indirect.gather [hbm4b:s5+s6], $0x40, s12, s6, $0xb8;
	[tilespmem:$0x11000] =	vst v63  }
0x5c: {  	_ =	swait.ge [sflag:s9], $0x8000  }
0x5d: {  	[sflag:s9] =	ssyncset.done $0x0  }
0x5e: {  	[sflag:s9] =	ssyncadd.s32 $0xFFFF8000  }
0x5f: {  	[hbm4b:s13+s2] =	stream.linear.scatter [tilespmem:s8], [sflag:$0x2], $0x8000, $0x38;
	[tilespmem:$0x11000] =	vst v63  }
0x60: {  	_ =	swait.ge [sflag:s10], $0x8000  }
0x61: {  	[sflag:s10] =	ssyncset.done $0x0  }
0x62: {  	[sflag:s10] =	ssyncadd.s32 $0xFFFF8000  }
0x63: {  	[tilespmem:s8], [sflag:$0x1] =	stream.indirect.gather [hbm4b:s5+s6], $0x40, s14, s6, $0xb8;
	[tilespmem:$0x11000] =	vst v63  }
0x64: {  	_ =	swait.ge [sflag:s9], $0x8000  }
0x65: {  	[sflag:s9] =	ssyncset.done $0x0  }
0x66: {  	[sflag:s9] =	ssyncadd.s32 $0xFFFF8000  }
0x67: {  	[hbm4b:s15+s2] =	stream.linear.scatter [tilespmem:s7], [sflag:$0x2], $0x8000, $0x38;
	[tilespmem:$0x11000] =	vst v63  }
0x68: {  	_ =	swait.ge [sflag:s10], $0x8000  }
0x69: {  	[sflag:s10] =	ssyncset.done $0x0  }
0x6a: {  	[sflag:s10] =	ssyncadd.s32 $0xFFFF8000  }
0x6b: {  	[tilespmem:s7], [sflag:$0x1] =	stream.indirect.gather [hbm4b:s5+s6], $0x40, s16, s6, $0xb8;
	[tilespmem:$0x11000] =	vst v63  }
0x6c: {  	_ =	swait.ge [sflag:s9], $0x8000  }
0x6d: {  	[sflag:s9] =	ssyncset.done $0x0  }
0x6e: {  	[sflag:s9] =	ssyncadd.s32 $0xFFFF8000  }
0x6f: {  	[hbm4b:s17+s2] =	stream.linear.scatter [tilespmem:s8], [sflag:$0x2], $0x8000, $0x38;
	[tilespmem:$0x11000] =	vst v63  }
0x70: {  	_ =	swait.ge [sflag:s10], $0x8000  }
0x71: {  	[sflag:s10] =	ssyncset.done $0x0  }
0x72: {  	[sflag:s10] =	ssyncadd.s32 $0xFFFF8000  }
0x73: {  	[tilespmem:s8], [sflag:$0x1] =	stream.indirect.gather [hbm4b:s5+s6], $0x40, s18, s6, $0xb8;
	[tilespmem:$0x11000] =	vst v63  }
0x74: {  	_ =	swait.ge [sflag:s9], $0x8000  }
0x75: {  	[sflag:s9] =	ssyncset.done $0x0  }
0x76: {  	[sflag:s9] =	ssyncadd.s32 $0xFFFF8000  }
0x77: {  	[hbm4b:s19+s2] =	stream.linear.scatter [tilespmem:s7], [sflag:$0x2], $0x8000, $0x38;
	[tilespmem:$0x11000] =	vst v63  }
0x78: {  	_ =	swait.ge [sflag:s10], $0x8000  }
0x79: {  	[sflag:s10] =	ssyncset.done $0x0  }
0x7a: {  	[sflag:s10] =	ssyncadd.s32 $0xFFFF8000  }
0x7b: {  	[tilespmem:s7], [sflag:$0x1] =	stream.indirect.gather [hbm4b:s5+s6], $0x40, s20, s6, $0xb8;
	[tilespmem:$0x11000] =	vst v63  }
0x7c: {  	_ =	swait.ge [sflag:s9], $0x8000  }
0x7d: {  	[sflag:s9] =	ssyncset.done $0x0  }
0x7e: {  	[sflag:s9] =	ssyncadd.s32 $0xFFFF8000  }
0x7f: {  	[hbm4b:s21+s2] =	stream.linear.scatter [tilespmem:s8], [sflag:$0x2], $0x8000, $0x38;
	[tilespmem:$0x11000] =	vst v63  }
0x80: {  	_ =	swait.ge [sflag:s10], $0x8000  }
0x81: {  	[sflag:s10] =	ssyncset.done $0x0  }
0x82: {  	[sflag:s10] =	ssyncadd.s32 $0xFFFF8000  }
0x83: {  	[tilespmem:s8], [sflag:$0x1] =	stream.indirect.gather [hbm4b:s5+s6], $0x40, s22, s6, $0xb8;
	[tilespmem:$0x11000] =	vst v63  }
0x84: {  	_ =	swait.ge [sflag:s9], $0x8000  }
0x85: {  	[sflag:s9] =	ssyncset.done $0x0  }
0x86: {  	[sflag:s9] =	ssyncadd.s32 $0xFFFF8000  }
0x87: {  	[hbm4b:s23+s2] =	stream.linear.scatter [tilespmem:s7], [sflag:$0x2], $0x8000, $0x38;
	[tilespmem:$0x11000] =	vst v63  }
0x88: {  	_ =	swait.ge [sflag:s9], $0x8000  }
0x89: {  	[sflag:s9] =	ssyncset.done $0x0  }
0x8a: {  	[sflag:s9] =	ssyncadd.s32 $0xFFFF8000  }
0x8b: {  	[hbm4b:s24+s2] =	stream.linear.scatter [tilespmem:s8], [sflag:$0x2], $0x8000, $0x38;
	[tilespmem:$0x11000] =	vst v63  }
.Ltmp1:
0x8c: {  	_ =	swait.ge [sflag:s10], $0x8000;
	(pc) =	sbr.rel @p0 .LBB2_1-.Ltmp1, $4  }
0x8d: {  	[sflag:s10] =	ssyncset.done $0x0  }
0x8e: {  	[sflag:s10] =	ssyncadd.s32 $0xFFFF8000  }
0x8f: {  	_ =	swait.ge [sflag:s10], $0x8000  }
0x90: {  	[sflag:s10] =	ssyncset.done $0x0  }
.LBB2_2:
0x91: {  	[sflag:s10] =	ssyncadd.s32 $0xFFFF8000  }
0x92: {  	_ =	sfence.sel $0x180000  }
0x93: {  	[bflag:$0x0] =	sbarrier.arrive $0xFFFF  }
0x94: {  	p0 =	sne.s32 s0, $0x0;
	_ =	strace $0x90000047  }
0x95: {  	s0 =	sadd.s32 @!p0 $0x100000, s1;
	[bflag:$0x2] =	sbarrier.arrive $0xFFFF  }
0x96: {  	[sflag:s0] =	ssyncadd.tile.s32 @!p0 $0x1;
	_ =	shalt  }
.Lfunc_end2:
_tile_overlayer_lowered:
.L_overlay_start_2:
0x97: {  	(tag) =	ssettag $0x2  }
0x98: {  	s0 =	rddreg [dreg:$0x0];
	s2 =	stileid.u32  }
0x99: {  	s1 =	rddreg [dreg:$0x1];
	p0 =	sne.s32 s2, $0x0  }
0x9a: {  	s3 =	rddreg [dreg:$0x2];
	[bflag:$0x3] =	sbarrier.arrive $0xFFFF;
	s2 =	simm.s32 @!p0 $0x1C03  }
0x9b: {  	[timem:s3], [sflag:s2] =	dma.local @!p0 [hbm:s0], s1  }
0x9c: {  	s0 =	simm.s32 @!p0 $0x3  }
0x9d: {  	_ =	swait.ge @!p0 [sflag:s0], s1  }
0x9e: {  	s1 =	ssub.s32 @!p0 $0x0, s1;
	[sflag:s0] =	ssyncset.done @!p0 $0x0  }
0x9f: {  	[sflag:s0] =	ssyncadd.s32 @!p0 s1  }
0xa0: {  	[bflag:$0x3] =	sbarrier.arrive $0xFFFF  }
0xa1: {  	_ =	shalt  }

</sc_bundles>
